<compile_context>
chip_gen: v7x
topology: tpu7x:2x2x1
jax: 0.10.2.dev20260603
libtpu: 0.0.44.dev20260713+nightly
codegen_flags: <defaults>
</compile_context>

<pallas_src>
import functools

import jax
import jax.numpy as jnp
from jax import lax
from jax.experimental import pallas as pl
from jax.experimental.pallas import tpu as pltpu
from jax.experimental.pallas import tpu_sc as plsc

N = 10000
E = 320000
D = 128
NC = 2
NS = 16
NW = NC * NS

CHUNK = 128
PCHUNKS = 2560
CPW = PCHUNKS // NW
PAIRS = CPW // 2
E_PAD = PCHUNKS * CHUNK

N_PAD = 10112
ROWS_TILE = N_PAD // NS
OUT_LAST = N - ROWS_TILE * (NS - 1)
N_DEG = 10240
DEG_SLICE = N_DEG // NS


def _make_sc_agg(with_deg):
    if with_deg:
        out_type = (jax.ShapeDtypeStruct((NC, N, D), jnp.float32),
                    jax.ShapeDtypeStruct((NC, 1, N_DEG), jnp.float32))
    else:
        out_type = jax.ShapeDtypeStruct((NC, N, D), jnp.float32)

    scratch = [
        pltpu.VMEM((CHUNK, D), jnp.float32),
        pltpu.VMEM((CHUNK, D), jnp.float32),
        pltpu.VMEM((CHUNK,), jnp.int32),
        pltpu.VMEM((CHUNK,), jnp.int32),
        pltpu.VMEM((CHUNK,), jnp.int32),
        pltpu.VMEM((CHUNK,), jnp.int32),
        pltpu.VMEM((CHUNK,), jnp.int32),
        pltpu.VMEM((CHUNK,), jnp.int32),
        pltpu.VMEM((CHUNK,), jnp.int32),
        pltpu.VMEM((CHUNK,), jnp.int32),
        pltpu.VMEM_SHARED((N_PAD, D), jnp.float32),
        pltpu.SemaphoreType.DMA,
        pltpu.SemaphoreType.DMA,
        pltpu.SemaphoreType.DMA,
        pltpu.SemaphoreType.DMA,
        pltpu.SemaphoreType.DMA,
        pltpu.SemaphoreType.DMA,
    ]
    if with_deg:
        scratch += [
            pltpu.VMEM((CHUNK,), jnp.float32),
            pltpu.VMEM((DEG_SLICE,), jnp.float32),
            pltpu.VMEM_SHARED((N_DEG,), jnp.float32),
        ]

    mesh = plsc.VectorSubcoreMesh(core_axis_name="c", subcore_axis_name="s")

    @functools.partial(pl.kernel, out_type=out_type, mesh=mesh,
                       scratch_types=scratch)
    def sc_agg(*refs):
        if with_deg:
            (h_hbm, src_hbm, dst_hbm, agg_hbm, deg_hbm,
             rb0, rb1, s0, d0, s1, d1, s2, d2, s3, d3, agg_sh,
             gsem0, gsem1, semi0, semi1, semi2, semi3,
             onesbuf, zdbuf, deg_sh) = refs
        else:
            (h_hbm, src_hbm, dst_hbm, agg_hbm,
             rb0, rb1, s0, d0, s1, d1, s2, d2, s3, d3, agg_sh,
             gsem0, gsem1, semi0, semi1, semi2, semi3) = refs
        isets = [(s0, d0, semi0), (s1, d1, semi1),
                 (s2, d2, semi2), (s3, d3, semi3)]

        c = lax.axis_index("c")
        s = lax.axis_index("s")
        wid = s * NC + c
        base = wid * CPW

        def idx_load(j, sbuf, dbuf, semx):
            off = (base + j) * CHUNK
            pltpu.async_copy(src_hbm.at[pl.ds(off, CHUNK)], sbuf, semx)
            pltpu.async_copy(dst_hbm.at[pl.ds(off, CHUNK)], dbuf, semx)

        def idx_wait(j, sbuf, dbuf, semx):
            off = (base + j) * CHUNK
            pltpu.make_async_copy(src_hbm.at[pl.ds(off, CHUNK)], sbuf, semx).wait()
            pltpu.make_async_copy(dst_hbm.at[pl.ds(off, CHUNK)], dbuf, semx).wait()

        for j in range(4):
            idx_load(j, *isets[j])

        zv = jnp.zeros((16,), jnp.float32)

        def zrow(r, carry):
            for j in range(D // 16):
                rb0[r, pl.ds(j * 16, 16)] = zv
            return carry

        lax.fori_loop(0, CHUNK, zrow, 0)

        if with_deg:
            ov = jnp.ones((16,), jnp.float32)
            for j in range(CHUNK // 16):
                onesbuf[pl.ds(j * 16, 16)] = ov
            for j in range(DEG_SLICE // 16):
                zdbuf[pl.ds(j * 16, 16)] = zv

        full, rem = ROWS_TILE // CHUNK, ROWS_TILE % CHUNK
        for k in range(full):
            pltpu.sync_copy(rb0, agg_sh.at[pl.ds(s * ROWS_TILE + k * CHUNK, CHUNK), :])
        if rem:
            pltpu.sync_copy(rb0.at[pl.ds(0, rem), :],
                            agg_sh.at[pl.ds(s * ROWS_TILE + full * CHUNK, rem), :])
        if with_deg:
            pltpu.sync_copy(zdbuf, deg_sh.at[pl.ds(s * DEG_SLICE, DEG_SLICE)])

        rbs = [rb0, rb1]
        gsems = [gsem0, gsem1]
        idx_wait(0, *isets[0])
        pltpu.async_copy(h_hbm.at[s0], rb0, gsem0)
        idx_wait(1, *isets[1])
        pltpu.async_copy(h_hbm.at[s1], rb1, gsem1)

        plsc.subcore_barrier()

        def quad(q, carry):
            c0 = 4 * q
            for k in range(4):
                ck = c0 + k
                sk, dk, semk = isets[k]
                rbk = rbs[k % 2]
                gsk = gsems[k % 2]
                pltpu.make_async_copy(h_hbm.at[sk], rbk, gsk).wait()
                pltpu.sync_copy(rbk, agg_sh.at[dk], add=True)
                if with_deg:
                    pltpu.sync_copy(onesbuf, deg_sh.at[dk], add=True)

                @pl.when(ck + 2 < CPW)
                def _():
                    sn, dn, semn = isets[(k + 2) % 4]
                    idx_wait(ck + 2, sn, dn, semn)
                    pltpu.async_copy(h_hbm.at[sn], rbk, gsk)

                @pl.when(ck + 4 < CPW)
                def _():
                    idx_load(ck + 4, sk, dk, semk)
            return carry

        lax.fori_loop(0, CPW // 4, quad, 0)

        plsc.subcore_barrier()

        @pl.when(s < NS - 1)
        def _():
            pltpu.sync_copy(agg_sh.at[pl.ds(s * ROWS_TILE, ROWS_TILE), :],
                            agg_hbm.at[c, pl.ds(s * ROWS_TILE, ROWS_TILE), :])

        @pl.when(s == NS - 1)
        def _():
            pltpu.sync_copy(agg_sh.at[pl.ds((NS - 1) * ROWS_TILE, OUT_LAST), :],
                            agg_hbm.at[c, pl.ds((NS - 1) * ROWS_TILE, OUT_LAST), :])

        if with_deg:
            pltpu.sync_copy(deg_sh.at[pl.ds(s * DEG_SLICE, DEG_SLICE)],
                            deg_hbm.at[c, 0, pl.ds(s * DEG_SLICE, DEG_SLICE)])

    return sc_agg


@functools.lru_cache(maxsize=None)
def _get_sc_agg(with_deg):
    return _make_sc_agg(with_deg)


RB = 1000
GRID = N // RB


def _combine_body(act, h_ref, agg_ref, deg_ref, ws_ref, wn_ref, b_ref, o_ref):
    deg = jnp.sum(deg_ref[...], axis=(0, 1))
    inv = (1.0 / jnp.maximum(deg, 1.0))[:, None]
    agg = agg_ref[0] + agg_ref[1]
    out = jnp.dot(h_ref[...], ws_ref[...], preferred_element_type=jnp.float32)
    out = out + jnp.dot(agg * inv, wn_ref[...], preferred_element_type=jnp.float32)
    out = out + b_ref[...]
    if act:
        out = jnp.maximum(out, 0.0)
    o_ref[...] = out


def _combine(h, agg2, deg_r, Ws, Wn, b, act):
    return pl.pallas_call(
        functools.partial(_combine_body, act),
        out_shape=jax.ShapeDtypeStruct((N, D), jnp.float32),
        grid=(GRID,),
        in_specs=[
            pl.BlockSpec((RB, D), lambda i: (i, 0)),
            pl.BlockSpec((NC, RB, D), lambda i: (0, i, 0)),
            pl.BlockSpec((1, NC, RB), lambda i: (i, 0, 0)),
            pl.BlockSpec((D, D), lambda i: (0, 0)),
            pl.BlockSpec((D, D), lambda i: (0, 0)),
            pl.BlockSpec((1, D), lambda i: (0, 0)),
        ],
        out_specs=pl.BlockSpec((RB, D), lambda i: (i, 0)),
    )(h, agg2, deg_r, Ws, Wn, b)


def kernel(features, edge_index, Wself0, Wneigh0, b0, Wself1, Wneigh1, b1,
           Wself2, Wneigh2, b2):
    src = edge_index[0]
    dst = edge_index[1]
    pad = E_PAD - E
    ar = jnp.arange(pad, dtype=src.dtype)
    src_p = jnp.concatenate([src, ar % N])
    dst_p = jnp.concatenate([dst, N + ar % (N_PAD - N)])

    agg0, deg2 = _get_sc_agg(True)(features, src_p, dst_p)
    deg_r = deg2[:, 0, :N].reshape(NC, GRID, RB).transpose(1, 0, 2)

    h1 = _combine(features, agg0, deg_r, Wself0, Wneigh0, b0.reshape(1, D), True)
    agg1 = _get_sc_agg(False)(h1, src_p, dst_p)
    h2 = _combine(h1, agg1, deg_r, Wself1, Wneigh1, b1.reshape(1, D), True)
    agg2 = _get_sc_agg(False)(h2, src_p, dst_p)
    h3 = _combine(h2, agg2, deg_r, Wself2, Wneigh2, b2.reshape(1, D), False)
    return h3

# --- scband reference (transcript-rebuilt; emitter-appended) ---
"""Pipeline reference for scband-graph-sagemodel-54443005444676 (READ-ONLY COPY).

The authoritative reference and input builder live on the scoring server;
editing this copy changes nothing except your own understanding.
"""

import jax, jax.numpy as jnp
import numpy as np

N, E, D = 10000, 320000, 128

def setup_inputs(seed: int = 0) -> dict:
    key = jax.random.key(seed)
    ks = jax.random.split(key, 12)
    features = jax.random.normal(ks[0], (N, D), dtype=jnp.float32)
    edge_index = jax.random.randint(ks[1], (2, E), 0, N)
    s = 1.0 / np.sqrt(D)
    params = {}
    for i in range(3):
        params[f'Wself{i}'] = jax.random.normal(ks[2 + 3 * i], (D, D), dtype=jnp.float32) * s
        params[f'Wneigh{i}'] = jax.random.normal(ks[3 + 3 * i], (D, D), dtype=jnp.float32) * s
        params[f'b{i}'] = jnp.zeros((D,), dtype=jnp.float32)
    return {'features': features, 'edge_index': edge_index, **params}


def _sage_layer(h, edge_index, Wself, Wneigh, b, activation):
    src = edge_index[0]
    dst = edge_index[1]
    n = h.shape[0]
    msgs = jnp.take(h, src, axis=0)
    agg = jax.ops.segment_sum(msgs, dst, num_segments=n)
    deg = jax.ops.segment_sum(jnp.ones((edge_index.shape[1],), h.dtype), dst, num_segments=n)
    h_neigh = agg / jnp.maximum(deg, 1.0)[:, None]
    out = h @ Wself + h_neigh @ Wneigh + b
    if activation:
        out = jax.nn.relu(out)
    return out


def reference(features, edge_index, Wself0, Wneigh0, b0, Wself1, Wneigh1, b1, Wself2, Wneigh2, b2):
    h = _sage_layer(features, edge_index, Wself0, Wneigh0, b0, True)
    h = _sage_layer(h, edge_index, Wself1, Wneigh1, b1, True)
    h = _sage_layer(h, edge_index, Wself2, Wneigh2, b2, False)
    return h

if __name__ == "__main__":
    import jax
    _d = setup_inputs()
    print(jax.jit(kernel)(*tuple(_d.values())))

</pallas_src>

<mosaic_0001>
#map = affine_map<(d0, d1) -> (0, 0)>
#map1 = affine_map<(d0, d1) -> (0)>
#map2 = affine_map<(d0, d1) -> (0, 0, 0)>
module attributes {stable_mosaic.version = 14 : i64} {
  func.func @sc_agg(%arg0: i32, %arg1: i32, %arg2: memref<10000x128xf32, #tpu.memory_space<hbm>>, %arg3: memref<327680xi32, #tpu.memory_space<hbm>>, %arg4: memref<327680xi32, #tpu.memory_space<hbm>>, %arg5: memref<2x10000x128xf32, #tpu.memory_space<hbm>>, %arg6: memref<2x1x10240xf32, #tpu.memory_space<hbm>>, %arg7: memref<128x128xf32, #tpu.memory_space<vmem>>, %arg8: memref<128x128xf32, #tpu.memory_space<vmem>>, %arg9: memref<128xi32, #tpu.memory_space<vmem>>, %arg10: memref<128xi32, #tpu.memory_space<vmem>>, %arg11: memref<128xi32, #tpu.memory_space<vmem>>, %arg12: memref<128xi32, #tpu.memory_space<vmem>>, %arg13: memref<128xi32, #tpu.memory_space<vmem>>, %arg14: memref<128xi32, #tpu.memory_space<vmem>>, %arg15: memref<128xi32, #tpu.memory_space<vmem>>, %arg16: memref<128xi32, #tpu.memory_space<vmem>>, %arg17: memref<10112x128xf32, #tpu.memory_space<vmem_shared>>, %arg18: memref<!tpu.dma_semaphore, #tpu.memory_space<semaphore_mem>>, %arg19: memref<!tpu.dma_semaphore, #tpu.memory_space<semaphore_mem>>, %arg20: memref<!tpu.dma_semaphore, #tpu.memory_space<semaphore_mem>>, %arg21: memref<!tpu.dma_semaphore, #tpu.memory_space<semaphore_mem>>, %arg22: memref<!tpu.dma_semaphore, #tpu.memory_space<semaphore_mem>>, %arg23: memref<!tpu.dma_semaphore, #tpu.memory_space<semaphore_mem>>, %arg24: memref<128xf32, #tpu.memory_space<vmem>>, %arg25: memref<640xf32, #tpu.memory_space<vmem>>, %arg26: memref<10240xf32, #tpu.memory_space<vmem_shared>>) attributes {dimension_semantics = [#tpu.dimension_semantics<core_parallel>, #tpu.dimension_semantics<subcore_parallel>], iteration_bounds = array<i64: 2, 16>, scalar_prefetch = 0 : i64, scratch_operands = 20 : i64, tpu.core_type = #tpu.core_type<sc_vector_subcore>, window_params = [{transform_indices = #map}, {transform_indices = #map1}, {transform_indices = #map1}, {transform_indices = #map2}, {transform_indices = #map2}]} {
    %mul3A = arith.constant 2 : i32
    %mul3A_0 = arith.muli %arg1, %mul3A : i32
    %add3A = arith.addi %mul3A_0, %arg0 : i32
    %mul3A_1 = arith.constant 80 : i32
    %mul3A_2 = arith.muli %add3A, %mul3A_1 : i32
    %add3A_3 = arith.constant 0 : i32
    %add3A_4 = arith.addi %mul3A_2, %add3A_3 : i32
    %mul3A_5 = arith.constant 128 : i32
    %mul3A_6 = arith.muli %add3A_4, %mul3A_5 : i32
    %dma_start3A = tpu.memref_slice %arg3[%mul3A_6] : memref<327680xi32, #tpu.memory_space<hbm>> -> memref<128xi32, #tpu.memory_space<hbm>>
    %dma_start3A_7 = tpu.memref_slice %arg3[%mul3A_6] : memref<327680xi32, #tpu.memory_space<hbm>> -> memref<128xi32, #tpu.memory_space<hbm>>
    tpu.enqueue_dma source(%dma_start3A_7 : memref<128xi32, #tpu.memory_space<hbm>>) target(%arg9 : memref<128xi32, #tpu.memory_space<vmem>>) target_semaphore(%arg20 : memref<!tpu.dma_semaphore, #tpu.memory_space<semaphore_mem>>)
    %dma_start3A_8 = tpu.memref_slice %arg4[%mul3A_6] : memref<327680xi32, #tpu.memory_space<hbm>> -> memref<128xi32, #tpu.memory_space<hbm>>
    %dma_start3A_9 = tpu.memref_slice %arg4[%mul3A_6] : memref<327680xi32, #tpu.memory_space<hbm>> -> memref<128xi32, #tpu.memory_space<hbm>>
    tpu.enqueue_dma source(%dma_start3A_9 : memref<128xi32, #tpu.memory_space<hbm>>) target(%arg10 : memref<128xi32, #tpu.memory_space<vmem>>) target_semaphore(%arg20 : memref<!tpu.dma_semaphore, #tpu.memory_space<semaphore_mem>>)
    %add3A_10 = arith.constant 1 : i32
    %add3A_11 = arith.addi %mul3A_2, %add3A_10 : i32
    %mul3A_12 = arith.constant 128 : i32
    %mul3A_13 = arith.muli %add3A_11, %mul3A_12 : i32
    %dma_start3A_14 = tpu.memref_slice %arg3[%mul3A_13] : memref<327680xi32, #tpu.memory_space<hbm>> -> memref<128xi32, #tpu.memory_space<hbm>>
    %dma_start3A_15 = tpu.memref_slice %arg3[%mul3A_13] : memref<327680xi32, #tpu.memory_space<hbm>> -> memref<128xi32, #tpu.memory_space<hbm>>
    tpu.enqueue_dma source(%dma_start3A_15 : memref<128xi32, #tpu.memory_space<hbm>>) target(%arg11 : memref<128xi32, #tpu.memory_space<vmem>>) target_semaphore(%arg21 : memref<!tpu.dma_semaphore, #tpu.memory_space<semaphore_mem>>)
    %dma_start3A_16 = tpu.memref_slice %arg4[%mul3A_13] : memref<327680xi32, #tpu.memory_space<hbm>> -> memref<128xi32, #tpu.memory_space<hbm>>
    %dma_start3A_17 = tpu.memref_slice %arg4[%mul3A_13] : memref<327680xi32, #tpu.memory_space<hbm>> -> memref<128xi32, #tpu.memory_space<hbm>>
    tpu.enqueue_dma source(%dma_start3A_17 : memref<128xi32, #tpu.memory_space<hbm>>) target(%arg12 : memref<128xi32, #tpu.memory_space<vmem>>) target_semaphore(%arg21 : memref<!tpu.dma_semaphore, #tpu.memory_space<semaphore_mem>>)
    %add3A_18 = arith.constant 2 : i32
    %add3A_19 = arith.addi %mul3A_2, %add3A_18 : i32
    %mul3A_20 = arith.constant 128 : i32
    %mul3A_21 = arith.muli %add3A_19, %mul3A_20 : i32
    %dma_start3A_22 = tpu.memref_slice %arg3[%mul3A_21] : memref<327680xi32, #tpu.memory_space<hbm>> -> memref<128xi32, #tpu.memory_space<hbm>>
    %dma_start3A_23 = tpu.memref_slice %arg3[%mul3A_21] : memref<327680xi32, #tpu.memory_space<hbm>> -> memref<128xi32, #tpu.memory_space<hbm>>
    tpu.enqueue_dma source(%dma_start3A_23 : memref<128xi32, #tpu.memory_space<hbm>>) target(%arg13 : memref<128xi32, #tpu.memory_space<vmem>>) target_semaphore(%arg22 : memref<!tpu.dma_semaphore, #tpu.memory_space<semaphore_mem>>)
    %dma_start3A_24 = tpu.memref_slice %arg4[%mul3A_21] : memref<327680xi32, #tpu.memory_space<hbm>> -> memref<128xi32, #tpu.memory_space<hbm>>
    %dma_start3A_25 = tpu.memref_slice %arg4[%mul3A_21] : memref<327680xi32, #tpu.memory_space<hbm>> -> memref<128xi32, #tpu.memory_space<hbm>>
    tpu.enqueue_dma source(%dma_start3A_25 : memref<128xi32, #tpu.memory_space<hbm>>) target(%arg14 : memref<128xi32, #tpu.memory_space<vmem>>) target_semaphore(%arg22 : memref<!tpu.dma_semaphore, #tpu.memory_space<semaphore_mem>>)
    %add3A_26 = arith.constant 3 : i32
    %add3A_27 = arith.addi %mul3A_2, %add3A_26 : i32
    %mul3A_28 = arith.constant 128 : i32
    %mul3A_29 = arith.muli %add3A_27, %mul3A_28 : i32
    %dma_start3A_30 = tpu.memref_slice %arg3[%mul3A_29] : memref<327680xi32, #tpu.memory_space<hbm>> -> memref<128xi32, #tpu.memory_space<hbm>>
    %dma_start3A_31 = tpu.memref_slice %arg3[%mul3A_29] : memref<327680xi32, #tpu.memory_space<hbm>> -> memref<128xi32, #tpu.memory_space<hbm>>
    tpu.enqueue_dma source(%dma_start3A_31 : memref<128xi32, #tpu.memory_space<hbm>>) target(%arg15 : memref<128xi32, #tpu.memory_space<vmem>>) target_semaphore(%arg23 : memref<!tpu.dma_semaphore, #tpu.memory_space<semaphore_mem>>)
    %dma_start3A_32 = tpu.memref_slice %arg4[%mul3A_29] : memref<327680xi32, #tpu.memory_space<hbm>> -> memref<128xi32, #tpu.memory_space<hbm>>
    %dma_start3A_33 = tpu.memref_slice %arg4[%mul3A_29] : memref<327680xi32, #tpu.memory_space<hbm>> -> memref<128xi32, #tpu.memory_space<hbm>>
    tpu.enqueue_dma source(%dma_start3A_33 : memref<128xi32, #tpu.memory_space<hbm>>) target(%arg16 : memref<128xi32, #tpu.memory_space<vmem>>) target_semaphore(%arg23 : memref<!tpu.dma_semaphore, #tpu.memory_space<semaphore_mem>>)
    %broadcast_in_dim3A = arith.constant 0.000000e+00 : f32
    %broadcast_in_dim3A_34 = vector.broadcast %broadcast_in_dim3A : f32 to vector<16xf32>
    %scan3A = arith.constant 0 : i32
    %scan3A_35 = arith.constant 0 : i32
    %scan3A_36 = arith.constant 128 : i32
    %scan3A_37 = arith.addi %scan3A_35, %scan3A_36 : i32
    %scan3A_38 = arith.constant 1 : i32
    scf.for %scan3A_293 = %scan3A_35 to %scan3A_37 step %scan3A_38  : i32 {
      %swap3A_294 = arith.index_cast %scan3A_293 : i32 to index
      %swap3A_295 = arith.constant 0 : index
      %swap3A_296 = tpu.vector_load %arg7[%swap3A_294, %swap3A_295] {strides = array<i32>} : memref<128x128xf32, #tpu.memory_space<vmem>>, vector<1x16xf32>,
      %swap3A_297 = vector.shape_cast %swap3A_296 : vector<1x16xf32> to vector<16xf32>
      %swap3A_298 = vector.shape_cast %broadcast_in_dim3A_34 : vector<16xf32> to vector<1x16xf32>
      tpu.vector_store %arg7[%swap3A_294, %swap3A_295], %swap3A_298 {strides = array<i32>} : memref<128x128xf32, #tpu.memory_space<vmem>>, vector<1x16xf32>,
      %swap3A_299 = arith.index_cast %scan3A_293 : i32 to index
      %swap3A_300 = arith.constant 16 : index
      %swap3A_301 = tpu.vector_load %arg7[%swap3A_299, %swap3A_300] {strides = array<i32>} : memref<128x128xf32, #tpu.memory_space<vmem>>, vector<1x16xf32>,
      %swap3A_302 = vector.shape_cast %swap3A_301 : vector<1x16xf32> to vector<16xf32>
      %swap3A_303 = vector.shape_cast %broadcast_in_dim3A_34 : vector<16xf32> to vector<1x16xf32>
      tpu.vector_store %arg7[%swap3A_299, %swap3A_300], %swap3A_303 {strides = array<i32>} : memref<128x128xf32, #tpu.memory_space<vmem>>, vector<1x16xf32>,
      %swap3A_304 = arith.index_cast %scan3A_293 : i32 to index
      %swap3A_305 = arith.constant 32 : index
      %swap3A_306 = tpu.vector_load %arg7[%swap3A_304, %swap3A_305] {strides = array<i32>} : memref<128x128xf32, #tpu.memory_space<vmem>>, vector<1x16xf32>,
      %swap3A_307 = vector.shape_cast %swap3A_306 : vector<1x16xf32> to vector<16xf32>
      %swap3A_308 = vector.shape_cast %broadcast_in_dim3A_34 : vector<16xf32> to vector<1x16xf32>
      tpu.vector_store %arg7[%swap3A_304, %swap3A_305], %swap3A_308 {strides = array<i32>} : memref<128x128xf32, #tpu.memory_space<vmem>>, vector<1x16xf32>,
      %swap3A_309 = arith.index_cast %scan3A_293 : i32 to index
      %swap3A_310 = arith.constant 48 : index
      %swap3A_311 = tpu.vector_load %arg7[%swap3A_309, %swap3A_310] {strides = array<i32>} : memref<128x128xf32, #tpu.memory_space<vmem>>, vector<1x16xf32>,
      %swap3A_312 = vector.shape_cast %swap3A_311 : vector<1x16xf32> to vector<16xf32>
      %swap3A_313 = vector.shape_cast %broadcast_in_dim3A_34 : vector<16xf32> to vector<1x16xf32>
      tpu.vector_store %arg7[%swap3A_309, %swap3A_310], %swap3A_313 {strides = array<i32>} : memref<128x128xf32, #tpu.memory_space<vmem>>, vector<1x16xf32>,
      %swap3A_314 = arith.index_cast %scan3A_293 : i32 to index
      %swap3A_315 = arith.constant 64 : index
      %swap3A_316 = tpu.vector_load %arg7[%swap3A_314, %swap3A_315] {strides = array<i32>} : memref<128x128xf32, #tpu.memory_space<vmem>>, vector<1x16xf32>,
      %swap3A_317 = vector.shape_cast %swap3A_316 : vector<1x16xf32> to vector<16xf32>
      %swap3A_318 = vector.shape_cast %broadcast_in_dim3A_34 : vector<16xf32> to vector<1x16xf32>
      tpu.vector_store %arg7[%swap3A_314, %swap3A_315], %swap3A_318 {strides = array<i32>} : memref<128x128xf32, #tpu.memory_space<vmem>>, vector<1x16xf32>,
      %swap3A_319 = arith.index_cast %scan3A_293 : i32 to index
      %swap3A_320 = arith.constant 80 : index
      %swap3A_321 = tpu.vector_load %arg7[%swap3A_319, %swap3A_320] {strides = array<i32>} : memref<128x128xf32, #tpu.memory_space<vmem>>, vector<1x16xf32>,
      %swap3A_322 = vector.shape_cast %swap3A_321 : vector<1x16xf32> to vector<16xf32>
      %swap3A_323 = vector.shape_cast %broadcast_in_dim3A_34 : vector<16xf32> to vector<1x16xf32>
      tpu.vector_store %arg7[%swap3A_319, %swap3A_320], %swap3A_323 {strides = array<i32>} : memref<128x128xf32, #tpu.memory_space<vmem>>, vector<1x16xf32>,
      %swap3A_324 = arith.index_cast %scan3A_293 : i32 to index
      %swap3A_325 = arith.constant 96 : index
      %swap3A_326 = tpu.vector_load %arg7[%swap3A_324, %swap3A_325] {strides = array<i32>} : memref<128x128xf32, #tpu.memory_space<vmem>>, vector<1x16xf32>,
      %swap3A_327 = vector.shape_cast %swap3A_326 : vector<1x16xf32> to vector<16xf32>
      %swap3A_328 = vector.shape_cast %broadcast_in_dim3A_34 : vector<16xf32> to vector<1x16xf32>
      tpu.vector_store %arg7[%swap3A_324, %swap3A_325], %swap3A_328 {strides = array<i32>} : memref<128x128xf32, #tpu.memory_space<vmem>>, vector<1x16xf32>,
      %swap3A_329 = arith.index_cast %scan3A_293 : i32 to index
      %swap3A_330 = arith.constant 112 : index
      %swap3A_331 = tpu.vector_load %arg7[%swap3A_329, %swap3A_330] {strides = array<i32>} : memref<128x128xf32, #tpu.memory_space<vmem>>, vector<1x16xf32>,
      %swap3A_332 = vector.shape_cast %swap3A_331 : vector<1x16xf32> to vector<16xf32>
      %swap3A_333 = vector.shape_cast %broadcast_in_dim3A_34 : vector<16xf32> to vector<1x16xf32>
      tpu.vector_store %arg7[%swap3A_329, %swap3A_330], %swap3A_333 {strides = array<i32>} : memref<128x128xf32, #tpu.memory_space<vmem>>, vector<1x16xf32>,
    }
    %scan3A_39 = arith.constant 128 : i32
    %broadcast_in_dim3A_40 = arith.constant 1.000000e+00 : f32
    %broadcast_in_dim3A_41 = vector.broadcast %broadcast_in_dim3A_40 : f32 to vector<16xf32>
    %swap3A = arith.constant 0 : index
    %swap3A_42 = tpu.vector_load %arg24[%swap3A] {strides = array<i32>} : memref<128xf32, #tpu.memory_space<vmem>>, vector<16xf32>,
    %swap3A_43 = vector.shape_cast %swap3A_42 : vector<16xf32> to vector<16xf32>
    %swap3A_44 = vector.shape_cast %broadcast_in_dim3A_41 : vector<16xf32> to vector<16xf32>
    tpu.vector_store %arg24[%swap3A], %swap3A_44 {strides = array<i32>} : memref<128xf32, #tpu.memory_space<vmem>>, vector<16xf32>,
    %swap3A_45 = arith.constant 16 : index
    %swap3A_46 = tpu.vector_load %arg24[%swap3A_45] {strides = array<i32>} : memref<128xf32, #tpu.memory_space<vmem>>, vector<16xf32>,
    %swap3A_47 = vector.shape_cast %swap3A_46 : vector<16xf32> to vector<16xf32>
    %swap3A_48 = vector.shape_cast %broadcast_in_dim3A_41 : vector<16xf32> to vector<16xf32>
    tpu.vector_store %arg24[%swap3A_45], %swap3A_48 {strides = array<i32>} : memref<128xf32, #tpu.memory_space<vmem>>, vector<16xf32>,
    %swap3A_49 = arith.constant 32 : index
    %swap3A_50 = tpu.vector_load %arg24[%swap3A_49] {strides = array<i32>} : memref<128xf32, #tpu.memory_space<vmem>>, vector<16xf32>,
    %swap3A_51 = vector.shape_cast %swap3A_50 : vector<16xf32> to vector<16xf32>
    %swap3A_52 = vector.shape_cast %broadcast_in_dim3A_41 : vector<16xf32> to vector<16xf32>
    tpu.vector_store %arg24[%swap3A_49], %swap3A_52 {strides = array<i32>} : memref<128xf32, #tpu.memory_space<vmem>>, vector<16xf32>,
    %swap3A_53 = arith.constant 48 : index
    %swap3A_54 = tpu.vector_load %arg24[%swap3A_53] {strides = array<i32>} : memref<128xf32, #tpu.memory_space<vmem>>, vector<16xf32>,
    %swap3A_55 = vector.shape_cast %swap3A_54 : vector<16xf32> to vector<16xf32>
    %swap3A_56 = vector.shape_cast %broadcast_in_dim3A_41 : vector<16xf32> to vector<16xf32>
    tpu.vector_store %arg24[%swap3A_53], %swap3A_56 {strides = array<i32>} : memref<128xf32, #tpu.memory_space<vmem>>, vector<16xf32>,
    %swap3A_57 = arith.constant 64 : index
    %swap3A_58 = tpu.vector_load %arg24[%swap3A_57] {strides = array<i32>} : memref<128xf32, #tpu.memory_space<vmem>>, vector<16xf32>,
    %swap3A_59 = vector.shape_cast %swap3A_58 : vector<16xf32> to vector<16xf32>
    %swap3A_60 = vector.shape_cast %broadcast_in_dim3A_41 : vector<16xf32> to vector<16xf32>
    tpu.vector_store %arg24[%swap3A_57], %swap3A_60 {strides = array<i32>} : memref<128xf32, #tpu.memory_space<vmem>>, vector<16xf32>,
    %swap3A_61 = arith.constant 80 : index
    %swap3A_62 = tpu.vector_load %arg24[%swap3A_61] {strides = array<i32>} : memref<128xf32, #tpu.memory_space<vmem>>, vector<16xf32>,
    %swap3A_63 = vector.shape_cast %swap3A_62 : vector<16xf32> to vector<16xf32>
    %swap3A_64 = vector.shape_cast %broadcast_in_dim3A_41 : vector<16xf32> to vector<16xf32>
    tpu.vector_store %arg24[%swap3A_61], %swap3A_64 {strides = array<i32>} : memref<128xf32, #tpu.memory_space<vmem>>, vector<16xf32>,
    %swap3A_65 = arith.constant 96 : index
    %swap3A_66 = tpu.vector_load %arg24[%swap3A_65] {strides = array<i32>} : memref<128xf32, #tpu.memory_space<vmem>>, vector<16xf32>,
    %swap3A_67 = vector.shape_cast %swap3A_66 : vector<16xf32> to vector<16xf32>
    %swap3A_68 = vector.shape_cast %broadcast_in_dim3A_41 : vector<16xf32> to vector<16xf32>
    tpu.vector_store %arg24[%swap3A_65], %swap3A_68 {strides = array<i32>} : memref<128xf32, #tpu.memory_space<vmem>>, vector<16xf32>,
    %swap3A_69 = arith.constant 112 : index
    %swap3A_70 = tpu.vector_load %arg24[%swap3A_69] {strides = array<i32>} : memref<128xf32, #tpu.memory_space<vmem>>, vector<16xf32>,
    %swap3A_71 = vector.shape_cast %swap3A_70 : vector<16xf32> to vector<16xf32>
    %swap3A_72 = vector.shape_cast %broadcast_in_dim3A_41 : vector<16xf32> to vector<16xf32>
    tpu.vector_store %arg24[%swap3A_69], %swap3A_72 {strides = array<i32>} : memref<128xf32, #tpu.memory_space<vmem>>, vector<16xf32>,
    %swap3A_73 = arith.constant 0 : index
    %swap3A_74 = tpu.vector_load %arg25[%swap3A_73] {strides = array<i32>} : memref<640xf32, #tpu.memory_space<vmem>>, vector<16xf32>,
    %swap3A_75 = vector.shape_cast %swap3A_74 : vector<16xf32> to vector<16xf32>
    %swap3A_76 = vector.shape_cast %broadcast_in_dim3A_34 : vector<16xf32> to vector<16xf32>
    tpu.vector_store %arg25[%swap3A_73], %swap3A_76 {strides = array<i32>} : memref<640xf32, #tpu.memory_space<vmem>>, vector<16xf32>,
    %swap3A_77 = arith.constant 16 : index
    %swap3A_78 = tpu.vector_load %arg25[%swap3A_77] {strides = array<i32>} : memref<640xf32, #tpu.memory_space<vmem>>, vector<16xf32>,
    %swap3A_79 = vector.shape_cast %swap3A_78 : vector<16xf32> to vector<16xf32>
    %swap3A_80 = vector.shape_cast %broadcast_in_dim3A_34 : vector<16xf32> to vector<16xf32>
    tpu.vector_store %arg25[%swap3A_77], %swap3A_80 {strides = array<i32>} : memref<640xf32, #tpu.memory_space<vmem>>, vector<16xf32>,
    %swap3A_81 = arith.constant 32 : index
    %swap3A_82 = tpu.vector_load %arg25[%swap3A_81] {strides = array<i32>} : memref<640xf32, #tpu.memory_space<vmem>>, vector<16xf32>,
    %swap3A_83 = vector.shape_cast %swap3A_82 : vector<16xf32> to vector<16xf32>
    %swap3A_84 = vector.shape_cast %broadcast_in_dim3A_34 : vector<16xf32> to vector<16xf32>
    tpu.vector_store %arg25[%swap3A_81], %swap3A_84 {strides = array<i32>} : memref<640xf32, #tpu.memory_space<vmem>>, vector<16xf32>,
    %swap3A_85 = arith.constant 48 : index
    %swap3A_86 = tpu.vector_load %arg25[%swap3A_85] {strides = array<i32>} : memref<640xf32, #tpu.memory_space<vmem>>, vector<16xf32>,
    %swap3A_87 = vector.shape_cast %swap3A_86 : vector<16xf32> to vector<16xf32>
    %swap3A_88 = vector.shape_cast %broadcast_in_dim3A_34 : vector<16xf32> to vector<16xf32>
    tpu.vector_store %arg25[%swap3A_85], %swap3A_88 {strides = array<i32>} : memref<640xf32, #tpu.memory_space<vmem>>, vector<16xf32>,
    %swap3A_89 = arith.constant 64 : index
    %swap3A_90 = tpu.vector_load %arg25[%swap3A_89] {strides = array<i32>} : memref<640xf32, #tpu.memory_space<vmem>>, vector<16xf32>,
    %swap3A_91 = vector.shape_cast %swap3A_90 : vector<16xf32> to vector<16xf32>
    %swap3A_92 = vector.shape_cast %broadcast_in_dim3A_34 : vector<16xf32> to vector<16xf32>
    tpu.vector_store %arg25[%swap3A_89], %swap3A_92 {strides = array<i32>} : memref<640xf32, #tpu.memory_space<vmem>>, vector<16xf32>,
    %swap3A_93 = arith.constant 80 : index
    %swap3A_94 = tpu.vector_load %arg25[%swap3A_93] {strides = array<i32>} : memref<640xf32, #tpu.memory_space<vmem>>, vector<16xf32>,
    %swap3A_95 = vector.shape_cast %swap3A_94 : vector<16xf32> to vector<16xf32>
    %swap3A_96 = vector.shape_cast %broadcast_in_dim3A_34 : vector<16xf32> to vector<16xf32>
    tpu.vector_store %arg25[%swap3A_93], %swap3A_96 {strides = array<i32>} : memref<640xf32, #tpu.memory_space<vmem>>, vector<16xf32>,
    %swap3A_97 = arith.constant 96 : index
    %swap3A_98 = tpu.vector_load %arg25[%swap3A_97] {strides = array<i32>} : memref<640xf32, #tpu.memory_space<vmem>>, vector<16xf32>,
    %swap3A_99 = vector.shape_cast %swap3A_98 : vector<16xf32> to vector<16xf32>
    %swap3A_100 = vector.shape_cast %broadcast_in_dim3A_34 : vector<16xf32> to vector<16xf32>
    tpu.vector_store %arg25[%swap3A_97], %swap3A_100 {strides = array<i32>} : memref<640xf32, #tpu.memory_space<vmem>>, vector<16xf32>,
    %swap3A_101 = arith.constant 112 : index
    %swap3A_102 = tpu.vector_load %arg25[%swap3A_101] {strides = array<i32>} : memref<640xf32, #tpu.memory_space<vmem>>, vector<16xf32>,
    %swap3A_103 = vector.shape_cast %swap3A_102 : vector<16xf32> to vector<16xf32>
    %swap3A_104 = vector.shape_cast %broadcast_in_dim3A_34 : vector<16xf32> to vector<16xf32>
    tpu.vector_store %arg25[%swap3A_101], %swap3A_104 {strides = array<i32>} : memref<640xf32, #tpu.memory_space<vmem>>, vector<16xf32>,
    %swap3A_105 = arith.constant 128 : index
    %swap3A_106 = tpu.vector_load %arg25[%swap3A_105] {strides = array<i32>} : memref<640xf32, #tpu.memory_space<vmem>>, vector<16xf32>,
    %swap3A_107 = vector.shape_cast %swap3A_106 : vector<16xf32> to vector<16xf32>
    %swap3A_108 = vector.shape_cast %broadcast_in_dim3A_34 : vector<16xf32> to vector<16xf32>
    tpu.vector_store %arg25[%swap3A_105], %swap3A_108 {strides = array<i32>} : memref<640xf32, #tpu.memory_space<vmem>>, vector<16xf32>,
    %swap3A_109 = arith.constant 144 : index
    %swap3A_110 = tpu.vector_load %arg25[%swap3A_109] {strides = array<i32>} : memref<640xf32, #tpu.memory_space<vmem>>, vector<16xf32>,
    %swap3A_111 = vector.shape_cast %swap3A_110 : vector<16xf32> to vector<16xf32>
    %swap3A_112 = vector.shape_cast %broadcast_in_dim3A_34 : vector<16xf32> to vector<16xf32>
    tpu.vector_store %arg25[%swap3A_109], %swap3A_112 {strides = array<i32>} : memref<640xf32, #tpu.memory_space<vmem>>, vector<16xf32>,
    %swap3A_113 = arith.constant 160 : index
    %swap3A_114 = tpu.vector_load %arg25[%swap3A_113] {strides = array<i32>} : memref<640xf32, #tpu.memory_space<vmem>>, vector<16xf32>,
    %swap3A_115 = vector.shape_cast %swap3A_114 : vector<16xf32> to vector<16xf32>
    %swap3A_116 = vector.shape_cast %broadcast_in_dim3A_34 : vector<16xf32> to vector<16xf32>
    tpu.vector_store %arg25[%swap3A_113], %swap3A_116 {strides = array<i32>} : memref<640xf32, #tpu.memory_space<vmem>>, vector<16xf32>,
    %swap3A_117 = arith.constant 176 : index
    %swap3A_118 = tpu.vector_load %arg25[%swap3A_117] {strides = array<i32>} : memref<640xf32, #tpu.memory_space<vmem>>, vector<16xf32>,
    %swap3A_119 = vector.shape_cast %swap3A_118 : vector<16xf32> to vector<16xf32>
    %swap3A_120 = vector.shape_cast %broadcast_in_dim3A_34 : vector<16xf32> to vector<16xf32>
    tpu.vector_store %arg25[%swap3A_117], %swap3A_120 {strides = array<i32>} : memref<640xf32, #tpu.memory_space<vmem>>, vector<16xf32>,
    %swap3A_121 = arith.constant 192 : index
    %swap3A_122 = tpu.vector_load %arg25[%swap3A_121] {strides = array<i32>} : memref<640xf32, #tpu.memory_space<vmem>>, vector<16xf32>,
    %swap3A_123 = vector.shape_cast %swap3A_122 : vector<16xf32> to vector<16xf32>
    %swap3A_124 = vector.shape_cast %broadcast_in_dim3A_34 : vector<16xf32> to vector<16xf32>
    tpu.vector_store %arg25[%swap3A_121], %swap3A_124 {strides = array<i32>} : memref<640xf32, #tpu.memory_space<vmem>>, vector<16xf32>,
    %swap3A_125 = arith.constant 208 : index
    %swap3A_126 = tpu.vector_load %arg25[%swap3A_125] {strides = array<i32>} : memref<640xf32, #tpu.memory_space<vmem>>, vector<16xf32>,
    %swap3A_127 = vector.shape_cast %swap3A_126 : vector<16xf32> to vector<16xf32>
    %swap3A_128 = vector.shape_cast %broadcast_in_dim3A_34 : vector<16xf32> to vector<16xf32>
    tpu.vector_store %arg25[%swap3A_125], %swap3A_128 {strides = array<i32>} : memref<640xf32, #tpu.memory_space<vmem>>, vector<16xf32>,
    %swap3A_129 = arith.constant 224 : index
    %swap3A_130 = tpu.vector_load %arg25[%swap3A_129] {strides = array<i32>} : memref<640xf32, #tpu.memory_space<vmem>>, vector<16xf32>,
    %swap3A_131 = vector.shape_cast %swap3A_130 : vector<16xf32> to vector<16xf32>
    %swap3A_132 = vector.shape_cast %broadcast_in_dim3A_34 : vector<16xf32> to vector<16xf32>
    tpu.vector_store %arg25[%swap3A_129], %swap3A_132 {strides = array<i32>} : memref<640xf32, #tpu.memory_space<vmem>>, vector<16xf32>,
    %swap3A_133 = arith.constant 240 : index
    %swap3A_134 = tpu.vector_load %arg25[%swap3A_133] {strides = array<i32>} : memref<640xf32, #tpu.memory_space<vmem>>, vector<16xf32>,
    %swap3A_135 = vector.shape_cast %swap3A_134 : vector<16xf32> to vector<16xf32>
    %swap3A_136 = vector.shape_cast %broadcast_in_dim3A_34 : vector<16xf32> to vector<16xf32>
    tpu.vector_store %arg25[%swap3A_133], %swap3A_136 {strides = array<i32>} : memref<640xf32, #tpu.memory_space<vmem>>, vector<16xf32>,
    %swap3A_137 = arith.constant 256 : index
    %swap3A_138 = tpu.vector_load %arg25[%swap3A_137] {strides = array<i32>} : memref<640xf32, #tpu.memory_space<vmem>>, vector<16xf32>,
    %swap3A_139 = vector.shape_cast %swap3A_138 : vector<16xf32> to vector<16xf32>
    %swap3A_140 = vector.shape_cast %broadcast_in_dim3A_34 : vector<16xf32> to vector<16xf32>
    tpu.vector_store %arg25[%swap3A_137], %swap3A_140 {strides = array<i32>} : memref<640xf32, #tpu.memory_space<vmem>>, vector<16xf32>,
    %swap3A_141 = arith.constant 272 : index
    %swap3A_142 = tpu.vector_load %arg25[%swap3A_141] {strides = array<i32>} : memref<640xf32, #tpu.memory_space<vmem>>, vector<16xf32>,
    %swap3A_143 = vector.shape_cast %swap3A_142 : vector<16xf32> to vector<16xf32>
    %swap3A_144 = vector.shape_cast %broadcast_in_dim3A_34 : vector<16xf32> to vector<16xf32>
    tpu.vector_store %arg25[%swap3A_141], %swap3A_144 {strides = array<i32>} : memref<640xf32, #tpu.memory_space<vmem>>, vector<16xf32>,
    %swap3A_145 = arith.constant 288 : index
    %swap3A_146 = tpu.vector_load %arg25[%swap3A_145] {strides = array<i32>} : memref<640xf32, #tpu.memory_space<vmem>>, vector<16xf32>,
    %swap3A_147 = vector.shape_cast %swap3A_146 : vector<16xf32> to vector<16xf32>
    %swap3A_148 = vector.shape_cast %broadcast_in_dim3A_34 : vector<16xf32> to vector<16xf32>
    tpu.vector_store %arg25[%swap3A_145], %swap3A_148 {strides = array<i32>} : memref<640xf32, #tpu.memory_space<vmem>>, vector<16xf32>,
    %swap3A_149 = arith.constant 304 : index
    %swap3A_150 = tpu.vector_load %arg25[%swap3A_149] {strides = array<i32>} : memref<640xf32, #tpu.memory_space<vmem>>, vector<16xf32>,
    %swap3A_151 = vector.shape_cast %swap3A_150 : vector<16xf32> to vector<16xf32>
    %swap3A_152 = vector.shape_cast %broadcast_in_dim3A_34 : vector<16xf32> to vector<16xf32>
    tpu.vector_store %arg25[%swap3A_149], %swap3A_152 {strides = array<i32>} : memref<640xf32, #tpu.memory_space<vmem>>, vector<16xf32>,
    %swap3A_153 = arith.constant 320 : index
    %swap3A_154 = tpu.vector_load %arg25[%swap3A_153] {strides = array<i32>} : memref<640xf32, #tpu.memory_space<vmem>>, vector<16xf32>,
    %swap3A_155 = vector.shape_cast %swap3A_154 : vector<16xf32> to vector<16xf32>
    %swap3A_156 = vector.shape_cast %broadcast_in_dim3A_34 : vector<16xf32> to vector<16xf32>
    tpu.vector_store %arg25[%swap3A_153], %swap3A_156 {strides = array<i32>} : memref<640xf32, #tpu.memory_space<vmem>>, vector<16xf32>,
    %swap3A_157 = arith.constant 336 : index
    %swap3A_158 = tpu.vector_load %arg25[%swap3A_157] {strides = array<i32>} : memref<640xf32, #tpu.memory_space<vmem>>, vector<16xf32>,
    %swap3A_159 = vector.shape_cast %swap3A_158 : vector<16xf32> to vector<16xf32>
    %swap3A_160 = vector.shape_cast %broadcast_in_dim3A_34 : vector<16xf32> to vector<16xf32>
    tpu.vector_store %arg25[%swap3A_157], %swap3A_160 {strides = array<i32>} : memref<640xf32, #tpu.memory_space<vmem>>, vector<16xf32>,
    %swap3A_161 = arith.constant 352 : index
    %swap3A_162 = tpu.vector_load %arg25[%swap3A_161] {strides = array<i32>} : memref<640xf32, #tpu.memory_space<vmem>>, vector<16xf32>,
    %swap3A_163 = vector.shape_cast %swap3A_162 : vector<16xf32> to vector<16xf32>
    %swap3A_164 = vector.shape_cast %broadcast_in_dim3A_34 : vector<16xf32> to vector<16xf32>
    tpu.vector_store %arg25[%swap3A_161], %swap3A_164 {strides = array<i32>} : memref<640xf32, #tpu.memory_space<vmem>>, vector<16xf32>,
    %swap3A_165 = arith.constant 368 : index
    %swap3A_166 = tpu.vector_load %arg25[%swap3A_165] {strides = array<i32>} : memref<640xf32, #tpu.memory_space<vmem>>, vector<16xf32>,
    %swap3A_167 = vector.shape_cast %swap3A_166 : vector<16xf32> to vector<16xf32>
    %swap3A_168 = vector.shape_cast %broadcast_in_dim3A_34 : vector<16xf32> to vector<16xf32>
    tpu.vector_store %arg25[%swap3A_165], %swap3A_168 {strides = array<i32>} : memref<640xf32, #tpu.memory_space<vmem>>, vector<16xf32>,
    %swap3A_169 = arith.constant 384 : index
    %swap3A_170 = tpu.vector_load %arg25[%swap3A_169] {strides = array<i32>} : memref<640xf32, #tpu.memory_space<vmem>>, vector<16xf32>,
    %swap3A_171 = vector.shape_cast %swap3A_170 : vector<16xf32> to vector<16xf32>
    %swap3A_172 = vector.shape_cast %broadcast_in_dim3A_34 : vector<16xf32> to vector<16xf32>
    tpu.vector_store %arg25[%swap3A_169], %swap3A_172 {strides = array<i32>} : memref<640xf32, #tpu.memory_space<vmem>>, vector<16xf32>,
    %swap3A_173 = arith.constant 400 : index
    %swap3A_174 = tpu.vector_load %arg25[%swap3A_173] {strides = array<i32>} : memref<640xf32, #tpu.memory_space<vmem>>, vector<16xf32>,
    %swap3A_175 = vector.shape_cast %swap3A_174 : vector<16xf32> to vector<16xf32>
    %swap3A_176 = vector.shape_cast %broadcast_in_dim3A_34 : vector<16xf32> to vector<16xf32>
    tpu.vector_store %arg25[%swap3A_173], %swap3A_176 {strides = array<i32>} : memref<640xf32, #tpu.memory_space<vmem>>, vector<16xf32>,
    %swap3A_177 = arith.constant 416 : index
    %swap3A_178 = tpu.vector_load %arg25[%swap3A_177] {strides = array<i32>} : memref<640xf32, #tpu.memory_space<vmem>>, vector<16xf32>,
    %swap3A_179 = vector.shape_cast %swap3A_178 : vector<16xf32> to vector<16xf32>
    %swap3A_180 = vector.shape_cast %broadcast_in_dim3A_34 : vector<16xf32> to vector<16xf32>
    tpu.vector_store %arg25[%swap3A_177], %swap3A_180 {strides = array<i32>} : memref<640xf32, #tpu.memory_space<vmem>>, vector<16xf32>,
    %swap3A_181 = arith.constant 432 : index
    %swap3A_182 = tpu.vector_load %arg25[%swap3A_181] {strides = array<i32>} : memref<640xf32, #tpu.memory_space<vmem>>, vector<16xf32>,
    %swap3A_183 = vector.shape_cast %swap3A_182 : vector<16xf32> to vector<16xf32>
    %swap3A_184 = vector.shape_cast %broadcast_in_dim3A_34 : vector<16xf32> to vector<16xf32>
    tpu.vector_store %arg25[%swap3A_181], %swap3A_184 {strides = array<i32>} : memref<640xf32, #tpu.memory_space<vmem>>, vector<16xf32>,
    %swap3A_185 = arith.constant 448 : index
    %swap3A_186 = tpu.vector_load %arg25[%swap3A_185] {strides = array<i32>} : memref<640xf32, #tpu.memory_space<vmem>>, vector<16xf32>,
    %swap3A_187 = vector.shape_cast %swap3A_186 : vector<16xf32> to vector<16xf32>
    %swap3A_188 = vector.shape_cast %broadcast_in_dim3A_34 : vector<16xf32> to vector<16xf32>
    tpu.vector_store %arg25[%swap3A_185], %swap3A_188 {strides = array<i32>} : memref<640xf32, #tpu.memory_space<vmem>>, vector<16xf32>,
    %swap3A_189 = arith.constant 464 : index
    %swap3A_190 = tpu.vector_load %arg25[%swap3A_189] {strides = array<i32>} : memref<640xf32, #tpu.memory_space<vmem>>, vector<16xf32>,
    %swap3A_191 = vector.shape_cast %swap3A_190 : vector<16xf32> to vector<16xf32>
    %swap3A_192 = vector.shape_cast %broadcast_in_dim3A_34 : vector<16xf32> to vector<16xf32>
    tpu.vector_store %arg25[%swap3A_189], %swap3A_192 {strides = array<i32>} : memref<640xf32, #tpu.memory_space<vmem>>, vector<16xf32>,
    %swap3A_193 = arith.constant 480 : index
    %swap3A_194 = tpu.vector_load %arg25[%swap3A_193] {strides = array<i32>} : memref<640xf32, #tpu.memory_space<vmem>>, vector<16xf32>,
    %swap3A_195 = vector.shape_cast %swap3A_194 : vector<16xf32> to vector<16xf32>
    %swap3A_196 = vector.shape_cast %broadcast_in_dim3A_34 : vector<16xf32> to vector<16xf32>
    tpu.vector_store %arg25[%swap3A_193], %swap3A_196 {strides = array<i32>} : memref<640xf32, #tpu.memory_space<vmem>>, vector<16xf32>,
    %swap3A_197 = arith.constant 496 : index
    %swap3A_198 = tpu.vector_load %arg25[%swap3A_197] {strides = array<i32>} : memref<640xf32, #tpu.memory_space<vmem>>, vector<16xf32>,
    %swap3A_199 = vector.shape_cast %swap3A_198 : vector<16xf32> to vector<16xf32>
    %swap3A_200 = vector.shape_cast %broadcast_in_dim3A_34 : vector<16xf32> to vector<16xf32>
    tpu.vector_store %arg25[%swap3A_197], %swap3A_200 {strides = array<i32>} : memref<640xf32, #tpu.memory_space<vmem>>, vector<16xf32>,
    %swap3A_201 = arith.constant 512 : index
    %swap3A_202 = tpu.vector_load %arg25[%swap3A_201] {strides = array<i32>} : memref<640xf32, #tpu.memory_space<vmem>>, vector<16xf32>,
    %swap3A_203 = vector.shape_cast %swap3A_202 : vector<16xf32> to vector<16xf32>
    %swap3A_204 = vector.shape_cast %broadcast_in_dim3A_34 : vector<16xf32> to vector<16xf32>
    tpu.vector_store %arg25[%swap3A_201], %swap3A_204 {strides = array<i32>} : memref<640xf32, #tpu.memory_space<vmem>>, vector<16xf32>,
    %swap3A_205 = arith.constant 528 : index
    %swap3A_206 = tpu.vector_load %arg25[%swap3A_205] {strides = array<i32>} : memref<640xf32, #tpu.memory_space<vmem>>, vector<16xf32>,
    %swap3A_207 = vector.shape_cast %swap3A_206 : vector<16xf32> to vector<16xf32>
    %swap3A_208 = vector.shape_cast %broadcast_in_dim3A_34 : vector<16xf32> to vector<16xf32>
    tpu.vector_store %arg25[%swap3A_205], %swap3A_208 {strides = array<i32>} : memref<640xf32, #tpu.memory_space<vmem>>, vector<16xf32>,
    %swap3A_209 = arith.constant 544 : index
    %swap3A_210 = tpu.vector_load %arg25[%swap3A_209] {strides = array<i32>} : memref<640xf32, #tpu.memory_space<vmem>>, vector<16xf32>,
    %swap3A_211 = vector.shape_cast %swap3A_210 : vector<16xf32> to vector<16xf32>
    %swap3A_212 = vector.shape_cast %broadcast_in_dim3A_34 : vector<16xf32> to vector<16xf32>
    tpu.vector_store %arg25[%swap3A_209], %swap3A_212 {strides = array<i32>} : memref<640xf32, #tpu.memory_space<vmem>>, vector<16xf32>,
    %swap3A_213 = arith.constant 560 : index
    %swap3A_214 = tpu.vector_load %arg25[%swap3A_213] {strides = array<i32>} : memref<640xf32, #tpu.memory_space<vmem>>, vector<16xf32>,
    %swap3A_215 = vector.shape_cast %swap3A_214 : vector<16xf32> to vector<16xf32>
    %swap3A_216 = vector.shape_cast %broadcast_in_dim3A_34 : vector<16xf32> to vector<16xf32>
    tpu.vector_store %arg25[%swap3A_213], %swap3A_216 {strides = array<i32>} : memref<640xf32, #tpu.memory_space<vmem>>, vector<16xf32>,
    %swap3A_217 = arith.constant 576 : index
    %swap3A_218 = tpu.vector_load %arg25[%swap3A_217] {strides = array<i32>} : memref<640xf32, #tpu.memory_space<vmem>>, vector<16xf32>,
    %swap3A_219 = vector.shape_cast %swap3A_218 : vector<16xf32> to vector<16xf32>
    %swap3A_220 = vector.shape_cast %broadcast_in_dim3A_34 : vector<16xf32> to vector<16xf32>
    tpu.vector_store %arg25[%swap3A_217], %swap3A_220 {strides = array<i32>} : memref<640xf32, #tpu.memory_space<vmem>>, vector<16xf32>,
    %swap3A_221 = arith.constant 592 : index
    %swap3A_222 = tpu.vector_load %arg25[%swap3A_221] {strides = array<i32>} : memref<640xf32, #tpu.memory_space<vmem>>, vector<16xf32>,
    %swap3A_223 = vector.shape_cast %swap3A_222 : vector<16xf32> to vector<16xf32>
    %swap3A_224 = vector.shape_cast %broadcast_in_dim3A_34 : vector<16xf32> to vector<16xf32>
    tpu.vector_store %arg25[%swap3A_221], %swap3A_224 {strides = array<i32>} : memref<640xf32, #tpu.memory_space<vmem>>, vector<16xf32>,
    %swap3A_225 = arith.constant 608 : index
    %swap3A_226 = tpu.vector_load %arg25[%swap3A_225] {strides = array<i32>} : memref<640xf32, #tpu.memory_space<vmem>>, vector<16xf32>,
    %swap3A_227 = vector.shape_cast %swap3A_226 : vector<16xf32> to vector<16xf32>
    %swap3A_228 = vector.shape_cast %broadcast_in_dim3A_34 : vector<16xf32> to vector<16xf32>
    tpu.vector_store %arg25[%swap3A_225], %swap3A_228 {strides = array<i32>} : memref<640xf32, #tpu.memory_space<vmem>>, vector<16xf32>,
    %swap3A_229 = arith.constant 624 : index
    %swap3A_230 = tpu.vector_load %arg25[%swap3A_229] {strides = array<i32>} : memref<640xf32, #tpu.memory_space<vmem>>, vector<16xf32>,
    %swap3A_231 = vector.shape_cast %swap3A_230 : vector<16xf32> to vector<16xf32>
    %swap3A_232 = vector.shape_cast %broadcast_in_dim3A_34 : vector<16xf32> to vector<16xf32>
    tpu.vector_store %arg25[%swap3A_229], %swap3A_232 {strides = array<i32>} : memref<640xf32, #tpu.memory_space<vmem>>, vector<16xf32>,
    %mul3A_233 = arith.constant 632 : i32
    %mul3A_234 = arith.muli %arg1, %mul3A_233 : i32
    %add3A_235 = arith.constant 0 : i32
    %add3A_236 = arith.addi %mul3A_234, %add3A_235 : i32
    "tpu.region"() ({
      %run_scoped3A_293 = tpu.sem_alloc : memref<!tpu.dma_semaphore, #tpu.memory_space<semaphore_mem>>
      %dma_start3A_294 = arith.constant 0 : i32
      %dma_start3A_295 = tpu.memref_slice %arg17[%add3A_236, %dma_start3A_294] : memref<10112x128xf32, #tpu.memory_space<vmem_shared>> -> memref<128x128xf32, #tpu.memory_space<vmem_shared>>
      %dma_start3A_296 = arith.constant 0 : i32
      %dma_start3A_297 = tpu.memref_slice %arg17[%add3A_236, %dma_start3A_296] : memref<10112x128xf32, #tpu.memory_space<vmem_shared>> -> memref<128x128xf32, #tpu.memory_space<vmem_shared>>
      tpu.enqueue_dma source(%arg7 : memref<128x128xf32, #tpu.memory_space<vmem>>) target(%dma_start3A_297 : memref<128x128xf32, #tpu.memory_space<vmem_shared>>) target_semaphore(%run_scoped3A_293 : memref<!tpu.dma_semaphore, #tpu.memory_space<semaphore_mem>>)
      %dma_wait3A_298 = arith.constant 0 : i32
      %dma_wait3A_299 = tpu.memref_slice %arg17[%add3A_236, %dma_wait3A_298] : memref<10112x128xf32, #tpu.memory_space<vmem_shared>> -> memref<128x128xf32, #tpu.memory_space<vmem_shared>>
      %dma_wait3A_300 = arith.constant 0 : i32
      %dma_wait3A_301 = tpu.memref_slice %arg17[%add3A_236, %dma_wait3A_300] : memref<10112x128xf32, #tpu.memory_space<vmem_shared>> -> memref<128x128xf32, #tpu.memory_space<vmem_shared>>
      tpu.wait_dma2 semaphore(%run_scoped3A_293 : memref<!tpu.dma_semaphore, #tpu.memory_space<semaphore_mem>>) src(%arg7 : memref<128x128xf32, #tpu.memory_space<vmem>>) dst(%dma_wait3A_301 : memref<128x128xf32, #tpu.memory_space<vmem_shared>>)
      tpu.yield
    }) : () -> ()
    %mul3A_237 = arith.constant 632 : i32
    %mul3A_238 = arith.muli %arg1, %mul3A_237 : i32
    %add3A_239 = arith.constant 128 : i32
    %add3A_240 = arith.addi %mul3A_238, %add3A_239 : i32
    "tpu.region"() ({
      %run_scoped3A_293 = tpu.sem_alloc : memref<!tpu.dma_semaphore, #tpu.memory_space<semaphore_mem>>
      %dma_start3A_294 = arith.constant 0 : i32
      %dma_start3A_295 = tpu.memref_slice %arg17[%add3A_240, %dma_start3A_294] : memref<10112x128xf32, #tpu.memory_space<vmem_shared>> -> memref<128x128xf32, #tpu.memory_space<vmem_shared>>
      %dma_start3A_296 = arith.constant 0 : i32
      %dma_start3A_297 = tpu.memref_slice %arg17[%add3A_240, %dma_start3A_296] : memref<10112x128xf32, #tpu.memory_space<vmem_shared>> -> memref<128x128xf32, #tpu.memory_space<vmem_shared>>
      tpu.enqueue_dma source(%arg7 : memref<128x128xf32, #tpu.memory_space<vmem>>) target(%dma_start3A_297 : memref<128x128xf32, #tpu.memory_space<vmem_shared>>) target_semaphore(%run_scoped3A_293 : memref<!tpu.dma_semaphore, #tpu.memory_space<semaphore_mem>>)
      %dma_wait3A_298 = arith.constant 0 : i32
      %dma_wait3A_299 = tpu.memref_slice %arg17[%add3A_240, %dma_wait3A_298] : memref<10112x128xf32, #tpu.memory_space<vmem_shared>> -> memref<128x128xf32, #tpu.memory_space<vmem_shared>>
      %dma_wait3A_300 = arith.constant 0 : i32
      %dma_wait3A_301 = tpu.memref_slice %arg17[%add3A_240, %dma_wait3A_300] : memref<10112x128xf32, #tpu.memory_space<vmem_shared>> -> memref<128x128xf32, #tpu.memory_space<vmem_shared>>
      tpu.wait_dma2 semaphore(%run_scoped3A_293 : memref<!tpu.dma_semaphore, #tpu.memory_space<semaphore_mem>>) src(%arg7 : memref<128x128xf32, #tpu.memory_space<vmem>>) dst(%dma_wait3A_301 : memref<128x128xf32, #tpu.memory_space<vmem_shared>>)
      tpu.yield
    }) : () -> ()
    %mul3A_241 = arith.constant 632 : i32
    %mul3A_242 = arith.muli %arg1, %mul3A_241 : i32
    %add3A_243 = arith.constant 256 : i32
    %add3A_244 = arith.addi %mul3A_242, %add3A_243 : i32
    "tpu.region"() ({
      %run_scoped3A_293 = tpu.sem_alloc : memref<!tpu.dma_semaphore, #tpu.memory_space<semaphore_mem>>
      %dma_start3A_294 = arith.constant 0 : i32
      %dma_start3A_295 = tpu.memref_slice %arg17[%add3A_244, %dma_start3A_294] : memref<10112x128xf32, #tpu.memory_space<vmem_shared>> -> memref<128x128xf32, #tpu.memory_space<vmem_shared>>
      %dma_start3A_296 = arith.constant 0 : i32
      %dma_start3A_297 = tpu.memref_slice %arg17[%add3A_244, %dma_start3A_296] : memref<10112x128xf32, #tpu.memory_space<vmem_shared>> -> memref<128x128xf32, #tpu.memory_space<vmem_shared>>
      tpu.enqueue_dma source(%arg7 : memref<128x128xf32, #tpu.memory_space<vmem>>) target(%dma_start3A_297 : memref<128x128xf32, #tpu.memory_space<vmem_shared>>) target_semaphore(%run_scoped3A_293 : memref<!tpu.dma_semaphore, #tpu.memory_space<semaphore_mem>>)
      %dma_wait3A_298 = arith.constant 0 : i32
      %dma_wait3A_299 = tpu.memref_slice %arg17[%add3A_244, %dma_wait3A_298] : memref<10112x128xf32, #tpu.memory_space<vmem_shared>> -> memref<128x128xf32, #tpu.memory_space<vmem_shared>>
      %dma_wait3A_300 = arith.constant 0 : i32
      %dma_wait3A_301 = tpu.memref_slice %arg17[%add3A_244, %dma_wait3A_300] : memref<10112x128xf32, #tpu.memory_space<vmem_shared>> -> memref<128x128xf32, #tpu.memory_space<vmem_shared>>
      tpu.wait_dma2 semaphore(%run_scoped3A_293 : memref<!tpu.dma_semaphore, #tpu.memory_space<semaphore_mem>>) src(%arg7 : memref<128x128xf32, #tpu.memory_space<vmem>>) dst(%dma_wait3A_301 : memref<128x128xf32, #tpu.memory_space<vmem_shared>>)
      tpu.yield
    }) : () -> ()
    %mul3A_245 = arith.constant 632 : i32
    %mul3A_246 = arith.muli %arg1, %mul3A_245 : i32
    %add3A_247 = arith.constant 384 : i32
    %add3A_248 = arith.addi %mul3A_246, %add3A_247 : i32
    "tpu.region"() ({
      %run_scoped3A_293 = tpu.sem_alloc : memref<!tpu.dma_semaphore, #tpu.memory_space<semaphore_mem>>
      %dma_start3A_294 = arith.constant 0 : i32
      %dma_start3A_295 = tpu.memref_slice %arg17[%add3A_248, %dma_start3A_294] : memref<10112x128xf32, #tpu.memory_space<vmem_shared>> -> memref<128x128xf32, #tpu.memory_space<vmem_shared>>
      %dma_start3A_296 = arith.constant 0 : i32
      %dma_start3A_297 = tpu.memref_slice %arg17[%add3A_248, %dma_start3A_296] : memref<10112x128xf32, #tpu.memory_space<vmem_shared>> -> memref<128x128xf32, #tpu.memory_space<vmem_shared>>
      tpu.enqueue_dma source(%arg7 : memref<128x128xf32, #tpu.memory_space<vmem>>) target(%dma_start3A_297 : memref<128x128xf32, #tpu.memory_space<vmem_shared>>) target_semaphore(%run_scoped3A_293 : memref<!tpu.dma_semaphore, #tpu.memory_space<semaphore_mem>>)
      %dma_wait3A_298 = arith.constant 0 : i32
      %dma_wait3A_299 = tpu.memref_slice %arg17[%add3A_248, %dma_wait3A_298] : memref<10112x128xf32, #tpu.memory_space<vmem_shared>> -> memref<128x128xf32, #tpu.memory_space<vmem_shared>>
      %dma_wait3A_300 = arith.constant 0 : i32
      %dma_wait3A_301 = tpu.memref_slice %arg17[%add3A_248, %dma_wait3A_300] : memref<10112x128xf32, #tpu.memory_space<vmem_shared>> -> memref<128x128xf32, #tpu.memory_space<vmem_shared>>
      tpu.wait_dma2 semaphore(%run_scoped3A_293 : memref<!tpu.dma_semaphore, #tpu.memory_space<semaphore_mem>>) src(%arg7 : memref<128x128xf32, #tpu.memory_space<vmem>>) dst(%dma_wait3A_301 : memref<128x128xf32, #tpu.memory_space<vmem_shared>>)
      tpu.yield
    }) : () -> ()
    %mul3A_249 = arith.constant 632 : i32
    %mul3A_250 = arith.muli %arg1, %mul3A_249 : i32
    %add3A_251 = arith.constant 512 : i32
    %add3A_252 = arith.addi %mul3A_250, %add3A_251 : i32
    "tpu.region"() ({
      %run_scoped3A_293 = tpu.sem_alloc : memref<!tpu.dma_semaphore, #tpu.memory_space<semaphore_mem>>
      %dma_start3A_294 = arith.constant 0 : i32
      %dma_start3A_295 = arith.constant 0 : i32
      %dma_start3A_296 = tpu.memref_slice %arg7[%dma_start3A_294, %dma_start3A_295] : memref<128x128xf32, #tpu.memory_space<vmem>> -> memref<120x128xf32, #tpu.memory_space<vmem>>
      %dma_start3A_297 = arith.constant 0 : i32
      %dma_start3A_298 = tpu.memref_slice %arg17[%add3A_252, %dma_start3A_297] : memref<10112x128xf32, #tpu.memory_space<vmem_shared>> -> memref<120x128xf32, #tpu.memory_space<vmem_shared>>
      %dma_start3A_299 = arith.constant 0 : i32
      %dma_start3A_300 = tpu.memref_slice %arg17[%add3A_252, %dma_start3A_299] : memref<10112x128xf32, #tpu.memory_space<vmem_shared>> -> memref<120x128xf32, #tpu.memory_space<vmem_shared>>
      %dma_start3A_301 = arith.constant 0 : i32
      %dma_start3A_302 = arith.constant 0 : i32
      %dma_start3A_303 = tpu.memref_slice %arg7[%dma_start3A_301, %dma_start3A_302] : memref<128x128xf32, #tpu.memory_space<vmem>> -> memref<120x128xf32, #tpu.memory_space<vmem>>
      tpu.enqueue_dma source(%dma_start3A_303 : memref<120x128xf32, #tpu.memory_space<vmem>>) target(%dma_start3A_300 : memref<120x128xf32, #tpu.memory_space<vmem_shared>>) target_semaphore(%run_scoped3A_293 : memref<!tpu.dma_semaphore, #tpu.memory_space<semaphore_mem>>)
      %dma_wait3A_304 = arith.constant 0 : i32
      %dma_wait3A_305 = arith.constant 0 : i32
      %dma_wait3A_306 = tpu.memref_slice %arg7[%dma_wait3A_304, %dma_wait3A_305] : memref<128x128xf32, #tpu.memory_space<vmem>> -> memref<120x128xf32, #tpu.memory_space<vmem>>
      %dma_wait3A_307 = arith.constant 0 : i32
      %dma_wait3A_308 = tpu.memref_slice %arg17[%add3A_252, %dma_wait3A_307] : memref<10112x128xf32, #tpu.memory_space<vmem_shared>> -> memref<120x128xf32, #tpu.memory_space<vmem_shared>>
      %dma_wait3A_309 = arith.constant 0 : i32
      %dma_wait3A_310 = tpu.memref_slice %arg17[%add3A_252, %dma_wait3A_309] : memref<10112x128xf32, #tpu.memory_space<vmem_shared>> -> memref<120x128xf32, #tpu.memory_space<vmem_shared>>
      %dma_wait3A_311 = arith.constant 0 : i32
      %dma_wait3A_312 = arith.constant 0 : i32
      %dma_wait3A_313 = tpu.memref_slice %arg7[%dma_wait3A_311, %dma_wait3A_312] : memref<128x128xf32, #tpu.memory_space<vmem>> -> memref<120x128xf32, #tpu.memory_space<vmem>>
      tpu.wait_dma2 semaphore(%run_scoped3A_293 : memref<!tpu.dma_semaphore, #tpu.memory_space<semaphore_mem>>) src(%dma_wait3A_313 : memref<120x128xf32, #tpu.memory_space<vmem>>) dst(%dma_wait3A_310 : memref<120x128xf32, #tpu.memory_space<vmem_shared>>)
      tpu.yield
    }) : () -> ()
    %mul3A_253 = arith.constant 640 : i32
    %mul3A_254 = arith.muli %arg1, %mul3A_253 : i32
    "tpu.region"() ({
      %run_scoped3A_293 = tpu.sem_alloc : memref<!tpu.dma_semaphore, #tpu.memory_space<semaphore_mem>>
      %dma_start3A_294 = tpu.memref_slice %arg26[%mul3A_254] : memref<10240xf32, #tpu.memory_space<vmem_shared>> -> memref<640xf32, #tpu.memory_space<vmem_shared>>
      %dma_start3A_295 = tpu.memref_slice %arg26[%mul3A_254] : memref<10240xf32, #tpu.memory_space<vmem_shared>> -> memref<640xf32, #tpu.memory_space<vmem_shared>>
      tpu.enqueue_dma source(%arg25 : memref<640xf32, #tpu.memory_space<vmem>>) target(%dma_start3A_295 : memref<640xf32, #tpu.memory_space<vmem_shared>>) target_semaphore(%run_scoped3A_293 : memref<!tpu.dma_semaphore, #tpu.memory_space<semaphore_mem>>)
      %dma_wait3A_296 = tpu.memref_slice %arg26[%mul3A_254] : memref<10240xf32, #tpu.memory_space<vmem_shared>> -> memref<640xf32, #tpu.memory_space<vmem_shared>>
      %dma_wait3A_297 = tpu.memref_slice %arg26[%mul3A_254] : memref<10240xf32, #tpu.memory_space<vmem_shared>> -> memref<640xf32, #tpu.memory_space<vmem_shared>>
      tpu.wait_dma2 semaphore(%run_scoped3A_293 : memref<!tpu.dma_semaphore, #tpu.memory_space<semaphore_mem>>) src(%arg25 : memref<640xf32, #tpu.memory_space<vmem>>) dst(%dma_wait3A_297 : memref<640xf32, #tpu.memory_space<vmem_shared>>)
      tpu.yield
    }) : () -> ()
    %add3A_255 = arith.constant 0 : i32
    %add3A_256 = arith.addi %mul3A_2, %add3A_255 : i32
    %mul3A_257 = arith.constant 128 : i32
    %mul3A_258 = arith.muli %add3A_256, %mul3A_257 : i32
    %dma_wait3A = tpu.memref_slice %arg3[%mul3A_258] : memref<327680xi32, #tpu.memory_space<hbm>> -> memref<128xi32, #tpu.memory_space<hbm>>
    %dma_wait3A_259 = tpu.memref_slice %arg3[%mul3A_258] : memref<327680xi32, #tpu.memory_space<hbm>> -> memref<128xi32, #tpu.memory_space<hbm>>
    tpu.wait_dma2 semaphore(%arg20 : memref<!tpu.dma_semaphore, #tpu.memory_space<semaphore_mem>>) src(%dma_wait3A_259 : memref<128xi32, #tpu.memory_space<hbm>>) dst(%arg9 : memref<128xi32, #tpu.memory_space<vmem>>)
    %dma_wait3A_260 = tpu.memref_slice %arg4[%mul3A_258] : memref<327680xi32, #tpu.memory_space<hbm>> -> memref<128xi32, #tpu.memory_space<hbm>>
    %dma_wait3A_261 = tpu.memref_slice %arg4[%mul3A_258] : memref<327680xi32, #tpu.memory_space<hbm>> -> memref<128xi32, #tpu.memory_space<hbm>>
    tpu.wait_dma2 semaphore(%arg20 : memref<!tpu.dma_semaphore, #tpu.memory_space<semaphore_mem>>) src(%dma_wait3A_261 : memref<128xi32, #tpu.memory_space<hbm>>) dst(%arg10 : memref<128xi32, #tpu.memory_space<vmem>>)
    %dma_start3A_262 = arith.constant 0 : i32
    %dma_start3A_263 = arith.constant 0 : i32
    %dma_start3A_264 = tpu.memref_slice %arg2[%dma_start3A_262, %dma_start3A_263] : memref<10000x128xf32, #tpu.memory_space<hbm>> -> memref<10000x128xf32, #tpu.memory_space<hbm>>
    tpu.enqueue_indirect_dma source(%dma_start3A_264 : memref<10000x128xf32, #tpu.memory_space<hbm>>) target(%arg7 : memref<128x128xf32, #tpu.memory_space<vmem>>) offsets(%arg9 : memref<128xi32, #tpu.memory_space<vmem>>) semaphore(%arg18 : memref<!tpu.dma_semaphore, #tpu.memory_space<semaphore_mem>>)
    %add3A_265 = arith.constant 1 : i32
    %add3A_266 = arith.addi %mul3A_2, %add3A_265 : i32
    %mul3A_267 = arith.constant 128 : i32
    %mul3A_268 = arith.muli %add3A_266, %mul3A_267 : i32
    %dma_wait3A_269 = tpu.memref_slice %arg3[%mul3A_268] : memref<327680xi32, #tpu.memory_space<hbm>> -> memref<128xi32, #tpu.memory_space<hbm>>
    %dma_wait3A_270 = tpu.memref_slice %arg3[%mul3A_268] : memref<327680xi32, #tpu.memory_space<hbm>> -> memref<128xi32, #tpu.memory_space<hbm>>
    tpu.wait_dma2 semaphore(%arg21 : memref<!tpu.dma_semaphore, #tpu.memory_space<semaphore_mem>>) src(%dma_wait3A_270 : memref<128xi32, #tpu.memory_space<hbm>>) dst(%arg11 : memref<128xi32, #tpu.memory_space<vmem>>)
    %dma_wait3A_271 = tpu.memref_slice %arg4[%mul3A_268] : memref<327680xi32, #tpu.memory_space<hbm>> -> memref<128xi32, #tpu.memory_space<hbm>>
    %dma_wait3A_272 = tpu.memref_slice %arg4[%mul3A_268] : memref<327680xi32, #tpu.memory_space<hbm>> -> memref<128xi32, #tpu.memory_space<hbm>>
    tpu.wait_dma2 semaphore(%arg21 : memref<!tpu.dma_semaphore, #tpu.memory_space<semaphore_mem>>) src(%dma_wait3A_272 : memref<128xi32, #tpu.memory_space<hbm>>) dst(%arg12 : memref<128xi32, #tpu.memory_space<vmem>>)
    %dma_start3A_273 = arith.constant 0 : i32
    %dma_start3A_274 = arith.constant 0 : i32
    %dma_start3A_275 = tpu.memref_slice %arg2[%dma_start3A_273, %dma_start3A_274] : memref<10000x128xf32, #tpu.memory_space<hbm>> -> memref<10000x128xf32, #tpu.memory_space<hbm>>
    tpu.enqueue_indirect_dma source(%dma_start3A_275 : memref<10000x128xf32, #tpu.memory_space<hbm>>) target(%arg8 : memref<128x128xf32, #tpu.memory_space<vmem>>) offsets(%arg11 : memref<128xi32, #tpu.memory_space<vmem>>) semaphore(%arg19 : memref<!tpu.dma_semaphore, #tpu.memory_space<semaphore_mem>>)
    %barrier3A = arith.constant 0 : index
    tpu.barrier barrier_id(%barrier3A)
    %scan3A_276 = arith.constant 0 : i32
    %scan3A_277 = arith.constant 0 : i32
    %scan3A_278 = arith.constant 20 : i32
    %scan3A_279 = arith.addi %scan3A_277, %scan3A_278 : i32
    %scan3A_280 = arith.constant 1 : i32
    scf.for %scan3A_293 = %scan3A_277 to %scan3A_279 step %scan3A_280  : i32 {
      %mul3A_294 = arith.constant 4 : i32
      %mul3A_295 = arith.muli %mul3A_294, %scan3A_293 : i32
      %add3A_296 = arith.constant 0 : i32
      %add3A_297 = arith.addi %mul3A_295, %add3A_296 : i32
      %dma_wait3A_298 = arith.constant 0 : i32
      %dma_wait3A_299 = arith.constant 0 : i32
      %dma_wait3A_300 = tpu.memref_slice %arg2[%dma_wait3A_298, %dma_wait3A_299] : memref<10000x128xf32, #tpu.memory_space<hbm>> -> memref<10000x128xf32, #tpu.memory_space<hbm>>
      tpu.wait_indirect_dma semaphore(%arg18 : memref<!tpu.dma_semaphore, #tpu.memory_space<semaphore_mem>>) src(%dma_wait3A_300 : memref<10000x128xf32, #tpu.memory_space<hbm>>) dst(%arg7 : memref<128x128xf32, #tpu.memory_space<vmem>>)
      "tpu.region"() ({
        %run_scoped3A_372 = tpu.sem_alloc : memref<!tpu.dma_semaphore, #tpu.memory_space<semaphore_mem>>
        %dma_start3A_373 = arith.constant 0 : i32
        %dma_start3A_374 = arith.constant 0 : i32
        %dma_start3A_375 = tpu.memref_slice %arg17[%dma_start3A_373, %dma_start3A_374] : memref<10112x128xf32, #tpu.memory_space<vmem_shared>> -> memref<10112x128xf32, #tpu.memory_space<vmem_shared>>
        tpu.enqueue_indirect_dma source(%arg7 : memref<128x128xf32, #tpu.memory_space<vmem>>) target(%dma_start3A_375 : memref<10112x128xf32, #tpu.memory_space<vmem_shared>>) offsets(%arg10 : memref<128xi32, #tpu.memory_space<vmem>>) semaphore(%run_scoped3A_372 : memref<!tpu.dma_semaphore, #tpu.memory_space<semaphore_mem>>) {add = true}
        %dma_wait3A_376 = arith.constant 0 : i32
        %dma_wait3A_377 = arith.constant 0 : i32
        %dma_wait3A_378 = tpu.memref_slice %arg17[%dma_wait3A_376, %dma_wait3A_377] : memref<10112x128xf32, #tpu.memory_space<vmem_shared>> -> memref<10112x128xf32, #tpu.memory_space<vmem_shared>>
        tpu.wait_indirect_dma semaphore(%run_scoped3A_372 : memref<!tpu.dma_semaphore, #tpu.memory_space<semaphore_mem>>) src(%arg7 : memref<128x128xf32, #tpu.memory_space<vmem>>) dst(%dma_wait3A_378 : memref<10112x128xf32, #tpu.memory_space<vmem_shared>>)
        tpu.yield
      }) : () -> ()
      "tpu.region"() ({
        %run_scoped3A_372 = tpu.sem_alloc : memref<!tpu.dma_semaphore, #tpu.memory_space<semaphore_mem>>
        %dma_start3A_373 = arith.constant 0 : i32
        %dma_start3A_374 = tpu.memref_slice %arg26[%dma_start3A_373] : memref<10240xf32, #tpu.memory_space<vmem_shared>> -> memref<10240xf32, #tpu.memory_space<vmem_shared>>
        tpu.enqueue_indirect_dma source(%arg24 : memref<128xf32, #tpu.memory_space<vmem>>) target(%dma_start3A_374 : memref<10240xf32, #tpu.memory_space<vmem_shared>>) offsets(%arg10 : memref<128xi32, #tpu.memory_space<vmem>>) semaphore(%run_scoped3A_372 : memref<!tpu.dma_semaphore, #tpu.memory_space<semaphore_mem>>) {add = true}
        %dma_wait3A_375 = arith.constant 0 : i32
        %dma_wait3A_376 = tpu.memref_slice %arg26[%dma_wait3A_375] : memref<10240xf32, #tpu.memory_space<vmem_shared>> -> memref<10240xf32, #tpu.memory_space<vmem_shared>>
        tpu.wait_indirect_dma semaphore(%run_scoped3A_372 : memref<!tpu.dma_semaphore, #tpu.memory_space<semaphore_mem>>) src(%arg24 : memref<128xf32, #tpu.memory_space<vmem>>) dst(%dma_wait3A_376 : memref<10240xf32, #tpu.memory_space<vmem_shared>>)
        tpu.yield
      }) : () -> ()
      %add3A_301 = arith.constant 2 : i32
      %add3A_302 = arith.addi %add3A_297, %add3A_301 : i32
      %lt3A_303 = arith.constant 80 : i32
      %lt3A_304 = arith.cmpi slt, %add3A_302, %lt3A_303 : i32
      %convert_element_type3A_305 = arith.extui %lt3A_304 : i1 to i32
      %cond3A_306 = arith.constant 0 : i32
      %cond3A_307 = arith.cmpi ne, %convert_element_type3A_305, %cond3A_306 : i32
      scf.if %cond3A_307 {
        %add3A_372 = arith.constant 2 : i32
        %add3A_373 = arith.addi %add3A_297, %add3A_372 : i32
        %add3A_374 = arith.addi %mul3A_2, %add3A_373 : i32
        %mul3A_375 = arith.constant 128 : i32
        %mul3A_376 = arith.muli %add3A_374, %mul3A_375 : i32
        %dma_wait3A_377 = tpu.memref_slice %arg3[%mul3A_376] : memref<327680xi32, #tpu.memory_space<hbm>> -> memref<128xi32, #tpu.memory_space<hbm>>
        %dma_wait3A_378 = tpu.memref_slice %arg3[%mul3A_376] : memref<327680xi32, #tpu.memory_space<hbm>> -> memref<128xi32, #tpu.memory_space<hbm>>
        tpu.wait_dma2 semaphore(%arg22 : memref<!tpu.dma_semaphore, #tpu.memory_space<semaphore_mem>>) src(%dma_wait3A_378 : memref<128xi32, #tpu.memory_space<hbm>>) dst(%arg13 : memref<128xi32, #tpu.memory_space<vmem>>)
        %dma_wait3A_379 = tpu.memref_slice %arg4[%mul3A_376] : memref<327680xi32, #tpu.memory_space<hbm>> -> memref<128xi32, #tpu.memory_space<hbm>>
        %dma_wait3A_380 = tpu.memref_slice %arg4[%mul3A_376] : memref<327680xi32, #tpu.memory_space<hbm>> -> memref<128xi32, #tpu.memory_space<hbm>>
        tpu.wait_dma2 semaphore(%arg22 : memref<!tpu.dma_semaphore, #tpu.memory_space<semaphore_mem>>) src(%dma_wait3A_380 : memref<128xi32, #tpu.memory_space<hbm>>) dst(%arg14 : memref<128xi32, #tpu.memory_space<vmem>>)
        %dma_start3A_381 = arith.constant 0 : i32
        %dma_start3A_382 = arith.constant 0 : i32
        %dma_start3A_383 = tpu.memref_slice %arg2[%dma_start3A_381, %dma_start3A_382] : memref<10000x128xf32, #tpu.memory_space<hbm>> -> memref<10000x128xf32, #tpu.memory_space<hbm>>
        tpu.enqueue_indirect_dma source(%dma_start3A_383 : memref<10000x128xf32, #tpu.memory_space<hbm>>) target(%arg7 : memref<128x128xf32, #tpu.memory_space<vmem>>) offsets(%arg13 : memref<128xi32, #tpu.memory_space<vmem>>) semaphore(%arg18 : memref<!tpu.dma_semaphore, #tpu.memory_space<semaphore_mem>>)
      } else {
      }
      %add3A_308 = arith.constant 4 : i32
      %add3A_309 = arith.addi %add3A_297, %add3A_308 : i32
      %lt3A_310 = arith.constant 80 : i32
      %lt3A_311 = arith.cmpi slt, %add3A_309, %lt3A_310 : i32
      %convert_element_type3A_312 = arith.extui %lt3A_311 : i1 to i32
      %cond3A_313 = arith.constant 0 : i32
      %cond3A_314 = arith.cmpi ne, %convert_element_type3A_312, %cond3A_313 : i32
      scf.if %cond3A_314 {
        %add3A_372 = arith.constant 4 : i32
        %add3A_373 = arith.addi %add3A_297, %add3A_372 : i32
        %add3A_374 = arith.addi %mul3A_2, %add3A_373 : i32
        %mul3A_375 = arith.constant 128 : i32
        %mul3A_376 = arith.muli %add3A_374, %mul3A_375 : i32
        %dma_start3A_377 = tpu.memref_slice %arg3[%mul3A_376] : memref<327680xi32, #tpu.memory_space<hbm>> -> memref<128xi32, #tpu.memory_space<hbm>>
        %dma_start3A_378 = tpu.memref_slice %arg3[%mul3A_376] : memref<327680xi32, #tpu.memory_space<hbm>> -> memref<128xi32, #tpu.memory_space<hbm>>
        tpu.enqueue_dma source(%dma_start3A_378 : memref<128xi32, #tpu.memory_space<hbm>>) target(%arg9 : memref<128xi32, #tpu.memory_space<vmem>>) target_semaphore(%arg20 : memref<!tpu.dma_semaphore, #tpu.memory_space<semaphore_mem>>)
        %dma_start3A_379 = tpu.memref_slice %arg4[%mul3A_376] : memref<327680xi32, #tpu.memory_space<hbm>> -> memref<128xi32, #tpu.memory_space<hbm>>
        %dma_start3A_380 = tpu.memref_slice %arg4[%mul3A_376] : memref<327680xi32, #tpu.memory_space<hbm>> -> memref<128xi32, #tpu.memory_space<hbm>>
        tpu.enqueue_dma source(%dma_start3A_380 : memref<128xi32, #tpu.memory_space<hbm>>) target(%arg10 : memref<128xi32, #tpu.memory_space<vmem>>) target_semaphore(%arg20 : memref<!tpu.dma_semaphore, #tpu.memory_space<semaphore_mem>>)
      } else {
      }
      %add3A_315 = arith.constant 1 : i32
      %add3A_316 = arith.addi %mul3A_295, %add3A_315 : i32
      %dma_wait3A_317 = arith.constant 0 : i32
      %dma_wait3A_318 = arith.constant 0 : i32
      %dma_wait3A_319 = tpu.memref_slice %arg2[%dma_wait3A_317, %dma_wait3A_318] : memref<10000x128xf32, #tpu.memory_space<hbm>> -> memref<10000x128xf32, #tpu.memory_space<hbm>>
      tpu.wait_indirect_dma semaphore(%arg19 : memref<!tpu.dma_semaphore, #tpu.memory_space<semaphore_mem>>) src(%dma_wait3A_319 : memref<10000x128xf32, #tpu.memory_space<hbm>>) dst(%arg8 : memref<128x128xf32, #tpu.memory_space<vmem>>)
      "tpu.region"() ({
        %run_scoped3A_372 = tpu.sem_alloc : memref<!tpu.dma_semaphore, #tpu.memory_space<semaphore_mem>>
        %dma_start3A_373 = arith.constant 0 : i32
        %dma_start3A_374 = arith.constant 0 : i32
        %dma_start3A_375 = tpu.memref_slice %arg17[%dma_start3A_373, %dma_start3A_374] : memref<10112x128xf32, #tpu.memory_space<vmem_shared>> -> memref<10112x128xf32, #tpu.memory_space<vmem_shared>>
        tpu.enqueue_indirect_dma source(%arg8 : memref<128x128xf32, #tpu.memory_space<vmem>>) target(%dma_start3A_375 : memref<10112x128xf32, #tpu.memory_space<vmem_shared>>) offsets(%arg12 : memref<128xi32, #tpu.memory_space<vmem>>) semaphore(%run_scoped3A_372 : memref<!tpu.dma_semaphore, #tpu.memory_space<semaphore_mem>>) {add = true}
        %dma_wait3A_376 = arith.constant 0 : i32
        %dma_wait3A_377 = arith.constant 0 : i32
        %dma_wait3A_378 = tpu.memref_slice %arg17[%dma_wait3A_376, %dma_wait3A_377] : memref<10112x128xf32, #tpu.memory_space<vmem_shared>> -> memref<10112x128xf32, #tpu.memory_space<vmem_shared>>
        tpu.wait_indirect_dma semaphore(%run_scoped3A_372 : memref<!tpu.dma_semaphore, #tpu.memory_space<semaphore_mem>>) src(%arg8 : memref<128x128xf32, #tpu.memory_space<vmem>>) dst(%dma_wait3A_378 : memref<10112x128xf32, #tpu.memory_space<vmem_shared>>)
        tpu.yield
      }) : () -> ()
      "tpu.region"() ({
        %run_scoped3A_372 = tpu.sem_alloc : memref<!tpu.dma_semaphore, #tpu.memory_space<semaphore_mem>>
        %dma_start3A_373 = arith.constant 0 : i32
        %dma_start3A_374 = tpu.memref_slice %arg26[%dma_start3A_373] : memref<10240xf32, #tpu.memory_space<vmem_shared>> -> memref<10240xf32, #tpu.memory_space<vmem_shared>>
        tpu.enqueue_indirect_dma source(%arg24 : memref<128xf32, #tpu.memory_space<vmem>>) target(%dma_start3A_374 : memref<10240xf32, #tpu.memory_space<vmem_shared>>) offsets(%arg12 : memref<128xi32, #tpu.memory_space<vmem>>) semaphore(%run_scoped3A_372 : memref<!tpu.dma_semaphore, #tpu.memory_space<semaphore_mem>>) {add = true}
        %dma_wait3A_375 = arith.constant 0 : i32
        %dma_wait3A_376 = tpu.memref_slice %arg26[%dma_wait3A_375] : memref<10240xf32, #tpu.memory_space<vmem_shared>> -> memref<10240xf32, #tpu.memory_space<vmem_shared>>
        tpu.wait_indirect_dma semaphore(%run_scoped3A_372 : memref<!tpu.dma_semaphore, #tpu.memory_space<semaphore_mem>>) src(%arg24 : memref<128xf32, #tpu.memory_space<vmem>>) dst(%dma_wait3A_376 : memref<10240xf32, #tpu.memory_space<vmem_shared>>)
        tpu.yield
      }) : () -> ()
      %add3A_320 = arith.constant 2 : i32
      %add3A_321 = arith.addi %add3A_316, %add3A_320 : i32
      %lt3A_322 = arith.constant 80 : i32
      %lt3A_323 = arith.cmpi slt, %add3A_321, %lt3A_322 : i32
      %convert_element_type3A_324 = arith.extui %lt3A_323 : i1 to i32
      %cond3A_325 = arith.constant 0 : i32
      %cond3A_326 = arith.cmpi ne, %convert_element_type3A_324, %cond3A_325 : i32
      scf.if %cond3A_326 {
        %add3A_372 = arith.constant 2 : i32
        %add3A_373 = arith.addi %add3A_316, %add3A_372 : i32
        %add3A_374 = arith.addi %mul3A_2, %add3A_373 : i32
        %mul3A_375 = arith.constant 128 : i32
        %mul3A_376 = arith.muli %add3A_374, %mul3A_375 : i32
        %dma_wait3A_377 = tpu.memref_slice %arg3[%mul3A_376] : memref<327680xi32, #tpu.memory_space<hbm>> -> memref<128xi32, #tpu.memory_space<hbm>>
        %dma_wait3A_378 = tpu.memref_slice %arg3[%mul3A_376] : memref<327680xi32, #tpu.memory_space<hbm>> -> memref<128xi32, #tpu.memory_space<hbm>>
        tpu.wait_dma2 semaphore(%arg23 : memref<!tpu.dma_semaphore, #tpu.memory_space<semaphore_mem>>) src(%dma_wait3A_378 : memref<128xi32, #tpu.memory_space<hbm>>) dst(%arg15 : memref<128xi32, #tpu.memory_space<vmem>>)
        %dma_wait3A_379 = tpu.memref_slice %arg4[%mul3A_376] : memref<327680xi32, #tpu.memory_space<hbm>> -> memref<128xi32, #tpu.memory_space<hbm>>
        %dma_wait3A_380 = tpu.memref_slice %arg4[%mul3A_376] : memref<327680xi32, #tpu.memory_space<hbm>> -> memref<128xi32, #tpu.memory_space<hbm>>
        tpu.wait_dma2 semaphore(%arg23 : memref<!tpu.dma_semaphore, #tpu.memory_space<semaphore_mem>>) src(%dma_wait3A_380 : memref<128xi32, #tpu.memory_space<hbm>>) dst(%arg16 : memref<128xi32, #tpu.memory_space<vmem>>)
        %dma_start3A_381 = arith.constant 0 : i32
        %dma_start3A_382 = arith.constant 0 : i32
        %dma_start3A_383 = tpu.memref_slice %arg2[%dma_start3A_381, %dma_start3A_382] : memref<10000x128xf32, #tpu.memory_space<hbm>> -> memref<10000x128xf32, #tpu.memory_space<hbm>>
        tpu.enqueue_indirect_dma source(%dma_start3A_383 : memref<10000x128xf32, #tpu.memory_space<hbm>>) target(%arg8 : memref<128x128xf32, #tpu.memory_space<vmem>>) offsets(%arg15 : memref<128xi32, #tpu.memory_space<vmem>>) semaphore(%arg19 : memref<!tpu.dma_semaphore, #tpu.memory_space<semaphore_mem>>)
      } else {
      }
      %add3A_327 = arith.constant 4 : i32
      %add3A_328 = arith.addi %add3A_316, %add3A_327 : i32
      %lt3A_329 = arith.constant 80 : i32
      %lt3A_330 = arith.cmpi slt, %add3A_328, %lt3A_329 : i32
      %convert_element_type3A_331 = arith.extui %lt3A_330 : i1 to i32
      %cond3A_332 = arith.constant 0 : i32
      %cond3A_333 = arith.cmpi ne, %convert_element_type3A_331, %cond3A_332 : i32
      scf.if %cond3A_333 {
        %add3A_372 = arith.constant 4 : i32
        %add3A_373 = arith.addi %add3A_316, %add3A_372 : i32
        %add3A_374 = arith.addi %mul3A_2, %add3A_373 : i32
        %mul3A_375 = arith.constant 128 : i32
        %mul3A_376 = arith.muli %add3A_374, %mul3A_375 : i32
        %dma_start3A_377 = tpu.memref_slice %arg3[%mul3A_376] : memref<327680xi32, #tpu.memory_space<hbm>> -> memref<128xi32, #tpu.memory_space<hbm>>
        %dma_start3A_378 = tpu.memref_slice %arg3[%mul3A_376] : memref<327680xi32, #tpu.memory_space<hbm>> -> memref<128xi32, #tpu.memory_space<hbm>>
        tpu.enqueue_dma source(%dma_start3A_378 : memref<128xi32, #tpu.memory_space<hbm>>) target(%arg11 : memref<128xi32, #tpu.memory_space<vmem>>) target_semaphore(%arg21 : memref<!tpu.dma_semaphore, #tpu.memory_space<semaphore_mem>>)
        %dma_start3A_379 = tpu.memref_slice %arg4[%mul3A_376] : memref<327680xi32, #tpu.memory_space<hbm>> -> memref<128xi32, #tpu.memory_space<hbm>>
        %dma_start3A_380 = tpu.memref_slice %arg4[%mul3A_376] : memref<327680xi32, #tpu.memory_space<hbm>> -> memref<128xi32, #tpu.memory_space<hbm>>
        tpu.enqueue_dma source(%dma_start3A_380 : memref<128xi32, #tpu.memory_space<hbm>>) target(%arg12 : memref<128xi32, #tpu.memory_space<vmem>>) target_semaphore(%arg21 : memref<!tpu.dma_semaphore, #tpu.memory_space<semaphore_mem>>)
      } else {
      }
      %add3A_334 = arith.constant 2 : i32
      %add3A_335 = arith.addi %mul3A_295, %add3A_334 : i32
      %dma_wait3A_336 = arith.constant 0 : i32
      %dma_wait3A_337 = arith.constant 0 : i32
      %dma_wait3A_338 = tpu.memref_slice %arg2[%dma_wait3A_336, %dma_wait3A_337] : memref<10000x128xf32, #tpu.memory_space<hbm>> -> memref<10000x128xf32, #tpu.memory_space<hbm>>
      tpu.wait_indirect_dma semaphore(%arg18 : memref<!tpu.dma_semaphore, #tpu.memory_space<semaphore_mem>>) src(%dma_wait3A_338 : memref<10000x128xf32, #tpu.memory_space<hbm>>) dst(%arg7 : memref<128x128xf32, #tpu.memory_space<vmem>>)
      "tpu.region"() ({
        %run_scoped3A_372 = tpu.sem_alloc : memref<!tpu.dma_semaphore, #tpu.memory_space<semaphore_mem>>
        %dma_start3A_373 = arith.constant 0 : i32
        %dma_start3A_374 = arith.constant 0 : i32
        %dma_start3A_375 = tpu.memref_slice %arg17[%dma_start3A_373, %dma_start3A_374] : memref<10112x128xf32, #tpu.memory_space<vmem_shared>> -> memref<10112x128xf32, #tpu.memory_space<vmem_shared>>
        tpu.enqueue_indirect_dma source(%arg7 : memref<128x128xf32, #tpu.memory_space<vmem>>) target(%dma_start3A_375 : memref<10112x128xf32, #tpu.memory_space<vmem_shared>>) offsets(%arg14 : memref<128xi32, #tpu.memory_space<vmem>>) semaphore(%run_scoped3A_372 : memref<!tpu.dma_semaphore, #tpu.memory_space<semaphore_mem>>) {add = true}
        %dma_wait3A_376 = arith.constant 0 : i32
        %dma_wait3A_377 = arith.constant 0 : i32
        %dma_wait3A_378 = tpu.memref_slice %arg17[%dma_wait3A_376, %dma_wait3A_377] : memref<10112x128xf32, #tpu.memory_space<vmem_shared>> -> memref<10112x128xf32, #tpu.memory_space<vmem_shared>>
        tpu.wait_indirect_dma semaphore(%run_scoped3A_372 : memref<!tpu.dma_semaphore, #tpu.memory_space<semaphore_mem>>) src(%arg7 : memref<128x128xf32, #tpu.memory_space<vmem>>) dst(%dma_wait3A_378 : memref<10112x128xf32, #tpu.memory_space<vmem_shared>>)
        tpu.yield
      }) : () -> ()
      "tpu.region"() ({
        %run_scoped3A_372 = tpu.sem_alloc : memref<!tpu.dma_semaphore, #tpu.memory_space<semaphore_mem>>
        %dma_start3A_373 = arith.constant 0 : i32
        %dma_start3A_374 = tpu.memref_slice %arg26[%dma_start3A_373] : memref<10240xf32, #tpu.memory_space<vmem_shared>> -> memref<10240xf32, #tpu.memory_space<vmem_shared>>
        tpu.enqueue_indirect_dma source(%arg24 : memref<128xf32, #tpu.memory_space<vmem>>) target(%dma_start3A_374 : memref<10240xf32, #tpu.memory_space<vmem_shared>>) offsets(%arg14 : memref<128xi32, #tpu.memory_space<vmem>>) semaphore(%run_scoped3A_372 : memref<!tpu.dma_semaphore, #tpu.memory_space<semaphore_mem>>) {add = true}
        %dma_wait3A_375 = arith.constant 0 : i32
        %dma_wait3A_376 = tpu.memref_slice %arg26[%dma_wait3A_375] : memref<10240xf32, #tpu.memory_space<vmem_shared>> -> memref<10240xf32, #tpu.memory_space<vmem_shared>>
        tpu.wait_indirect_dma semaphore(%run_scoped3A_372 : memref<!tpu.dma_semaphore, #tpu.memory_space<semaphore_mem>>) src(%arg24 : memref<128xf32, #tpu.memory_space<vmem>>) dst(%dma_wait3A_376 : memref<10240xf32, #tpu.memory_space<vmem_shared>>)
        tpu.yield
      }) : () -> ()
      %add3A_339 = arith.constant 2 : i32
      %add3A_340 = arith.addi %add3A_335, %add3A_339 : i32
      %lt3A_341 = arith.constant 80 : i32
      %lt3A_342 = arith.cmpi slt, %add3A_340, %lt3A_341 : i32
      %convert_element_type3A_343 = arith.extui %lt3A_342 : i1 to i32
      %cond3A_344 = arith.constant 0 : i32
      %cond3A_345 = arith.cmpi ne, %convert_element_type3A_343, %cond3A_344 : i32
      scf.if %cond3A_345 {
        %add3A_372 = arith.constant 2 : i32
        %add3A_373 = arith.addi %add3A_335, %add3A_372 : i32
        %add3A_374 = arith.addi %mul3A_2, %add3A_373 : i32
        %mul3A_375 = arith.constant 128 : i32
        %mul3A_376 = arith.muli %add3A_374, %mul3A_375 : i32
        %dma_wait3A_377 = tpu.memref_slice %arg3[%mul3A_376] : memref<327680xi32, #tpu.memory_space<hbm>> -> memref<128xi32, #tpu.memory_space<hbm>>
        %dma_wait3A_378 = tpu.memref_slice %arg3[%mul3A_376] : memref<327680xi32, #tpu.memory_space<hbm>> -> memref<128xi32, #tpu.memory_space<hbm>>
        tpu.wait_dma2 semaphore(%arg20 : memref<!tpu.dma_semaphore, #tpu.memory_space<semaphore_mem>>) src(%dma_wait3A_378 : memref<128xi32, #tpu.memory_space<hbm>>) dst(%arg9 : memref<128xi32, #tpu.memory_space<vmem>>)
        %dma_wait3A_379 = tpu.memref_slice %arg4[%mul3A_376] : memref<327680xi32, #tpu.memory_space<hbm>> -> memref<128xi32, #tpu.memory_space<hbm>>
        %dma_wait3A_380 = tpu.memref_slice %arg4[%mul3A_376] : memref<327680xi32, #tpu.memory_space<hbm>> -> memref<128xi32, #tpu.memory_space<hbm>>
        tpu.wait_dma2 semaphore(%arg20 : memref<!tpu.dma_semaphore, #tpu.memory_space<semaphore_mem>>) src(%dma_wait3A_380 : memref<128xi32, #tpu.memory_space<hbm>>) dst(%arg10 : memref<128xi32, #tpu.memory_space<vmem>>)
        %dma_start3A_381 = arith.constant 0 : i32
        %dma_start3A_382 = arith.constant 0 : i32
        %dma_start3A_383 = tpu.memref_slice %arg2[%dma_start3A_381, %dma_start3A_382] : memref<10000x128xf32, #tpu.memory_space<hbm>> -> memref<10000x128xf32, #tpu.memory_space<hbm>>
        tpu.enqueue_indirect_dma source(%dma_start3A_383 : memref<10000x128xf32, #tpu.memory_space<hbm>>) target(%arg7 : memref<128x128xf32, #tpu.memory_space<vmem>>) offsets(%arg9 : memref<128xi32, #tpu.memory_space<vmem>>) semaphore(%arg18 : memref<!tpu.dma_semaphore, #tpu.memory_space<semaphore_mem>>)
      } else {
      }
      %add3A_346 = arith.constant 4 : i32
      %add3A_347 = arith.addi %add3A_335, %add3A_346 : i32
      %lt3A_348 = arith.constant 80 : i32
      %lt3A_349 = arith.cmpi slt, %add3A_347, %lt3A_348 : i32
      %convert_element_type3A_350 = arith.extui %lt3A_349 : i1 to i32
      %cond3A_351 = arith.constant 0 : i32
      %cond3A_352 = arith.cmpi ne, %convert_element_type3A_350, %cond3A_351 : i32
      scf.if %cond3A_352 {
        %add3A_372 = arith.constant 4 : i32
        %add3A_373 = arith.addi %add3A_335, %add3A_372 : i32
        %add3A_374 = arith.addi %mul3A_2, %add3A_373 : i32
        %mul3A_375 = arith.constant 128 : i32
        %mul3A_376 = arith.muli %add3A_374, %mul3A_375 : i32
        %dma_start3A_377 = tpu.memref_slice %arg3[%mul3A_376] : memref<327680xi32, #tpu.memory_space<hbm>> -> memref<128xi32, #tpu.memory_space<hbm>>
        %dma_start3A_378 = tpu.memref_slice %arg3[%mul3A_376] : memref<327680xi32, #tpu.memory_space<hbm>> -> memref<128xi32, #tpu.memory_space<hbm>>
        tpu.enqueue_dma source(%dma_start3A_378 : memref<128xi32, #tpu.memory_space<hbm>>) target(%arg13 : memref<128xi32, #tpu.memory_space<vmem>>) target_semaphore(%arg22 : memref<!tpu.dma_semaphore, #tpu.memory_space<semaphore_mem>>)
        %dma_start3A_379 = tpu.memref_slice %arg4[%mul3A_376] : memref<327680xi32, #tpu.memory_space<hbm>> -> memref<128xi32, #tpu.memory_space<hbm>>
        %dma_start3A_380 = tpu.memref_slice %arg4[%mul3A_376] : memref<327680xi32, #tpu.memory_space<hbm>> -> memref<128xi32, #tpu.memory_space<hbm>>
        tpu.enqueue_dma source(%dma_start3A_380 : memref<128xi32, #tpu.memory_space<hbm>>) target(%arg14 : memref<128xi32, #tpu.memory_space<vmem>>) target_semaphore(%arg22 : memref<!tpu.dma_semaphore, #tpu.memory_space<semaphore_mem>>)
      } else {
      }
      %add3A_353 = arith.constant 3 : i32
      %add3A_354 = arith.addi %mul3A_295, %add3A_353 : i32
      %dma_wait3A_355 = arith.constant 0 : i32
      %dma_wait3A_356 = arith.constant 0 : i32
      %dma_wait3A_357 = tpu.memref_slice %arg2[%dma_wait3A_355, %dma_wait3A_356] : memref<10000x128xf32, #tpu.memory_space<hbm>> -> memref<10000x128xf32, #tpu.memory_space<hbm>>
      tpu.wait_indirect_dma semaphore(%arg19 : memref<!tpu.dma_semaphore, #tpu.memory_space<semaphore_mem>>) src(%dma_wait3A_357 : memref<10000x128xf32, #tpu.memory_space<hbm>>) dst(%arg8 : memref<128x128xf32, #tpu.memory_space<vmem>>)
      "tpu.region"() ({
        %run_scoped3A_372 = tpu.sem_alloc : memref<!tpu.dma_semaphore, #tpu.memory_space<semaphore_mem>>
        %dma_start3A_373 = arith.constant 0 : i32
        %dma_start3A_374 = arith.constant 0 : i32
        %dma_start3A_375 = tpu.memref_slice %arg17[%dma_start3A_373, %dma_start3A_374] : memref<10112x128xf32, #tpu.memory_space<vmem_shared>> -> memref<10112x128xf32, #tpu.memory_space<vmem_shared>>
        tpu.enqueue_indirect_dma source(%arg8 : memref<128x128xf32, #tpu.memory_space<vmem>>) target(%dma_start3A_375 : memref<10112x128xf32, #tpu.memory_space<vmem_shared>>) offsets(%arg16 : memref<128xi32, #tpu.memory_space<vmem>>) semaphore(%run_scoped3A_372 : memref<!tpu.dma_semaphore, #tpu.memory_space<semaphore_mem>>) {add = true}
        %dma_wait3A_376 = arith.constant 0 : i32
        %dma_wait3A_377 = arith.constant 0 : i32
        %dma_wait3A_378 = tpu.memref_slice %arg17[%dma_wait3A_376, %dma_wait3A_377] : memref<10112x128xf32, #tpu.memory_space<vmem_shared>> -> memref<10112x128xf32, #tpu.memory_space<vmem_shared>>
        tpu.wait_indirect_dma semaphore(%run_scoped3A_372 : memref<!tpu.dma_semaphore, #tpu.memory_space<semaphore_mem>>) src(%arg8 : memref<128x128xf32, #tpu.memory_space<vmem>>) dst(%dma_wait3A_378 : memref<10112x128xf32, #tpu.memory_space<vmem_shared>>)
        tpu.yield
      }) : () -> ()
      "tpu.region"() ({
        %run_scoped3A_372 = tpu.sem_alloc : memref<!tpu.dma_semaphore, #tpu.memory_space<semaphore_mem>>
        %dma_start3A_373 = arith.constant 0 : i32
        %dma_start3A_374 = tpu.memref_slice %arg26[%dma_start3A_373] : memref<10240xf32, #tpu.memory_space<vmem_shared>> -> memref<10240xf32, #tpu.memory_space<vmem_shared>>
        tpu.enqueue_indirect_dma source(%arg24 : memref<128xf32, #tpu.memory_space<vmem>>) target(%dma_start3A_374 : memref<10240xf32, #tpu.memory_space<vmem_shared>>) offsets(%arg16 : memref<128xi32, #tpu.memory_space<vmem>>) semaphore(%run_scoped3A_372 : memref<!tpu.dma_semaphore, #tpu.memory_space<semaphore_mem>>) {add = true}
        %dma_wait3A_375 = arith.constant 0 : i32
        %dma_wait3A_376 = tpu.memref_slice %arg26[%dma_wait3A_375] : memref<10240xf32, #tpu.memory_space<vmem_shared>> -> memref<10240xf32, #tpu.memory_space<vmem_shared>>
        tpu.wait_indirect_dma semaphore(%run_scoped3A_372 : memref<!tpu.dma_semaphore, #tpu.memory_space<semaphore_mem>>) src(%arg24 : memref<128xf32, #tpu.memory_space<vmem>>) dst(%dma_wait3A_376 : memref<10240xf32, #tpu.memory_space<vmem_shared>>)
        tpu.yield
      }) : () -> ()
      %add3A_358 = arith.constant 2 : i32
      %add3A_359 = arith.addi %add3A_354, %add3A_358 : i32
      %lt3A_360 = arith.constant 80 : i32
      %lt3A_361 = arith.cmpi slt, %add3A_359, %lt3A_360 : i32
      %convert_element_type3A_362 = arith.extui %lt3A_361 : i1 to i32
      %cond3A_363 = arith.constant 0 : i32
      %cond3A_364 = arith.cmpi ne, %convert_element_type3A_362, %cond3A_363 : i32
      scf.if %cond3A_364 {
        %add3A_372 = arith.constant 2 : i32
        %add3A_373 = arith.addi %add3A_354, %add3A_372 : i32
        %add3A_374 = arith.addi %mul3A_2, %add3A_373 : i32
        %mul3A_375 = arith.constant 128 : i32
        %mul3A_376 = arith.muli %add3A_374, %mul3A_375 : i32
        %dma_wait3A_377 = tpu.memref_slice %arg3[%mul3A_376] : memref<327680xi32, #tpu.memory_space<hbm>> -> memref<128xi32, #tpu.memory_space<hbm>>
        %dma_wait3A_378 = tpu.memref_slice %arg3[%mul3A_376] : memref<327680xi32, #tpu.memory_space<hbm>> -> memref<128xi32, #tpu.memory_space<hbm>>
        tpu.wait_dma2 semaphore(%arg21 : memref<!tpu.dma_semaphore, #tpu.memory_space<semaphore_mem>>) src(%dma_wait3A_378 : memref<128xi32, #tpu.memory_space<hbm>>) dst(%arg11 : memref<128xi32, #tpu.memory_space<vmem>>)
        %dma_wait3A_379 = tpu.memref_slice %arg4[%mul3A_376] : memref<327680xi32, #tpu.memory_space<hbm>> -> memref<128xi32, #tpu.memory_space<hbm>>
        %dma_wait3A_380 = tpu.memref_slice %arg4[%mul3A_376] : memref<327680xi32, #tpu.memory_space<hbm>> -> memref<128xi32, #tpu.memory_space<hbm>>
        tpu.wait_dma2 semaphore(%arg21 : memref<!tpu.dma_semaphore, #tpu.memory_space<semaphore_mem>>) src(%dma_wait3A_380 : memref<128xi32, #tpu.memory_space<hbm>>) dst(%arg12 : memref<128xi32, #tpu.memory_space<vmem>>)
        %dma_start3A_381 = arith.constant 0 : i32
        %dma_start3A_382 = arith.constant 0 : i32
        %dma_start3A_383 = tpu.memref_slice %arg2[%dma_start3A_381, %dma_start3A_382] : memref<10000x128xf32, #tpu.memory_space<hbm>> -> memref<10000x128xf32, #tpu.memory_space<hbm>>
        tpu.enqueue_indirect_dma source(%dma_start3A_383 : memref<10000x128xf32, #tpu.memory_space<hbm>>) target(%arg8 : memref<128x128xf32, #tpu.memory_space<vmem>>) offsets(%arg11 : memref<128xi32, #tpu.memory_space<vmem>>) semaphore(%arg19 : memref<!tpu.dma_semaphore, #tpu.memory_space<semaphore_mem>>)
      } else {
      }
      %add3A_365 = arith.constant 4 : i32
      %add3A_366 = arith.addi %add3A_354, %add3A_365 : i32
      %lt3A_367 = arith.constant 80 : i32
      %lt3A_368 = arith.cmpi slt, %add3A_366, %lt3A_367 : i32
      %convert_element_type3A_369 = arith.extui %lt3A_368 : i1 to i32
      %cond3A_370 = arith.constant 0 : i32
      %cond3A_371 = arith.cmpi ne, %convert_element_type3A_369, %cond3A_370 : i32
      scf.if %cond3A_371 {
        %add3A_372 = arith.constant 4 : i32
        %add3A_373 = arith.addi %add3A_354, %add3A_372 : i32
        %add3A_374 = arith.addi %mul3A_2, %add3A_373 : i32
        %mul3A_375 = arith.constant 128 : i32
        %mul3A_376 = arith.muli %add3A_374, %mul3A_375 : i32
        %dma_start3A_377 = tpu.memref_slice %arg3[%mul3A_376] : memref<327680xi32, #tpu.memory_space<hbm>> -> memref<128xi32, #tpu.memory_space<hbm>>
        %dma_start3A_378 = tpu.memref_slice %arg3[%mul3A_376] : memref<327680xi32, #tpu.memory_space<hbm>> -> memref<128xi32, #tpu.memory_space<hbm>>
        tpu.enqueue_dma source(%dma_start3A_378 : memref<128xi32, #tpu.memory_space<hbm>>) target(%arg15 : memref<128xi32, #tpu.memory_space<vmem>>) target_semaphore(%arg23 : memref<!tpu.dma_semaphore, #tpu.memory_space<semaphore_mem>>)
        %dma_start3A_379 = tpu.memref_slice %arg4[%mul3A_376] : memref<327680xi32, #tpu.memory_space<hbm>> -> memref<128xi32, #tpu.memory_space<hbm>>
        %dma_start3A_380 = tpu.memref_slice %arg4[%mul3A_376] : memref<327680xi32, #tpu.memory_space<hbm>> -> memref<128xi32, #tpu.memory_space<hbm>>
        tpu.enqueue_dma source(%dma_start3A_380 : memref<128xi32, #tpu.memory_space<hbm>>) target(%arg16 : memref<128xi32, #tpu.memory_space<vmem>>) target_semaphore(%arg23 : memref<!tpu.dma_semaphore, #tpu.memory_space<semaphore_mem>>)
      } else {
      }
    }
    %scan3A_281 = arith.constant 20 : i32
    %barrier3A_282 = arith.constant 0 : index
    tpu.barrier barrier_id(%barrier3A_282)
    %lt3A = arith.constant 15 : i32
    %lt3A_283 = arith.cmpi slt, %arg1, %lt3A : i32
    %convert_element_type3A = arith.extui %lt3A_283 : i1 to i32
    %cond3A = arith.constant 0 : i32
    %cond3A_284 = arith.cmpi ne, %convert_element_type3A, %cond3A : i32
    scf.if %cond3A_284 {
      %mul3A_293 = arith.constant 632 : i32
      %mul3A_294 = arith.muli %arg1, %mul3A_293 : i32
      %mul3A_295 = arith.constant 632 : i32
      %mul3A_296 = arith.muli %arg1, %mul3A_295 : i32
      "tpu.region"() ({
        %run_scoped3A_297 = tpu.sem_alloc : memref<!tpu.dma_semaphore, #tpu.memory_space<semaphore_mem>>
        %dma_start3A_298 = arith.constant 0 : i32
        %dma_start3A_299 = tpu.memref_slice %arg5[%arg0, %mul3A_296, %dma_start3A_298] : memref<2x10000x128xf32, #tpu.memory_space<hbm>> -> memref<1x632x128xf32, #tpu.memory_space<hbm>>
        %dma_start3A_300 = tpu.memref_squeeze %dma_start3A_299 : memref<1x632x128xf32, #tpu.memory_space<hbm>> -> memref<632x128xf32, #tpu.memory_space<hbm>>
        %dma_start3A_301 = arith.constant 0 : i32
        %dma_start3A_302 = tpu.memref_slice %arg17[%mul3A_294, %dma_start3A_301] : memref<10112x128xf32, #tpu.memory_space<vmem_shared>> -> memref<632x128xf32, #tpu.memory_space<vmem_shared>>
        tpu.enqueue_dma source(%dma_start3A_302 : memref<632x128xf32, #tpu.memory_space<vmem_shared>>) target(%dma_start3A_300 : memref<632x128xf32, #tpu.memory_space<hbm>>) target_semaphore(%run_scoped3A_297 : memref<!tpu.dma_semaphore, #tpu.memory_space<semaphore_mem>>)
        %dma_wait3A_303 = arith.constant 0 : i32
        %dma_wait3A_304 = tpu.memref_slice %arg5[%arg0, %mul3A_296, %dma_wait3A_303] : memref<2x10000x128xf32, #tpu.memory_space<hbm>> -> memref<1x632x128xf32, #tpu.memory_space<hbm>>
        %dma_wait3A_305 = tpu.memref_squeeze %dma_wait3A_304 : memref<1x632x128xf32, #tpu.memory_space<hbm>> -> memref<632x128xf32, #tpu.memory_space<hbm>>
        %dma_wait3A_306 = arith.constant 0 : i32
        %dma_wait3A_307 = tpu.memref_slice %arg17[%mul3A_294, %dma_wait3A_306] : memref<10112x128xf32, #tpu.memory_space<vmem_shared>> -> memref<632x128xf32, #tpu.memory_space<vmem_shared>>
        tpu.wait_dma2 semaphore(%run_scoped3A_297 : memref<!tpu.dma_semaphore, #tpu.memory_space<semaphore_mem>>) src(%dma_wait3A_307 : memref<632x128xf32, #tpu.memory_space<vmem_shared>>) dst(%dma_wait3A_305 : memref<632x128xf32, #tpu.memory_space<hbm>>)
        tpu.yield
      }) : () -> ()
    } else {
    }
    %eq3A = arith.constant 15 : i32
    %eq3A_285 = arith.cmpi eq, %arg1, %eq3A : i32
    %convert_element_type3A_286 = arith.extui %eq3A_285 : i1 to i32
    %cond3A_287 = arith.constant 0 : i32
    %cond3A_288 = arith.cmpi ne, %convert_element_type3A_286, %cond3A_287 : i32
    scf.if %cond3A_288 {
      "tpu.region"() ({
        %run_scoped3A_293 = tpu.sem_alloc : memref<!tpu.dma_semaphore, #tpu.memory_space<semaphore_mem>>
        %dma_start3A_294 = arith.constant 9480 : i32
        %dma_start3A_295 = arith.constant 0 : i32
        %dma_start3A_296 = tpu.memref_slice %arg5[%arg0, %dma_start3A_294, %dma_start3A_295] : memref<2x10000x128xf32, #tpu.memory_space<hbm>> -> memref<1x520x128xf32, #tpu.memory_space<hbm>>
        %dma_start3A_297 = tpu.memref_squeeze %dma_start3A_296 : memref<1x520x128xf32, #tpu.memory_space<hbm>> -> memref<520x128xf32, #tpu.memory_space<hbm>>
        %dma_start3A_298 = arith.constant 9480 : i32
        %dma_start3A_299 = arith.constant 0 : i32
        %dma_start3A_300 = tpu.memref_slice %arg17[%dma_start3A_298, %dma_start3A_299] : memref<10112x128xf32, #tpu.memory_space<vmem_shared>> -> memref<520x128xf32, #tpu.memory_space<vmem_shared>>
        tpu.enqueue_dma source(%dma_start3A_300 : memref<520x128xf32, #tpu.memory_space<vmem_shared>>) target(%dma_start3A_297 : memref<520x128xf32, #tpu.memory_space<hbm>>) target_semaphore(%run_scoped3A_293 : memref<!tpu.dma_semaphore, #tpu.memory_space<semaphore_mem>>)
        %dma_wait3A_301 = arith.constant 9480 : i32
        %dma_wait3A_302 = arith.constant 0 : i32
        %dma_wait3A_303 = tpu.memref_slice %arg5[%arg0, %dma_wait3A_301, %dma_wait3A_302] : memref<2x10000x128xf32, #tpu.memory_space<hbm>> -> memref<1x520x128xf32, #tpu.memory_space<hbm>>
        %dma_wait3A_304 = tpu.memref_squeeze %dma_wait3A_303 : memref<1x520x128xf32, #tpu.memory_space<hbm>> -> memref<520x128xf32, #tpu.memory_space<hbm>>
        %dma_wait3A_305 = arith.constant 9480 : i32
        %dma_wait3A_306 = arith.constant 0 : i32
        %dma_wait3A_307 = tpu.memref_slice %arg17[%dma_wait3A_305, %dma_wait3A_306] : memref<10112x128xf32, #tpu.memory_space<vmem_shared>> -> memref<520x128xf32, #tpu.memory_space<vmem_shared>>
        tpu.wait_dma2 semaphore(%run_scoped3A_293 : memref<!tpu.dma_semaphore, #tpu.memory_space<semaphore_mem>>) src(%dma_wait3A_307 : memref<520x128xf32, #tpu.memory_space<vmem_shared>>) dst(%dma_wait3A_304 : memref<520x128xf32, #tpu.memory_space<hbm>>)
        tpu.yield
      }) : () -> ()
    } else {
    }
    %mul3A_289 = arith.constant 640 : i32
    %mul3A_290 = arith.muli %arg1, %mul3A_289 : i32
    %mul3A_291 = arith.constant 640 : i32
    %mul3A_292 = arith.muli %arg1, %mul3A_291 : i32
    %run_scoped3A = arith.constant 0 : i32
    "tpu.region"() ({
      %run_scoped3A_293 = tpu.sem_alloc : memref<!tpu.dma_semaphore, #tpu.memory_space<semaphore_mem>>
      %dma_start3A_294 = tpu.memref_slice %arg6[%arg0, %run_scoped3A, %mul3A_292] : memref<2x1x10240xf32, #tpu.memory_space<hbm>> -> memref<1x1x640xf32, #tpu.memory_space<hbm>>
      %dma_start3A_295 = tpu.memref_squeeze %dma_start3A_294 : memref<1x1x640xf32, #tpu.memory_space<hbm>> -> memref<640xf32, #tpu.memory_space<hbm>>
      %dma_start3A_296 = tpu.memref_slice %arg26[%mul3A_290] : memref<10240xf32, #tpu.memory_space<vmem_shared>> -> memref<640xf32, #tpu.memory_space<vmem_shared>>
      tpu.enqueue_dma source(%dma_start3A_296 : memref<640xf32, #tpu.memory_space<vmem_shared>>) target(%dma_start3A_295 : memref<640xf32, #tpu.memory_space<hbm>>) target_semaphore(%run_scoped3A_293 : memref<!tpu.dma_semaphore, #tpu.memory_space<semaphore_mem>>)
      %dma_wait3A_297 = tpu.memref_slice %arg6[%arg0, %run_scoped3A, %mul3A_292] : memref<2x1x10240xf32, #tpu.memory_space<hbm>> -> memref<1x1x640xf32, #tpu.memory_space<hbm>>
      %dma_wait3A_298 = tpu.memref_squeeze %dma_wait3A_297 : memref<1x1x640xf32, #tpu.memory_space<hbm>> -> memref<640xf32, #tpu.memory_space<hbm>>
      %dma_wait3A_299 = tpu.memref_slice %arg26[%mul3A_290] : memref<10240xf32, #tpu.memory_space<vmem_shared>> -> memref<640xf32, #tpu.memory_space<vmem_shared>>
      tpu.wait_dma2 semaphore(%run_scoped3A_293 : memref<!tpu.dma_semaphore, #tpu.memory_space<semaphore_mem>>) src(%dma_wait3A_299 : memref<640xf32, #tpu.memory_space<vmem_shared>>) dst(%dma_wait3A_298 : memref<640xf32, #tpu.memory_space<hbm>>)
      tpu.yield
    }) : () -> ()
    return
  }
}

#map = affine_map<(d0, d1) -> (0, 0)>
#map1 = affine_map<(d0, d1) -> (0)>
#map2 = affine_map<(d0, d1) -> (0, 0, 0)>
module attributes {stable_mosaic.version = 14 : i64} {
  func.func @sc_agg(%arg0: i32, %arg1: i32, %arg2: memref<10000x128xf32, #tpu.memory_space<hbm>>, %arg3: memref<327680xi32, #tpu.memory_space<hbm>>, %arg4: memref<327680xi32, #tpu.memory_space<hbm>>, %arg5: memref<2x10000x128xf32, #tpu.memory_space<hbm>>, %arg6: memref<128x128xf32, #tpu.memory_space<vmem>>, %arg7: memref<128x128xf32, #tpu.memory_space<vmem>>, %arg8: memref<128xi32, #tpu.memory_space<vmem>>, %arg9: memref<128xi32, #tpu.memory_space<vmem>>, %arg10: memref<128xi32, #tpu.memory_space<vmem>>, %arg11: memref<128xi32, #tpu.memory_space<vmem>>, %arg12: memref<128xi32, #tpu.memory_space<vmem>>, %arg13: memref<128xi32, #tpu.memory_space<vmem>>, %arg14: memref<128xi32, #tpu.memory_space<vmem>>, %arg15: memref<128xi32, #tpu.memory_space<vmem>>, %arg16: memref<10112x128xf32, #tpu.memory_space<vmem_shared>>, %arg17: memref<!tpu.dma_semaphore, #tpu.memory_space<semaphore_mem>>, %arg18: memref<!tpu.dma_semaphore, #tpu.memory_space<semaphore_mem>>, %arg19: memref<!tpu.dma_semaphore, #tpu.memory_space<semaphore_mem>>, %arg20: memref<!tpu.dma_semaphore, #tpu.memory_space<semaphore_mem>>, %arg21: memref<!tpu.dma_semaphore, #tpu.memory_space<semaphore_mem>>, %arg22: memref<!tpu.dma_semaphore, #tpu.memory_space<semaphore_mem>>) attributes {dimension_semantics = [#tpu.dimension_semantics<core_parallel>, #tpu.dimension_semantics<subcore_parallel>], iteration_bounds = array<i64: 2, 16>, scalar_prefetch = 0 : i64, scratch_operands = 17 : i64, tpu.core_type = #tpu.core_type<sc_vector_subcore>, window_params = [{transform_indices = #map}, {transform_indices = #map1}, {transform_indices = #map1}, {transform_indices = #map2}]} {
    %mul3A = arith.constant 2 : i32
    %mul3A_0 = arith.muli %arg1, %mul3A : i32
    %add3A = arith.addi %mul3A_0, %arg0 : i32
    %mul3A_1 = arith.constant 80 : i32
    %mul3A_2 = arith.muli %add3A, %mul3A_1 : i32
    %add3A_3 = arith.constant 0 : i32
    %add3A_4 = arith.addi %mul3A_2, %add3A_3 : i32
    %mul3A_5 = arith.constant 128 : i32
    %mul3A_6 = arith.muli %add3A_4, %mul3A_5 : i32
    %dma_start3A = tpu.memref_slice %arg3[%mul3A_6] : memref<327680xi32, #tpu.memory_space<hbm>> -> memref<128xi32, #tpu.memory_space<hbm>>
    %dma_start3A_7 = tpu.memref_slice %arg3[%mul3A_6] : memref<327680xi32, #tpu.memory_space<hbm>> -> memref<128xi32, #tpu.memory_space<hbm>>
    tpu.enqueue_dma source(%dma_start3A_7 : memref<128xi32, #tpu.memory_space<hbm>>) target(%arg8 : memref<128xi32, #tpu.memory_space<vmem>>) target_semaphore(%arg19 : memref<!tpu.dma_semaphore, #tpu.memory_space<semaphore_mem>>)
    %dma_start3A_8 = tpu.memref_slice %arg4[%mul3A_6] : memref<327680xi32, #tpu.memory_space<hbm>> -> memref<128xi32, #tpu.memory_space<hbm>>
    %dma_start3A_9 = tpu.memref_slice %arg4[%mul3A_6] : memref<327680xi32, #tpu.memory_space<hbm>> -> memref<128xi32, #tpu.memory_space<hbm>>
    tpu.enqueue_dma source(%dma_start3A_9 : memref<128xi32, #tpu.memory_space<hbm>>) target(%arg9 : memref<128xi32, #tpu.memory_space<vmem>>) target_semaphore(%arg19 : memref<!tpu.dma_semaphore, #tpu.memory_space<semaphore_mem>>)
    %add3A_10 = arith.constant 1 : i32
    %add3A_11 = arith.addi %mul3A_2, %add3A_10 : i32
    %mul3A_12 = arith.constant 128 : i32
    %mul3A_13 = arith.muli %add3A_11, %mul3A_12 : i32
    %dma_start3A_14 = tpu.memref_slice %arg3[%mul3A_13] : memref<327680xi32, #tpu.memory_space<hbm>> -> memref<128xi32, #tpu.memory_space<hbm>>
    %dma_start3A_15 = tpu.memref_slice %arg3[%mul3A_13] : memref<327680xi32, #tpu.memory_space<hbm>> -> memref<128xi32, #tpu.memory_space<hbm>>
    tpu.enqueue_dma source(%dma_start3A_15 : memref<128xi32, #tpu.memory_space<hbm>>) target(%arg10 : memref<128xi32, #tpu.memory_space<vmem>>) target_semaphore(%arg20 : memref<!tpu.dma_semaphore, #tpu.memory_space<semaphore_mem>>)
    %dma_start3A_16 = tpu.memref_slice %arg4[%mul3A_13] : memref<327680xi32, #tpu.memory_space<hbm>> -> memref<128xi32, #tpu.memory_space<hbm>>
    %dma_start3A_17 = tpu.memref_slice %arg4[%mul3A_13] : memref<327680xi32, #tpu.memory_space<hbm>> -> memref<128xi32, #tpu.memory_space<hbm>>
    tpu.enqueue_dma source(%dma_start3A_17 : memref<128xi32, #tpu.memory_space<hbm>>) target(%arg11 : memref<128xi32, #tpu.memory_space<vmem>>) target_semaphore(%arg20 : memref<!tpu.dma_semaphore, #tpu.memory_space<semaphore_mem>>)
    %add3A_18 = arith.constant 2 : i32
    %add3A_19 = arith.addi %mul3A_2, %add3A_18 : i32
    %mul3A_20 = arith.constant 128 : i32
    %mul3A_21 = arith.muli %add3A_19, %mul3A_20 : i32
    %dma_start3A_22 = tpu.memref_slice %arg3[%mul3A_21] : memref<327680xi32, #tpu.memory_space<hbm>> -> memref<128xi32, #tpu.memory_space<hbm>>
    %dma_start3A_23 = tpu.memref_slice %arg3[%mul3A_21] : memref<327680xi32, #tpu.memory_space<hbm>> -> memref<128xi32, #tpu.memory_space<hbm>>
    tpu.enqueue_dma source(%dma_start3A_23 : memref<128xi32, #tpu.memory_space<hbm>>) target(%arg12 : memref<128xi32, #tpu.memory_space<vmem>>) target_semaphore(%arg21 : memref<!tpu.dma_semaphore, #tpu.memory_space<semaphore_mem>>)
    %dma_start3A_24 = tpu.memref_slice %arg4[%mul3A_21] : memref<327680xi32, #tpu.memory_space<hbm>> -> memref<128xi32, #tpu.memory_space<hbm>>
    %dma_start3A_25 = tpu.memref_slice %arg4[%mul3A_21] : memref<327680xi32, #tpu.memory_space<hbm>> -> memref<128xi32, #tpu.memory_space<hbm>>
    tpu.enqueue_dma source(%dma_start3A_25 : memref<128xi32, #tpu.memory_space<hbm>>) target(%arg13 : memref<128xi32, #tpu.memory_space<vmem>>) target_semaphore(%arg21 : memref<!tpu.dma_semaphore, #tpu.memory_space<semaphore_mem>>)
    %add3A_26 = arith.constant 3 : i32
    %add3A_27 = arith.addi %mul3A_2, %add3A_26 : i32
    %mul3A_28 = arith.constant 128 : i32
    %mul3A_29 = arith.muli %add3A_27, %mul3A_28 : i32
    %dma_start3A_30 = tpu.memref_slice %arg3[%mul3A_29] : memref<327680xi32, #tpu.memory_space<hbm>> -> memref<128xi32, #tpu.memory_space<hbm>>
    %dma_start3A_31 = tpu.memref_slice %arg3[%mul3A_29] : memref<327680xi32, #tpu.memory_space<hbm>> -> memref<128xi32, #tpu.memory_space<hbm>>
    tpu.enqueue_dma source(%dma_start3A_31 : memref<128xi32, #tpu.memory_space<hbm>>) target(%arg14 : memref<128xi32, #tpu.memory_space<vmem>>) target_semaphore(%arg22 : memref<!tpu.dma_semaphore, #tpu.memory_space<semaphore_mem>>)
    %dma_start3A_32 = tpu.memref_slice %arg4[%mul3A_29] : memref<327680xi32, #tpu.memory_space<hbm>> -> memref<128xi32, #tpu.memory_space<hbm>>
    %dma_start3A_33 = tpu.memref_slice %arg4[%mul3A_29] : memref<327680xi32, #tpu.memory_space<hbm>> -> memref<128xi32, #tpu.memory_space<hbm>>
    tpu.enqueue_dma source(%dma_start3A_33 : memref<128xi32, #tpu.memory_space<hbm>>) target(%arg15 : memref<128xi32, #tpu.memory_space<vmem>>) target_semaphore(%arg22 : memref<!tpu.dma_semaphore, #tpu.memory_space<semaphore_mem>>)
    %broadcast_in_dim3A = arith.constant 0.000000e+00 : f32
    %broadcast_in_dim3A_34 = vector.broadcast %broadcast_in_dim3A : f32 to vector<16xf32>
    %scan3A = arith.constant 0 : i32
    %scan3A_35 = arith.constant 0 : i32
    %scan3A_36 = arith.constant 128 : i32
    %scan3A_37 = arith.addi %scan3A_35, %scan3A_36 : i32
    %scan3A_38 = arith.constant 1 : i32
    scf.for %scan3A_94 = %scan3A_35 to %scan3A_37 step %scan3A_38  : i32 {
      %swap3A = arith.index_cast %scan3A_94 : i32 to index
      %swap3A_95 = arith.constant 0 : index
      %swap3A_96 = tpu.vector_load %arg6[%swap3A, %swap3A_95] {strides = array<i32>} : memref<128x128xf32, #tpu.memory_space<vmem>>, vector<1x16xf32>,
      %swap3A_97 = vector.shape_cast %swap3A_96 : vector<1x16xf32> to vector<16xf32>
      %swap3A_98 = vector.shape_cast %broadcast_in_dim3A_34 : vector<16xf32> to vector<1x16xf32>
      tpu.vector_store %arg6[%swap3A, %swap3A_95], %swap3A_98 {strides = array<i32>} : memref<128x128xf32, #tpu.memory_space<vmem>>, vector<1x16xf32>,
      %swap3A_99 = arith.index_cast %scan3A_94 : i32 to index
      %swap3A_100 = arith.constant 16 : index
      %swap3A_101 = tpu.vector_load %arg6[%swap3A_99, %swap3A_100] {strides = array<i32>} : memref<128x128xf32, #tpu.memory_space<vmem>>, vector<1x16xf32>,
      %swap3A_102 = vector.shape_cast %swap3A_101 : vector<1x16xf32> to vector<16xf32>
      %swap3A_103 = vector.shape_cast %broadcast_in_dim3A_34 : vector<16xf32> to vector<1x16xf32>
      tpu.vector_store %arg6[%swap3A_99, %swap3A_100], %swap3A_103 {strides = array<i32>} : memref<128x128xf32, #tpu.memory_space<vmem>>, vector<1x16xf32>,
      %swap3A_104 = arith.index_cast %scan3A_94 : i32 to index
      %swap3A_105 = arith.constant 32 : index
      %swap3A_106 = tpu.vector_load %arg6[%swap3A_104, %swap3A_105] {strides = array<i32>} : memref<128x128xf32, #tpu.memory_space<vmem>>, vector<1x16xf32>,
      %swap3A_107 = vector.shape_cast %swap3A_106 : vector<1x16xf32> to vector<16xf32>
      %swap3A_108 = vector.shape_cast %broadcast_in_dim3A_34 : vector<16xf32> to vector<1x16xf32>
      tpu.vector_store %arg6[%swap3A_104, %swap3A_105], %swap3A_108 {strides = array<i32>} : memref<128x128xf32, #tpu.memory_space<vmem>>, vector<1x16xf32>,
      %swap3A_109 = arith.index_cast %scan3A_94 : i32 to index
      %swap3A_110 = arith.constant 48 : index
      %swap3A_111 = tpu.vector_load %arg6[%swap3A_109, %swap3A_110] {strides = array<i32>} : memref<128x128xf32, #tpu.memory_space<vmem>>, vector<1x16xf32>,
      %swap3A_112 = vector.shape_cast %swap3A_111 : vector<1x16xf32> to vector<16xf32>
      %swap3A_113 = vector.shape_cast %broadcast_in_dim3A_34 : vector<16xf32> to vector<1x16xf32>
      tpu.vector_store %arg6[%swap3A_109, %swap3A_110], %swap3A_113 {strides = array<i32>} : memref<128x128xf32, #tpu.memory_space<vmem>>, vector<1x16xf32>,
      %swap3A_114 = arith.index_cast %scan3A_94 : i32 to index
      %swap3A_115 = arith.constant 64 : index
      %swap3A_116 = tpu.vector_load %arg6[%swap3A_114, %swap3A_115] {strides = array<i32>} : memref<128x128xf32, #tpu.memory_space<vmem>>, vector<1x16xf32>,
      %swap3A_117 = vector.shape_cast %swap3A_116 : vector<1x16xf32> to vector<16xf32>
      %swap3A_118 = vector.shape_cast %broadcast_in_dim3A_34 : vector<16xf32> to vector<1x16xf32>
      tpu.vector_store %arg6[%swap3A_114, %swap3A_115], %swap3A_118 {strides = array<i32>} : memref<128x128xf32, #tpu.memory_space<vmem>>, vector<1x16xf32>,
      %swap3A_119 = arith.index_cast %scan3A_94 : i32 to index
      %swap3A_120 = arith.constant 80 : index
      %swap3A_121 = tpu.vector_load %arg6[%swap3A_119, %swap3A_120] {strides = array<i32>} : memref<128x128xf32, #tpu.memory_space<vmem>>, vector<1x16xf32>,
      %swap3A_122 = vector.shape_cast %swap3A_121 : vector<1x16xf32> to vector<16xf32>
      %swap3A_123 = vector.shape_cast %broadcast_in_dim3A_34 : vector<16xf32> to vector<1x16xf32>
      tpu.vector_store %arg6[%swap3A_119, %swap3A_120], %swap3A_123 {strides = array<i32>} : memref<128x128xf32, #tpu.memory_space<vmem>>, vector<1x16xf32>,
      %swap3A_124 = arith.index_cast %scan3A_94 : i32 to index
      %swap3A_125 = arith.constant 96 : index
      %swap3A_126 = tpu.vector_load %arg6[%swap3A_124, %swap3A_125] {strides = array<i32>} : memref<128x128xf32, #tpu.memory_space<vmem>>, vector<1x16xf32>,
      %swap3A_127 = vector.shape_cast %swap3A_126 : vector<1x16xf32> to vector<16xf32>
      %swap3A_128 = vector.shape_cast %broadcast_in_dim3A_34 : vector<16xf32> to vector<1x16xf32>
      tpu.vector_store %arg6[%swap3A_124, %swap3A_125], %swap3A_128 {strides = array<i32>} : memref<128x128xf32, #tpu.memory_space<vmem>>, vector<1x16xf32>,
      %swap3A_129 = arith.index_cast %scan3A_94 : i32 to index
      %swap3A_130 = arith.constant 112 : index
      %swap3A_131 = tpu.vector_load %arg6[%swap3A_129, %swap3A_130] {strides = array<i32>} : memref<128x128xf32, #tpu.memory_space<vmem>>, vector<1x16xf32>,
      %swap3A_132 = vector.shape_cast %swap3A_131 : vector<1x16xf32> to vector<16xf32>
      %swap3A_133 = vector.shape_cast %broadcast_in_dim3A_34 : vector<16xf32> to vector<1x16xf32>
      tpu.vector_store %arg6[%swap3A_129, %swap3A_130], %swap3A_133 {strides = array<i32>} : memref<128x128xf32, #tpu.memory_space<vmem>>, vector<1x16xf32>,
    }
    %scan3A_39 = arith.constant 128 : i32
    %mul3A_40 = arith.constant 632 : i32
    %mul3A_41 = arith.muli %arg1, %mul3A_40 : i32
    %add3A_42 = arith.constant 0 : i32
    %add3A_43 = arith.addi %mul3A_41, %add3A_42 : i32
    "tpu.region"() ({
      %run_scoped3A = tpu.sem_alloc : memref<!tpu.dma_semaphore, #tpu.memory_space<semaphore_mem>>
      %dma_start3A_94 = arith.constant 0 : i32
      %dma_start3A_95 = tpu.memref_slice %arg16[%add3A_43, %dma_start3A_94] : memref<10112x128xf32, #tpu.memory_space<vmem_shared>> -> memref<128x128xf32, #tpu.memory_space<vmem_shared>>
      %dma_start3A_96 = arith.constant 0 : i32
      %dma_start3A_97 = tpu.memref_slice %arg16[%add3A_43, %dma_start3A_96] : memref<10112x128xf32, #tpu.memory_space<vmem_shared>> -> memref<128x128xf32, #tpu.memory_space<vmem_shared>>
      tpu.enqueue_dma source(%arg6 : memref<128x128xf32, #tpu.memory_space<vmem>>) target(%dma_start3A_97 : memref<128x128xf32, #tpu.memory_space<vmem_shared>>) target_semaphore(%run_scoped3A : memref<!tpu.dma_semaphore, #tpu.memory_space<semaphore_mem>>)
      %dma_wait3A_98 = arith.constant 0 : i32
      %dma_wait3A_99 = tpu.memref_slice %arg16[%add3A_43, %dma_wait3A_98] : memref<10112x128xf32, #tpu.memory_space<vmem_shared>> -> memref<128x128xf32, #tpu.memory_space<vmem_shared>>
      %dma_wait3A_100 = arith.constant 0 : i32
      %dma_wait3A_101 = tpu.memref_slice %arg16[%add3A_43, %dma_wait3A_100] : memref<10112x128xf32, #tpu.memory_space<vmem_shared>> -> memref<128x128xf32, #tpu.memory_space<vmem_shared>>
      tpu.wait_dma2 semaphore(%run_scoped3A : memref<!tpu.dma_semaphore, #tpu.memory_space<semaphore_mem>>) src(%arg6 : memref<128x128xf32, #tpu.memory_space<vmem>>) dst(%dma_wait3A_101 : memref<128x128xf32, #tpu.memory_space<vmem_shared>>)
      tpu.yield
    }) : () -> ()
    %mul3A_44 = arith.constant 632 : i32
    %mul3A_45 = arith.muli %arg1, %mul3A_44 : i32
    %add3A_46 = arith.constant 128 : i32
    %add3A_47 = arith.addi %mul3A_45, %add3A_46 : i32
    "tpu.region"() ({
      %run_scoped3A = tpu.sem_alloc : memref<!tpu.dma_semaphore, #tpu.memory_space<semaphore_mem>>
      %dma_start3A_94 = arith.constant 0 : i32
      %dma_start3A_95 = tpu.memref_slice %arg16[%add3A_47, %dma_start3A_94] : memref<10112x128xf32, #tpu.memory_space<vmem_shared>> -> memref<128x128xf32, #tpu.memory_space<vmem_shared>>
      %dma_start3A_96 = arith.constant 0 : i32
      %dma_start3A_97 = tpu.memref_slice %arg16[%add3A_47, %dma_start3A_96] : memref<10112x128xf32, #tpu.memory_space<vmem_shared>> -> memref<128x128xf32, #tpu.memory_space<vmem_shared>>
      tpu.enqueue_dma source(%arg6 : memref<128x128xf32, #tpu.memory_space<vmem>>) target(%dma_start3A_97 : memref<128x128xf32, #tpu.memory_space<vmem_shared>>) target_semaphore(%run_scoped3A : memref<!tpu.dma_semaphore, #tpu.memory_space<semaphore_mem>>)
      %dma_wait3A_98 = arith.constant 0 : i32
      %dma_wait3A_99 = tpu.memref_slice %arg16[%add3A_47, %dma_wait3A_98] : memref<10112x128xf32, #tpu.memory_space<vmem_shared>> -> memref<128x128xf32, #tpu.memory_space<vmem_shared>>
      %dma_wait3A_100 = arith.constant 0 : i32
      %dma_wait3A_101 = tpu.memref_slice %arg16[%add3A_47, %dma_wait3A_100] : memref<10112x128xf32, #tpu.memory_space<vmem_shared>> -> memref<128x128xf32, #tpu.memory_space<vmem_shared>>
      tpu.wait_dma2 semaphore(%run_scoped3A : memref<!tpu.dma_semaphore, #tpu.memory_space<semaphore_mem>>) src(%arg6 : memref<128x128xf32, #tpu.memory_space<vmem>>) dst(%dma_wait3A_101 : memref<128x128xf32, #tpu.memory_space<vmem_shared>>)
      tpu.yield
    }) : () -> ()
    %mul3A_48 = arith.constant 632 : i32
    %mul3A_49 = arith.muli %arg1, %mul3A_48 : i32
    %add3A_50 = arith.constant 256 : i32
    %add3A_51 = arith.addi %mul3A_49, %add3A_50 : i32
    "tpu.region"() ({
      %run_scoped3A = tpu.sem_alloc : memref<!tpu.dma_semaphore, #tpu.memory_space<semaphore_mem>>
      %dma_start3A_94 = arith.constant 0 : i32
      %dma_start3A_95 = tpu.memref_slice %arg16[%add3A_51, %dma_start3A_94] : memref<10112x128xf32, #tpu.memory_space<vmem_shared>> -> memref<128x128xf32, #tpu.memory_space<vmem_shared>>
      %dma_start3A_96 = arith.constant 0 : i32
      %dma_start3A_97 = tpu.memref_slice %arg16[%add3A_51, %dma_start3A_96] : memref<10112x128xf32, #tpu.memory_space<vmem_shared>> -> memref<128x128xf32, #tpu.memory_space<vmem_shared>>
      tpu.enqueue_dma source(%arg6 : memref<128x128xf32, #tpu.memory_space<vmem>>) target(%dma_start3A_97 : memref<128x128xf32, #tpu.memory_space<vmem_shared>>) target_semaphore(%run_scoped3A : memref<!tpu.dma_semaphore, #tpu.memory_space<semaphore_mem>>)
      %dma_wait3A_98 = arith.constant 0 : i32
      %dma_wait3A_99 = tpu.memref_slice %arg16[%add3A_51, %dma_wait3A_98] : memref<10112x128xf32, #tpu.memory_space<vmem_shared>> -> memref<128x128xf32, #tpu.memory_space<vmem_shared>>
      %dma_wait3A_100 = arith.constant 0 : i32
      %dma_wait3A_101 = tpu.memref_slice %arg16[%add3A_51, %dma_wait3A_100] : memref<10112x128xf32, #tpu.memory_space<vmem_shared>> -> memref<128x128xf32, #tpu.memory_space<vmem_shared>>
      tpu.wait_dma2 semaphore(%run_scoped3A : memref<!tpu.dma_semaphore, #tpu.memory_space<semaphore_mem>>) src(%arg6 : memref<128x128xf32, #tpu.memory_space<vmem>>) dst(%dma_wait3A_101 : memref<128x128xf32, #tpu.memory_space<vmem_shared>>)
      tpu.yield
    }) : () -> ()
    %mul3A_52 = arith.constant 632 : i32
    %mul3A_53 = arith.muli %arg1, %mul3A_52 : i32
    %add3A_54 = arith.constant 384 : i32
    %add3A_55 = arith.addi %mul3A_53, %add3A_54 : i32
    "tpu.region"() ({
      %run_scoped3A = tpu.sem_alloc : memref<!tpu.dma_semaphore, #tpu.memory_space<semaphore_mem>>
      %dma_start3A_94 = arith.constant 0 : i32
      %dma_start3A_95 = tpu.memref_slice %arg16[%add3A_55, %dma_start3A_94] : memref<10112x128xf32, #tpu.memory_space<vmem_shared>> -> memref<128x128xf32, #tpu.memory_space<vmem_shared>>
      %dma_start3A_96 = arith.constant 0 : i32
      %dma_start3A_97 = tpu.memref_slice %arg16[%add3A_55, %dma_start3A_96] : memref<10112x128xf32, #tpu.memory_space<vmem_shared>> -> memref<128x128xf32, #tpu.memory_space<vmem_shared>>
      tpu.enqueue_dma source(%arg6 : memref<128x128xf32, #tpu.memory_space<vmem>>) target(%dma_start3A_97 : memref<128x128xf32, #tpu.memory_space<vmem_shared>>) target_semaphore(%run_scoped3A : memref<!tpu.dma_semaphore, #tpu.memory_space<semaphore_mem>>)
      %dma_wait3A_98 = arith.constant 0 : i32
      %dma_wait3A_99 = tpu.memref_slice %arg16[%add3A_55, %dma_wait3A_98] : memref<10112x128xf32, #tpu.memory_space<vmem_shared>> -> memref<128x128xf32, #tpu.memory_space<vmem_shared>>
      %dma_wait3A_100 = arith.constant 0 : i32
      %dma_wait3A_101 = tpu.memref_slice %arg16[%add3A_55, %dma_wait3A_100] : memref<10112x128xf32, #tpu.memory_space<vmem_shared>> -> memref<128x128xf32, #tpu.memory_space<vmem_shared>>
      tpu.wait_dma2 semaphore(%run_scoped3A : memref<!tpu.dma_semaphore, #tpu.memory_space<semaphore_mem>>) src(%arg6 : memref<128x128xf32, #tpu.memory_space<vmem>>) dst(%dma_wait3A_101 : memref<128x128xf32, #tpu.memory_space<vmem_shared>>)
      tpu.yield
    }) : () -> ()
    %mul3A_56 = arith.constant 632 : i32
    %mul3A_57 = arith.muli %arg1, %mul3A_56 : i32
    %add3A_58 = arith.constant 512 : i32
    %add3A_59 = arith.addi %mul3A_57, %add3A_58 : i32
    "tpu.region"() ({
      %run_scoped3A = tpu.sem_alloc : memref<!tpu.dma_semaphore, #tpu.memory_space<semaphore_mem>>
      %dma_start3A_94 = arith.constant 0 : i32
      %dma_start3A_95 = arith.constant 0 : i32
      %dma_start3A_96 = tpu.memref_slice %arg6[%dma_start3A_94, %dma_start3A_95] : memref<128x128xf32, #tpu.memory_space<vmem>> -> memref<120x128xf32, #tpu.memory_space<vmem>>
      %dma_start3A_97 = arith.constant 0 : i32
      %dma_start3A_98 = tpu.memref_slice %arg16[%add3A_59, %dma_start3A_97] : memref<10112x128xf32, #tpu.memory_space<vmem_shared>> -> memref<120x128xf32, #tpu.memory_space<vmem_shared>>
      %dma_start3A_99 = arith.constant 0 : i32
      %dma_start3A_100 = tpu.memref_slice %arg16[%add3A_59, %dma_start3A_99] : memref<10112x128xf32, #tpu.memory_space<vmem_shared>> -> memref<120x128xf32, #tpu.memory_space<vmem_shared>>
      %dma_start3A_101 = arith.constant 0 : i32
      %dma_start3A_102 = arith.constant 0 : i32
      %dma_start3A_103 = tpu.memref_slice %arg6[%dma_start3A_101, %dma_start3A_102] : memref<128x128xf32, #tpu.memory_space<vmem>> -> memref<120x128xf32, #tpu.memory_space<vmem>>
      tpu.enqueue_dma source(%dma_start3A_103 : memref<120x128xf32, #tpu.memory_space<vmem>>) target(%dma_start3A_100 : memref<120x128xf32, #tpu.memory_space<vmem_shared>>) target_semaphore(%run_scoped3A : memref<!tpu.dma_semaphore, #tpu.memory_space<semaphore_mem>>)
      %dma_wait3A_104 = arith.constant 0 : i32
      %dma_wait3A_105 = arith.constant 0 : i32
      %dma_wait3A_106 = tpu.memref_slice %arg6[%dma_wait3A_104, %dma_wait3A_105] : memref<128x128xf32, #tpu.memory_space<vmem>> -> memref<120x128xf32, #tpu.memory_space<vmem>>
      %dma_wait3A_107 = arith.constant 0 : i32
      %dma_wait3A_108 = tpu.memref_slice %arg16[%add3A_59, %dma_wait3A_107] : memref<10112x128xf32, #tpu.memory_space<vmem_shared>> -> memref<120x128xf32, #tpu.memory_space<vmem_shared>>
      %dma_wait3A_109 = arith.constant 0 : i32
      %dma_wait3A_110 = tpu.memref_slice %arg16[%add3A_59, %dma_wait3A_109] : memref<10112x128xf32, #tpu.memory_space<vmem_shared>> -> memref<120x128xf32, #tpu.memory_space<vmem_shared>>
      %dma_wait3A_111 = arith.constant 0 : i32
      %dma_wait3A_112 = arith.constant 0 : i32
      %dma_wait3A_113 = tpu.memref_slice %arg6[%dma_wait3A_111, %dma_wait3A_112] : memref<128x128xf32, #tpu.memory_space<vmem>> -> memref<120x128xf32, #tpu.memory_space<vmem>>
      tpu.wait_dma2 semaphore(%run_scoped3A : memref<!tpu.dma_semaphore, #tpu.memory_space<semaphore_mem>>) src(%dma_wait3A_113 : memref<120x128xf32, #tpu.memory_space<vmem>>) dst(%dma_wait3A_110 : memref<120x128xf32, #tpu.memory_space<vmem_shared>>)
      tpu.yield
    }) : () -> ()
    %add3A_60 = arith.constant 0 : i32
    %add3A_61 = arith.addi %mul3A_2, %add3A_60 : i32
    %mul3A_62 = arith.constant 128 : i32
    %mul3A_63 = arith.muli %add3A_61, %mul3A_62 : i32
    %dma_wait3A = tpu.memref_slice %arg3[%mul3A_63] : memref<327680xi32, #tpu.memory_space<hbm>> -> memref<128xi32, #tpu.memory_space<hbm>>
    %dma_wait3A_64 = tpu.memref_slice %arg3[%mul3A_63] : memref<327680xi32, #tpu.memory_space<hbm>> -> memref<128xi32, #tpu.memory_space<hbm>>
    tpu.wait_dma2 semaphore(%arg19 : memref<!tpu.dma_semaphore, #tpu.memory_space<semaphore_mem>>) src(%dma_wait3A_64 : memref<128xi32, #tpu.memory_space<hbm>>) dst(%arg8 : memref<128xi32, #tpu.memory_space<vmem>>)
    %dma_wait3A_65 = tpu.memref_slice %arg4[%mul3A_63] : memref<327680xi32, #tpu.memory_space<hbm>> -> memref<128xi32, #tpu.memory_space<hbm>>
    %dma_wait3A_66 = tpu.memref_slice %arg4[%mul3A_63] : memref<327680xi32, #tpu.memory_space<hbm>> -> memref<128xi32, #tpu.memory_space<hbm>>
    tpu.wait_dma2 semaphore(%arg19 : memref<!tpu.dma_semaphore, #tpu.memory_space<semaphore_mem>>) src(%dma_wait3A_66 : memref<128xi32, #tpu.memory_space<hbm>>) dst(%arg9 : memref<128xi32, #tpu.memory_space<vmem>>)
    %dma_start3A_67 = arith.constant 0 : i32
    %dma_start3A_68 = arith.constant 0 : i32
    %dma_start3A_69 = tpu.memref_slice %arg2[%dma_start3A_67, %dma_start3A_68] : memref<10000x128xf32, #tpu.memory_space<hbm>> -> memref<10000x128xf32, #tpu.memory_space<hbm>>
    tpu.enqueue_indirect_dma source(%dma_start3A_69 : memref<10000x128xf32, #tpu.memory_space<hbm>>) target(%arg6 : memref<128x128xf32, #tpu.memory_space<vmem>>) offsets(%arg8 : memref<128xi32, #tpu.memory_space<vmem>>) semaphore(%arg17 : memref<!tpu.dma_semaphore, #tpu.memory_space<semaphore_mem>>)
    %add3A_70 = arith.constant 1 : i32
    %add3A_71 = arith.addi %mul3A_2, %add3A_70 : i32
    %mul3A_72 = arith.constant 128 : i32
    %mul3A_73 = arith.muli %add3A_71, %mul3A_72 : i32
    %dma_wait3A_74 = tpu.memref_slice %arg3[%mul3A_73] : memref<327680xi32, #tpu.memory_space<hbm>> -> memref<128xi32, #tpu.memory_space<hbm>>
    %dma_wait3A_75 = tpu.memref_slice %arg3[%mul3A_73] : memref<327680xi32, #tpu.memory_space<hbm>> -> memref<128xi32, #tpu.memory_space<hbm>>
    tpu.wait_dma2 semaphore(%arg20 : memref<!tpu.dma_semaphore, #tpu.memory_space<semaphore_mem>>) src(%dma_wait3A_75 : memref<128xi32, #tpu.memory_space<hbm>>) dst(%arg10 : memref<128xi32, #tpu.memory_space<vmem>>)
    %dma_wait3A_76 = tpu.memref_slice %arg4[%mul3A_73] : memref<327680xi32, #tpu.memory_space<hbm>> -> memref<128xi32, #tpu.memory_space<hbm>>
    %dma_wait3A_77 = tpu.memref_slice %arg4[%mul3A_73] : memref<327680xi32, #tpu.memory_space<hbm>> -> memref<128xi32, #tpu.memory_space<hbm>>
    tpu.wait_dma2 semaphore(%arg20 : memref<!tpu.dma_semaphore, #tpu.memory_space<semaphore_mem>>) src(%dma_wait3A_77 : memref<128xi32, #tpu.memory_space<hbm>>) dst(%arg11 : memref<128xi32, #tpu.memory_space<vmem>>)
    %dma_start3A_78 = arith.constant 0 : i32
    %dma_start3A_79 = arith.constant 0 : i32
    %dma_start3A_80 = tpu.memref_slice %arg2[%dma_start3A_78, %dma_start3A_79] : memref<10000x128xf32, #tpu.memory_space<hbm>> -> memref<10000x128xf32, #tpu.memory_space<hbm>>
    tpu.enqueue_indirect_dma source(%dma_start3A_80 : memref<10000x128xf32, #tpu.memory_space<hbm>>) target(%arg7 : memref<128x128xf32, #tpu.memory_space<vmem>>) offsets(%arg10 : memref<128xi32, #tpu.memory_space<vmem>>) semaphore(%arg18 : memref<!tpu.dma_semaphore, #tpu.memory_space<semaphore_mem>>)
    %barrier3A = arith.constant 0 : index
    tpu.barrier barrier_id(%barrier3A)
    %scan3A_81 = arith.constant 0 : i32
    %scan3A_82 = arith.constant 0 : i32
    %scan3A_83 = arith.constant 20 : i32
    %scan3A_84 = arith.addi %scan3A_82, %scan3A_83 : i32
    %scan3A_85 = arith.constant 1 : i32
    scf.for %scan3A_94 = %scan3A_82 to %scan3A_84 step %scan3A_85  : i32 {
      %mul3A_95 = arith.constant 4 : i32
      %mul3A_96 = arith.muli %mul3A_95, %scan3A_94 : i32
      %add3A_97 = arith.constant 0 : i32
      %add3A_98 = arith.addi %mul3A_96, %add3A_97 : i32
      %dma_wait3A_99 = arith.constant 0 : i32
      %dma_wait3A_100 = arith.constant 0 : i32
      %dma_wait3A_101 = tpu.memref_slice %arg2[%dma_wait3A_99, %dma_wait3A_100] : memref<10000x128xf32, #tpu.memory_space<hbm>> -> memref<10000x128xf32, #tpu.memory_space<hbm>>
      tpu.wait_indirect_dma semaphore(%arg17 : memref<!tpu.dma_semaphore, #tpu.memory_space<semaphore_mem>>) src(%dma_wait3A_101 : memref<10000x128xf32, #tpu.memory_space<hbm>>) dst(%arg6 : memref<128x128xf32, #tpu.memory_space<vmem>>)
      "tpu.region"() ({
        %run_scoped3A = tpu.sem_alloc : memref<!tpu.dma_semaphore, #tpu.memory_space<semaphore_mem>>
        %dma_start3A_173 = arith.constant 0 : i32
        %dma_start3A_174 = arith.constant 0 : i32
        %dma_start3A_175 = tpu.memref_slice %arg16[%dma_start3A_173, %dma_start3A_174] : memref<10112x128xf32, #tpu.memory_space<vmem_shared>> -> memref<10112x128xf32, #tpu.memory_space<vmem_shared>>
        tpu.enqueue_indirect_dma source(%arg6 : memref<128x128xf32, #tpu.memory_space<vmem>>) target(%dma_start3A_175 : memref<10112x128xf32, #tpu.memory_space<vmem_shared>>) offsets(%arg9 : memref<128xi32, #tpu.memory_space<vmem>>) semaphore(%run_scoped3A : memref<!tpu.dma_semaphore, #tpu.memory_space<semaphore_mem>>) {add = true}
        %dma_wait3A_176 = arith.constant 0 : i32
        %dma_wait3A_177 = arith.constant 0 : i32
        %dma_wait3A_178 = tpu.memref_slice %arg16[%dma_wait3A_176, %dma_wait3A_177] : memref<10112x128xf32, #tpu.memory_space<vmem_shared>> -> memref<10112x128xf32, #tpu.memory_space<vmem_shared>>
        tpu.wait_indirect_dma semaphore(%run_scoped3A : memref<!tpu.dma_semaphore, #tpu.memory_space<semaphore_mem>>) src(%arg6 : memref<128x128xf32, #tpu.memory_space<vmem>>) dst(%dma_wait3A_178 : memref<10112x128xf32, #tpu.memory_space<vmem_shared>>)
        tpu.yield
      }) : () -> ()
      %add3A_102 = arith.constant 2 : i32
      %add3A_103 = arith.addi %add3A_98, %add3A_102 : i32
      %lt3A_104 = arith.constant 80 : i32
      %lt3A_105 = arith.cmpi slt, %add3A_103, %lt3A_104 : i32
      %convert_element_type3A_106 = arith.extui %lt3A_105 : i1 to i32
      %cond3A_107 = arith.constant 0 : i32
      %cond3A_108 = arith.cmpi ne, %convert_element_type3A_106, %cond3A_107 : i32
      scf.if %cond3A_108 {
        %add3A_173 = arith.constant 2 : i32
        %add3A_174 = arith.addi %add3A_98, %add3A_173 : i32
        %add3A_175 = arith.addi %mul3A_2, %add3A_174 : i32
        %mul3A_176 = arith.constant 128 : i32
        %mul3A_177 = arith.muli %add3A_175, %mul3A_176 : i32
        %dma_wait3A_178 = tpu.memref_slice %arg3[%mul3A_177] : memref<327680xi32, #tpu.memory_space<hbm>> -> memref<128xi32, #tpu.memory_space<hbm>>
        %dma_wait3A_179 = tpu.memref_slice %arg3[%mul3A_177] : memref<327680xi32, #tpu.memory_space<hbm>> -> memref<128xi32, #tpu.memory_space<hbm>>
        tpu.wait_dma2 semaphore(%arg21 : memref<!tpu.dma_semaphore, #tpu.memory_space<semaphore_mem>>) src(%dma_wait3A_179 : memref<128xi32, #tpu.memory_space<hbm>>) dst(%arg12 : memref<128xi32, #tpu.memory_space<vmem>>)
        %dma_wait3A_180 = tpu.memref_slice %arg4[%mul3A_177] : memref<327680xi32, #tpu.memory_space<hbm>> -> memref<128xi32, #tpu.memory_space<hbm>>
        %dma_wait3A_181 = tpu.memref_slice %arg4[%mul3A_177] : memref<327680xi32, #tpu.memory_space<hbm>> -> memref<128xi32, #tpu.memory_space<hbm>>
        tpu.wait_dma2 semaphore(%arg21 : memref<!tpu.dma_semaphore, #tpu.memory_space<semaphore_mem>>) src(%dma_wait3A_181 : memref<128xi32, #tpu.memory_space<hbm>>) dst(%arg13 : memref<128xi32, #tpu.memory_space<vmem>>)
        %dma_start3A_182 = arith.constant 0 : i32
        %dma_start3A_183 = arith.constant 0 : i32
        %dma_start3A_184 = tpu.memref_slice %arg2[%dma_start3A_182, %dma_start3A_183] : memref<10000x128xf32, #tpu.memory_space<hbm>> -> memref<10000x128xf32, #tpu.memory_space<hbm>>
        tpu.enqueue_indirect_dma source(%dma_start3A_184 : memref<10000x128xf32, #tpu.memory_space<hbm>>) target(%arg6 : memref<128x128xf32, #tpu.memory_space<vmem>>) offsets(%arg12 : memref<128xi32, #tpu.memory_space<vmem>>) semaphore(%arg17 : memref<!tpu.dma_semaphore, #tpu.memory_space<semaphore_mem>>)
      } else {
      }
      %add3A_109 = arith.constant 4 : i32
      %add3A_110 = arith.addi %add3A_98, %add3A_109 : i32
      %lt3A_111 = arith.constant 80 : i32
      %lt3A_112 = arith.cmpi slt, %add3A_110, %lt3A_111 : i32
      %convert_element_type3A_113 = arith.extui %lt3A_112 : i1 to i32
      %cond3A_114 = arith.constant 0 : i32
      %cond3A_115 = arith.cmpi ne, %convert_element_type3A_113, %cond3A_114 : i32
      scf.if %cond3A_115 {
        %add3A_173 = arith.constant 4 : i32
        %add3A_174 = arith.addi %add3A_98, %add3A_173 : i32
        %add3A_175 = arith.addi %mul3A_2, %add3A_174 : i32
        %mul3A_176 = arith.constant 128 : i32
        %mul3A_177 = arith.muli %add3A_175, %mul3A_176 : i32
        %dma_start3A_178 = tpu.memref_slice %arg3[%mul3A_177] : memref<327680xi32, #tpu.memory_space<hbm>> -> memref<128xi32, #tpu.memory_space<hbm>>
        %dma_start3A_179 = tpu.memref_slice %arg3[%mul3A_177] : memref<327680xi32, #tpu.memory_space<hbm>> -> memref<128xi32, #tpu.memory_space<hbm>>
        tpu.enqueue_dma source(%dma_start3A_179 : memref<128xi32, #tpu.memory_space<hbm>>) target(%arg8 : memref<128xi32, #tpu.memory_space<vmem>>) target_semaphore(%arg19 : memref<!tpu.dma_semaphore, #tpu.memory_space<semaphore_mem>>)
        %dma_start3A_180 = tpu.memref_slice %arg4[%mul3A_177] : memref<327680xi32, #tpu.memory_space<hbm>> -> memref<128xi32, #tpu.memory_space<hbm>>
        %dma_start3A_181 = tpu.memref_slice %arg4[%mul3A_177] : memref<327680xi32, #tpu.memory_space<hbm>> -> memref<128xi32, #tpu.memory_space<hbm>>
        tpu.enqueue_dma source(%dma_start3A_181 : memref<128xi32, #tpu.memory_space<hbm>>) target(%arg9 : memref<128xi32, #tpu.memory_space<vmem>>) target_semaphore(%arg19 : memref<!tpu.dma_semaphore, #tpu.memory_space<semaphore_mem>>)
      } else {
      }
      %add3A_116 = arith.constant 1 : i32
      %add3A_117 = arith.addi %mul3A_96, %add3A_116 : i32
      %dma_wait3A_118 = arith.constant 0 : i32
      %dma_wait3A_119 = arith.constant 0 : i32
      %dma_wait3A_120 = tpu.memref_slice %arg2[%dma_wait3A_118, %dma_wait3A_119] : memref<10000x128xf32, #tpu.memory_space<hbm>> -> memref<10000x128xf32, #tpu.memory_space<hbm>>
      tpu.wait_indirect_dma semaphore(%arg18 : memref<!tpu.dma_semaphore, #tpu.memory_space<semaphore_mem>>) src(%dma_wait3A_120 : memref<10000x128xf32, #tpu.memory_space<hbm>>) dst(%arg7 : memref<128x128xf32, #tpu.memory_space<vmem>>)
      "tpu.region"() ({
        %run_scoped3A = tpu.sem_alloc : memref<!tpu.dma_semaphore, #tpu.memory_space<semaphore_mem>>
        %dma_start3A_173 = arith.constant 0 : i32
        %dma_start3A_174 = arith.constant 0 : i32
        %dma_start3A_175 = tpu.memref_slice %arg16[%dma_start3A_173, %dma_start3A_174] : memref<10112x128xf32, #tpu.memory_space<vmem_shared>> -> memref<10112x128xf32, #tpu.memory_space<vmem_shared>>
        tpu.enqueue_indirect_dma source(%arg7 : memref<128x128xf32, #tpu.memory_space<vmem>>) target(%dma_start3A_175 : memref<10112x128xf32, #tpu.memory_space<vmem_shared>>) offsets(%arg11 : memref<128xi32, #tpu.memory_space<vmem>>) semaphore(%run_scoped3A : memref<!tpu.dma_semaphore, #tpu.memory_space<semaphore_mem>>) {add = true}
        %dma_wait3A_176 = arith.constant 0 : i32
        %dma_wait3A_177 = arith.constant 0 : i32
        %dma_wait3A_178 = tpu.memref_slice %arg16[%dma_wait3A_176, %dma_wait3A_177] : memref<10112x128xf32, #tpu.memory_space<vmem_shared>> -> memref<10112x128xf32, #tpu.memory_space<vmem_shared>>
        tpu.wait_indirect_dma semaphore(%run_scoped3A : memref<!tpu.dma_semaphore, #tpu.memory_space<semaphore_mem>>) src(%arg7 : memref<128x128xf32, #tpu.memory_space<vmem>>) dst(%dma_wait3A_178 : memref<10112x128xf32, #tpu.memory_space<vmem_shared>>)
        tpu.yield
      }) : () -> ()
      %add3A_121 = arith.constant 2 : i32
      %add3A_122 = arith.addi %add3A_117, %add3A_121 : i32
      %lt3A_123 = arith.constant 80 : i32
      %lt3A_124 = arith.cmpi slt, %add3A_122, %lt3A_123 : i32
      %convert_element_type3A_125 = arith.extui %lt3A_124 : i1 to i32
      %cond3A_126 = arith.constant 0 : i32
      %cond3A_127 = arith.cmpi ne, %convert_element_type3A_125, %cond3A_126 : i32
      scf.if %cond3A_127 {
        %add3A_173 = arith.constant 2 : i32
        %add3A_174 = arith.addi %add3A_117, %add3A_173 : i32
        %add3A_175 = arith.addi %mul3A_2, %add3A_174 : i32
        %mul3A_176 = arith.constant 128 : i32
        %mul3A_177 = arith.muli %add3A_175, %mul3A_176 : i32
        %dma_wait3A_178 = tpu.memref_slice %arg3[%mul3A_177] : memref<327680xi32, #tpu.memory_space<hbm>> -> memref<128xi32, #tpu.memory_space<hbm>>
        %dma_wait3A_179 = tpu.memref_slice %arg3[%mul3A_177] : memref<327680xi32, #tpu.memory_space<hbm>> -> memref<128xi32, #tpu.memory_space<hbm>>
        tpu.wait_dma2 semaphore(%arg22 : memref<!tpu.dma_semaphore, #tpu.memory_space<semaphore_mem>>) src(%dma_wait3A_179 : memref<128xi32, #tpu.memory_space<hbm>>) dst(%arg14 : memref<128xi32, #tpu.memory_space<vmem>>)
        %dma_wait3A_180 = tpu.memref_slice %arg4[%mul3A_177] : memref<327680xi32, #tpu.memory_space<hbm>> -> memref<128xi32, #tpu.memory_space<hbm>>
        %dma_wait3A_181 = tpu.memref_slice %arg4[%mul3A_177] : memref<327680xi32, #tpu.memory_space<hbm>> -> memref<128xi32, #tpu.memory_space<hbm>>
        tpu.wait_dma2 semaphore(%arg22 : memref<!tpu.dma_semaphore, #tpu.memory_space<semaphore_mem>>) src(%dma_wait3A_181 : memref<128xi32, #tpu.memory_space<hbm>>) dst(%arg15 : memref<128xi32, #tpu.memory_space<vmem>>)
        %dma_start3A_182 = arith.constant 0 : i32
        %dma_start3A_183 = arith.constant 0 : i32
        %dma_start3A_184 = tpu.memref_slice %arg2[%dma_start3A_182, %dma_start3A_183] : memref<10000x128xf32, #tpu.memory_space<hbm>> -> memref<10000x128xf32, #tpu.memory_space<hbm>>
        tpu.enqueue_indirect_dma source(%dma_start3A_184 : memref<10000x128xf32, #tpu.memory_space<hbm>>) target(%arg7 : memref<128x128xf32, #tpu.memory_space<vmem>>) offsets(%arg14 : memref<128xi32, #tpu.memory_space<vmem>>) semaphore(%arg18 : memref<!tpu.dma_semaphore, #tpu.memory_space<semaphore_mem>>)
      } else {
      }
      %add3A_128 = arith.constant 4 : i32
      %add3A_129 = arith.addi %add3A_117, %add3A_128 : i32
      %lt3A_130 = arith.constant 80 : i32
      %lt3A_131 = arith.cmpi slt, %add3A_129, %lt3A_130 : i32
      %convert_element_type3A_132 = arith.extui %lt3A_131 : i1 to i32
      %cond3A_133 = arith.constant 0 : i32
      %cond3A_134 = arith.cmpi ne, %convert_element_type3A_132, %cond3A_133 : i32
      scf.if %cond3A_134 {
        %add3A_173 = arith.constant 4 : i32
        %add3A_174 = arith.addi %add3A_117, %add3A_173 : i32
        %add3A_175 = arith.addi %mul3A_2, %add3A_174 : i32
        %mul3A_176 = arith.constant 128 : i32
        %mul3A_177 = arith.muli %add3A_175, %mul3A_176 : i32
        %dma_start3A_178 = tpu.memref_slice %arg3[%mul3A_177] : memref<327680xi32, #tpu.memory_space<hbm>> -> memref<128xi32, #tpu.memory_space<hbm>>
        %dma_start3A_179 = tpu.memref_slice %arg3[%mul3A_177] : memref<327680xi32, #tpu.memory_space<hbm>> -> memref<128xi32, #tpu.memory_space<hbm>>
        tpu.enqueue_dma source(%dma_start3A_179 : memref<128xi32, #tpu.memory_space<hbm>>) target(%arg10 : memref<128xi32, #tpu.memory_space<vmem>>) target_semaphore(%arg20 : memref<!tpu.dma_semaphore, #tpu.memory_space<semaphore_mem>>)
        %dma_start3A_180 = tpu.memref_slice %arg4[%mul3A_177] : memref<327680xi32, #tpu.memory_space<hbm>> -> memref<128xi32, #tpu.memory_space<hbm>>
        %dma_start3A_181 = tpu.memref_slice %arg4[%mul3A_177] : memref<327680xi32, #tpu.memory_space<hbm>> -> memref<128xi32, #tpu.memory_space<hbm>>
        tpu.enqueue_dma source(%dma_start3A_181 : memref<128xi32, #tpu.memory_space<hbm>>) target(%arg11 : memref<128xi32, #tpu.memory_space<vmem>>) target_semaphore(%arg20 : memref<!tpu.dma_semaphore, #tpu.memory_space<semaphore_mem>>)
      } else {
      }
      %add3A_135 = arith.constant 2 : i32
      %add3A_136 = arith.addi %mul3A_96, %add3A_135 : i32
      %dma_wait3A_137 = arith.constant 0 : i32
      %dma_wait3A_138 = arith.constant 0 : i32
      %dma_wait3A_139 = tpu.memref_slice %arg2[%dma_wait3A_137, %dma_wait3A_138] : memref<10000x128xf32, #tpu.memory_space<hbm>> -> memref<10000x128xf32, #tpu.memory_space<hbm>>
      tpu.wait_indirect_dma semaphore(%arg17 : memref<!tpu.dma_semaphore, #tpu.memory_space<semaphore_mem>>) src(%dma_wait3A_139 : memref<10000x128xf32, #tpu.memory_space<hbm>>) dst(%arg6 : memref<128x128xf32, #tpu.memory_space<vmem>>)
      "tpu.region"() ({
        %run_scoped3A = tpu.sem_alloc : memref<!tpu.dma_semaphore, #tpu.memory_space<semaphore_mem>>
        %dma_start3A_173 = arith.constant 0 : i32
        %dma_start3A_174 = arith.constant 0 : i32
        %dma_start3A_175 = tpu.memref_slice %arg16[%dma_start3A_173, %dma_start3A_174] : memref<10112x128xf32, #tpu.memory_space<vmem_shared>> -> memref<10112x128xf32, #tpu.memory_space<vmem_shared>>
        tpu.enqueue_indirect_dma source(%arg6 : memref<128x128xf32, #tpu.memory_space<vmem>>) target(%dma_start3A_175 : memref<10112x128xf32, #tpu.memory_space<vmem_shared>>) offsets(%arg13 : memref<128xi32, #tpu.memory_space<vmem>>) semaphore(%run_scoped3A : memref<!tpu.dma_semaphore, #tpu.memory_space<semaphore_mem>>) {add = true}
        %dma_wait3A_176 = arith.constant 0 : i32
        %dma_wait3A_177 = arith.constant 0 : i32
        %dma_wait3A_178 = tpu.memref_slice %arg16[%dma_wait3A_176, %dma_wait3A_177] : memref<10112x128xf32, #tpu.memory_space<vmem_shared>> -> memref<10112x128xf32, #tpu.memory_space<vmem_shared>>
        tpu.wait_indirect_dma semaphore(%run_scoped3A : memref<!tpu.dma_semaphore, #tpu.memory_space<semaphore_mem>>) src(%arg6 : memref<128x128xf32, #tpu.memory_space<vmem>>) dst(%dma_wait3A_178 : memref<10112x128xf32, #tpu.memory_space<vmem_shared>>)
        tpu.yield
      }) : () -> ()
      %add3A_140 = arith.constant 2 : i32
      %add3A_141 = arith.addi %add3A_136, %add3A_140 : i32
      %lt3A_142 = arith.constant 80 : i32
      %lt3A_143 = arith.cmpi slt, %add3A_141, %lt3A_142 : i32
      %convert_element_type3A_144 = arith.extui %lt3A_143 : i1 to i32
      %cond3A_145 = arith.constant 0 : i32
      %cond3A_146 = arith.cmpi ne, %convert_element_type3A_144, %cond3A_145 : i32
      scf.if %cond3A_146 {
        %add3A_173 = arith.constant 2 : i32
        %add3A_174 = arith.addi %add3A_136, %add3A_173 : i32
        %add3A_175 = arith.addi %mul3A_2, %add3A_174 : i32
        %mul3A_176 = arith.constant 128 : i32
        %mul3A_177 = arith.muli %add3A_175, %mul3A_176 : i32
        %dma_wait3A_178 = tpu.memref_slice %arg3[%mul3A_177] : memref<327680xi32, #tpu.memory_space<hbm>> -> memref<128xi32, #tpu.memory_space<hbm>>
        %dma_wait3A_179 = tpu.memref_slice %arg3[%mul3A_177] : memref<327680xi32, #tpu.memory_space<hbm>> -> memref<128xi32, #tpu.memory_space<hbm>>
        tpu.wait_dma2 semaphore(%arg19 : memref<!tpu.dma_semaphore, #tpu.memory_space<semaphore_mem>>) src(%dma_wait3A_179 : memref<128xi32, #tpu.memory_space<hbm>>) dst(%arg8 : memref<128xi32, #tpu.memory_space<vmem>>)
        %dma_wait3A_180 = tpu.memref_slice %arg4[%mul3A_177] : memref<327680xi32, #tpu.memory_space<hbm>> -> memref<128xi32, #tpu.memory_space<hbm>>
        %dma_wait3A_181 = tpu.memref_slice %arg4[%mul3A_177] : memref<327680xi32, #tpu.memory_space<hbm>> -> memref<128xi32, #tpu.memory_space<hbm>>
        tpu.wait_dma2 semaphore(%arg19 : memref<!tpu.dma_semaphore, #tpu.memory_space<semaphore_mem>>) src(%dma_wait3A_181 : memref<128xi32, #tpu.memory_space<hbm>>) dst(%arg9 : memref<128xi32, #tpu.memory_space<vmem>>)
        %dma_start3A_182 = arith.constant 0 : i32
        %dma_start3A_183 = arith.constant 0 : i32
        %dma_start3A_184 = tpu.memref_slice %arg2[%dma_start3A_182, %dma_start3A_183] : memref<10000x128xf32, #tpu.memory_space<hbm>> -> memref<10000x128xf32, #tpu.memory_space<hbm>>
        tpu.enqueue_indirect_dma source(%dma_start3A_184 : memref<10000x128xf32, #tpu.memory_space<hbm>>) target(%arg6 : memref<128x128xf32, #tpu.memory_space<vmem>>) offsets(%arg8 : memref<128xi32, #tpu.memory_space<vmem>>) semaphore(%arg17 : memref<!tpu.dma_semaphore, #tpu.memory_space<semaphore_mem>>)
      } else {
      }
      %add3A_147 = arith.constant 4 : i32
      %add3A_148 = arith.addi %add3A_136, %add3A_147 : i32
      %lt3A_149 = arith.constant 80 : i32
      %lt3A_150 = arith.cmpi slt, %add3A_148, %lt3A_149 : i32
      %convert_element_type3A_151 = arith.extui %lt3A_150 : i1 to i32
      %cond3A_152 = arith.constant 0 : i32
      %cond3A_153 = arith.cmpi ne, %convert_element_type3A_151, %cond3A_152 : i32
      scf.if %cond3A_153 {
        %add3A_173 = arith.constant 4 : i32
        %add3A_174 = arith.addi %add3A_136, %add3A_173 : i32
        %add3A_175 = arith.addi %mul3A_2, %add3A_174 : i32
        %mul3A_176 = arith.constant 128 : i32
        %mul3A_177 = arith.muli %add3A_175, %mul3A_176 : i32
        %dma_start3A_178 = tpu.memref_slice %arg3[%mul3A_177] : memref<327680xi32, #tpu.memory_space<hbm>> -> memref<128xi32, #tpu.memory_space<hbm>>
        %dma_start3A_179 = tpu.memref_slice %arg3[%mul3A_177] : memref<327680xi32, #tpu.memory_space<hbm>> -> memref<128xi32, #tpu.memory_space<hbm>>
        tpu.enqueue_dma source(%dma_start3A_179 : memref<128xi32, #tpu.memory_space<hbm>>) target(%arg12 : memref<128xi32, #tpu.memory_space<vmem>>) target_semaphore(%arg21 : memref<!tpu.dma_semaphore, #tpu.memory_space<semaphore_mem>>)
        %dma_start3A_180 = tpu.memref_slice %arg4[%mul3A_177] : memref<327680xi32, #tpu.memory_space<hbm>> -> memref<128xi32, #tpu.memory_space<hbm>>
        %dma_start3A_181 = tpu.memref_slice %arg4[%mul3A_177] : memref<327680xi32, #tpu.memory_space<hbm>> -> memref<128xi32, #tpu.memory_space<hbm>>
        tpu.enqueue_dma source(%dma_start3A_181 : memref<128xi32, #tpu.memory_space<hbm>>) target(%arg13 : memref<128xi32, #tpu.memory_space<vmem>>) target_semaphore(%arg21 : memref<!tpu.dma_semaphore, #tpu.memory_space<semaphore_mem>>)
      } else {
      }
      %add3A_154 = arith.constant 3 : i32
      %add3A_155 = arith.addi %mul3A_96, %add3A_154 : i32
      %dma_wait3A_156 = arith.constant 0 : i32
      %dma_wait3A_157 = arith.constant 0 : i32
      %dma_wait3A_158 = tpu.memref_slice %arg2[%dma_wait3A_156, %dma_wait3A_157] : memref<10000x128xf32, #tpu.memory_space<hbm>> -> memref<10000x128xf32, #tpu.memory_space<hbm>>
      tpu.wait_indirect_dma semaphore(%arg18 : memref<!tpu.dma_semaphore, #tpu.memory_space<semaphore_mem>>) src(%dma_wait3A_158 : memref<10000x128xf32, #tpu.memory_space<hbm>>) dst(%arg7 : memref<128x128xf32, #tpu.memory_space<vmem>>)
      "tpu.region"() ({
        %run_scoped3A = tpu.sem_alloc : memref<!tpu.dma_semaphore, #tpu.memory_space<semaphore_mem>>
        %dma_start3A_173 = arith.constant 0 : i32
        %dma_start3A_174 = arith.constant 0 : i32
        %dma_start3A_175 = tpu.memref_slice %arg16[%dma_start3A_173, %dma_start3A_174] : memref<10112x128xf32, #tpu.memory_space<vmem_shared>> -> memref<10112x128xf32, #tpu.memory_space<vmem_shared>>
        tpu.enqueue_indirect_dma source(%arg7 : memref<128x128xf32, #tpu.memory_space<vmem>>) target(%dma_start3A_175 : memref<10112x128xf32, #tpu.memory_space<vmem_shared>>) offsets(%arg15 : memref<128xi32, #tpu.memory_space<vmem>>) semaphore(%run_scoped3A : memref<!tpu.dma_semaphore, #tpu.memory_space<semaphore_mem>>) {add = true}
        %dma_wait3A_176 = arith.constant 0 : i32
        %dma_wait3A_177 = arith.constant 0 : i32
        %dma_wait3A_178 = tpu.memref_slice %arg16[%dma_wait3A_176, %dma_wait3A_177] : memref<10112x128xf32, #tpu.memory_space<vmem_shared>> -> memref<10112x128xf32, #tpu.memory_space<vmem_shared>>
        tpu.wait_indirect_dma semaphore(%run_scoped3A : memref<!tpu.dma_semaphore, #tpu.memory_space<semaphore_mem>>) src(%arg7 : memref<128x128xf32, #tpu.memory_space<vmem>>) dst(%dma_wait3A_178 : memref<10112x128xf32, #tpu.memory_space<vmem_shared>>)
        tpu.yield
      }) : () -> ()
      %add3A_159 = arith.constant 2 : i32
      %add3A_160 = arith.addi %add3A_155, %add3A_159 : i32
      %lt3A_161 = arith.constant 80 : i32
      %lt3A_162 = arith.cmpi slt, %add3A_160, %lt3A_161 : i32
      %convert_element_type3A_163 = arith.extui %lt3A_162 : i1 to i32
      %cond3A_164 = arith.constant 0 : i32
      %cond3A_165 = arith.cmpi ne, %convert_element_type3A_163, %cond3A_164 : i32
      scf.if %cond3A_165 {
        %add3A_173 = arith.constant 2 : i32
        %add3A_174 = arith.addi %add3A_155, %add3A_173 : i32
        %add3A_175 = arith.addi %mul3A_2, %add3A_174 : i32
        %mul3A_176 = arith.constant 128 : i32
        %mul3A_177 = arith.muli %add3A_175, %mul3A_176 : i32
        %dma_wait3A_178 = tpu.memref_slice %arg3[%mul3A_177] : memref<327680xi32, #tpu.memory_space<hbm>> -> memref<128xi32, #tpu.memory_space<hbm>>
        %dma_wait3A_179 = tpu.memref_slice %arg3[%mul3A_177] : memref<327680xi32, #tpu.memory_space<hbm>> -> memref<128xi32, #tpu.memory_space<hbm>>
        tpu.wait_dma2 semaphore(%arg20 : memref<!tpu.dma_semaphore, #tpu.memory_space<semaphore_mem>>) src(%dma_wait3A_179 : memref<128xi32, #tpu.memory_space<hbm>>) dst(%arg10 : memref<128xi32, #tpu.memory_space<vmem>>)
        %dma_wait3A_180 = tpu.memref_slice %arg4[%mul3A_177] : memref<327680xi32, #tpu.memory_space<hbm>> -> memref<128xi32, #tpu.memory_space<hbm>>
        %dma_wait3A_181 = tpu.memref_slice %arg4[%mul3A_177] : memref<327680xi32, #tpu.memory_space<hbm>> -> memref<128xi32, #tpu.memory_space<hbm>>
        tpu.wait_dma2 semaphore(%arg20 : memref<!tpu.dma_semaphore, #tpu.memory_space<semaphore_mem>>) src(%dma_wait3A_181 : memref<128xi32, #tpu.memory_space<hbm>>) dst(%arg11 : memref<128xi32, #tpu.memory_space<vmem>>)
        %dma_start3A_182 = arith.constant 0 : i32
        %dma_start3A_183 = arith.constant 0 : i32
        %dma_start3A_184 = tpu.memref_slice %arg2[%dma_start3A_182, %dma_start3A_183] : memref<10000x128xf32, #tpu.memory_space<hbm>> -> memref<10000x128xf32, #tpu.memory_space<hbm>>
        tpu.enqueue_indirect_dma source(%dma_start3A_184 : memref<10000x128xf32, #tpu.memory_space<hbm>>) target(%arg7 : memref<128x128xf32, #tpu.memory_space<vmem>>) offsets(%arg10 : memref<128xi32, #tpu.memory_space<vmem>>) semaphore(%arg18 : memref<!tpu.dma_semaphore, #tpu.memory_space<semaphore_mem>>)
      } else {
      }
      %add3A_166 = arith.constant 4 : i32
      %add3A_167 = arith.addi %add3A_155, %add3A_166 : i32
      %lt3A_168 = arith.constant 80 : i32
      %lt3A_169 = arith.cmpi slt, %add3A_167, %lt3A_168 : i32
      %convert_element_type3A_170 = arith.extui %lt3A_169 : i1 to i32
      %cond3A_171 = arith.constant 0 : i32
      %cond3A_172 = arith.cmpi ne, %convert_element_type3A_170, %cond3A_171 : i32
      scf.if %cond3A_172 {
        %add3A_173 = arith.constant 4 : i32
        %add3A_174 = arith.addi %add3A_155, %add3A_173 : i32
        %add3A_175 = arith.addi %mul3A_2, %add3A_174 : i32
        %mul3A_176 = arith.constant 128 : i32
        %mul3A_177 = arith.muli %add3A_175, %mul3A_176 : i32
        %dma_start3A_178 = tpu.memref_slice %arg3[%mul3A_177] : memref<327680xi32, #tpu.memory_space<hbm>> -> memref<128xi32, #tpu.memory_space<hbm>>
        %dma_start3A_179 = tpu.memref_slice %arg3[%mul3A_177] : memref<327680xi32, #tpu.memory_space<hbm>> -> memref<128xi32, #tpu.memory_space<hbm>>
        tpu.enqueue_dma source(%dma_start3A_179 : memref<128xi32, #tpu.memory_space<hbm>>) target(%arg14 : memref<128xi32, #tpu.memory_space<vmem>>) target_semaphore(%arg22 : memref<!tpu.dma_semaphore, #tpu.memory_space<semaphore_mem>>)
        %dma_start3A_180 = tpu.memref_slice %arg4[%mul3A_177] : memref<327680xi32, #tpu.memory_space<hbm>> -> memref<128xi32, #tpu.memory_space<hbm>>
        %dma_start3A_181 = tpu.memref_slice %arg4[%mul3A_177] : memref<327680xi32, #tpu.memory_space<hbm>> -> memref<128xi32, #tpu.memory_space<hbm>>
        tpu.enqueue_dma source(%dma_start3A_181 : memref<128xi32, #tpu.memory_space<hbm>>) target(%arg15 : memref<128xi32, #tpu.memory_space<vmem>>) target_semaphore(%arg22 : memref<!tpu.dma_semaphore, #tpu.memory_space<semaphore_mem>>)
      } else {
      }
    }
    %scan3A_86 = arith.constant 20 : i32
    %barrier3A_87 = arith.constant 0 : index
    tpu.barrier barrier_id(%barrier3A_87)
    %lt3A = arith.constant 15 : i32
    %lt3A_88 = arith.cmpi slt, %arg1, %lt3A : i32
    %convert_element_type3A = arith.extui %lt3A_88 : i1 to i32
    %cond3A = arith.constant 0 : i32
    %cond3A_89 = arith.cmpi ne, %convert_element_type3A, %cond3A : i32
    scf.if %cond3A_89 {
      %mul3A_94 = arith.constant 632 : i32
      %mul3A_95 = arith.muli %arg1, %mul3A_94 : i32
      %mul3A_96 = arith.constant 632 : i32
      %mul3A_97 = arith.muli %arg1, %mul3A_96 : i32
      "tpu.region"() ({
        %run_scoped3A = tpu.sem_alloc : memref<!tpu.dma_semaphore, #tpu.memory_space<semaphore_mem>>
        %dma_start3A_98 = arith.constant 0 : i32
        %dma_start3A_99 = tpu.memref_slice %arg5[%arg0, %mul3A_97, %dma_start3A_98] : memref<2x10000x128xf32, #tpu.memory_space<hbm>> -> memref<1x632x128xf32, #tpu.memory_space<hbm>>
        %dma_start3A_100 = tpu.memref_squeeze %dma_start3A_99 : memref<1x632x128xf32, #tpu.memory_space<hbm>> -> memref<632x128xf32, #tpu.memory_space<hbm>>
        %dma_start3A_101 = arith.constant 0 : i32
        %dma_start3A_102 = tpu.memref_slice %arg16[%mul3A_95, %dma_start3A_101] : memref<10112x128xf32, #tpu.memory_space<vmem_shared>> -> memref<632x128xf32, #tpu.memory_space<vmem_shared>>
        tpu.enqueue_dma source(%dma_start3A_102 : memref<632x128xf32, #tpu.memory_space<vmem_shared>>) target(%dma_start3A_100 : memref<632x128xf32, #tpu.memory_space<hbm>>) target_semaphore(%run_scoped3A : memref<!tpu.dma_semaphore, #tpu.memory_space<semaphore_mem>>)
        %dma_wait3A_103 = arith.constant 0 : i32
        %dma_wait3A_104 = tpu.memref_slice %arg5[%arg0, %mul3A_97, %dma_wait3A_103] : memref<2x10000x128xf32, #tpu.memory_space<hbm>> -> memref<1x632x128xf32, #tpu.memory_space<hbm>>
        %dma_wait3A_105 = tpu.memref_squeeze %dma_wait3A_104 : memref<1x632x128xf32, #tpu.memory_space<hbm>> -> memref<632x128xf32, #tpu.memory_space<hbm>>
        %dma_wait3A_106 = arith.constant 0 : i32
        %dma_wait3A_107 = tpu.memref_slice %arg16[%mul3A_95, %dma_wait3A_106] : memref<10112x128xf32, #tpu.memory_space<vmem_shared>> -> memref<632x128xf32, #tpu.memory_space<vmem_shared>>
        tpu.wait_dma2 semaphore(%run_scoped3A : memref<!tpu.dma_semaphore, #tpu.memory_space<semaphore_mem>>) src(%dma_wait3A_107 : memref<632x128xf32, #tpu.memory_space<vmem_shared>>) dst(%dma_wait3A_105 : memref<632x128xf32, #tpu.memory_space<hbm>>)
        tpu.yield
      }) : () -> ()
    } else {
    }
    %eq3A = arith.constant 15 : i32
    %eq3A_90 = arith.cmpi eq, %arg1, %eq3A : i32
    %convert_element_type3A_91 = arith.extui %eq3A_90 : i1 to i32
    %cond3A_92 = arith.constant 0 : i32
    %cond3A_93 = arith.cmpi ne, %convert_element_type3A_91, %cond3A_92 : i32
    scf.if %cond3A_93 {
      "tpu.region"() ({
        %run_scoped3A = tpu.sem_alloc : memref<!tpu.dma_semaphore, #tpu.memory_space<semaphore_mem>>
        %dma_start3A_94 = arith.constant 9480 : i32
        %dma_start3A_95 = arith.constant 0 : i32
        %dma_start3A_96 = tpu.memref_slice %arg5[%arg0, %dma_start3A_94, %dma_start3A_95] : memref<2x10000x128xf32, #tpu.memory_space<hbm>> -> memref<1x520x128xf32, #tpu.memory_space<hbm>>
        %dma_start3A_97 = tpu.memref_squeeze %dma_start3A_96 : memref<1x520x128xf32, #tpu.memory_space<hbm>> -> memref<520x128xf32, #tpu.memory_space<hbm>>
        %dma_start3A_98 = arith.constant 9480 : i32
        %dma_start3A_99 = arith.constant 0 : i32
        %dma_start3A_100 = tpu.memref_slice %arg16[%dma_start3A_98, %dma_start3A_99] : memref<10112x128xf32, #tpu.memory_space<vmem_shared>> -> memref<520x128xf32, #tpu.memory_space<vmem_shared>>
        tpu.enqueue_dma source(%dma_start3A_100 : memref<520x128xf32, #tpu.memory_space<vmem_shared>>) target(%dma_start3A_97 : memref<520x128xf32, #tpu.memory_space<hbm>>) target_semaphore(%run_scoped3A : memref<!tpu.dma_semaphore, #tpu.memory_space<semaphore_mem>>)
        %dma_wait3A_101 = arith.constant 9480 : i32
        %dma_wait3A_102 = arith.constant 0 : i32
        %dma_wait3A_103 = tpu.memref_slice %arg5[%arg0, %dma_wait3A_101, %dma_wait3A_102] : memref<2x10000x128xf32, #tpu.memory_space<hbm>> -> memref<1x520x128xf32, #tpu.memory_space<hbm>>
        %dma_wait3A_104 = tpu.memref_squeeze %dma_wait3A_103 : memref<1x520x128xf32, #tpu.memory_space<hbm>> -> memref<520x128xf32, #tpu.memory_space<hbm>>
        %dma_wait3A_105 = arith.constant 9480 : i32
        %dma_wait3A_106 = arith.constant 0 : i32
        %dma_wait3A_107 = tpu.memref_slice %arg16[%dma_wait3A_105, %dma_wait3A_106] : memref<10112x128xf32, #tpu.memory_space<vmem_shared>> -> memref<520x128xf32, #tpu.memory_space<vmem_shared>>
        tpu.wait_dma2 semaphore(%run_scoped3A : memref<!tpu.dma_semaphore, #tpu.memory_space<semaphore_mem>>) src(%dma_wait3A_107 : memref<520x128xf32, #tpu.memory_space<vmem_shared>>) dst(%dma_wait3A_104 : memref<520x128xf32, #tpu.memory_space<hbm>>)
        tpu.yield
      }) : () -> ()
    } else {
    }
    return
  }
}

#map = affine_map<(d0, d1) -> (0, 0)>
#map1 = affine_map<(d0, d1) -> (0)>
#map2 = affine_map<(d0, d1) -> (0, 0, 0)>
module attributes {stable_mosaic.version = 14 : i64} {
  func.func @sc_agg(%arg0: i32, %arg1: i32, %arg2: memref<10000x128xf32, #tpu.memory_space<hbm>>, %arg3: memref<327680xi32, #tpu.memory_space<hbm>>, %arg4: memref<327680xi32, #tpu.memory_space<hbm>>, %arg5: memref<2x10000x128xf32, #tpu.memory_space<hbm>>, %arg6: memref<128x128xf32, #tpu.memory_space<vmem>>, %arg7: memref<128x128xf32, #tpu.memory_space<vmem>>, %arg8: memref<128xi32, #tpu.memory_space<vmem>>, %arg9: memref<128xi32, #tpu.memory_space<vmem>>, %arg10: memref<128xi32, #tpu.memory_space<vmem>>, %arg11: memref<128xi32, #tpu.memory_space<vmem>>, %arg12: memref<128xi32, #tpu.memory_space<vmem>>, %arg13: memref<128xi32, #tpu.memory_space<vmem>>, %arg14: memref<128xi32, #tpu.memory_space<vmem>>, %arg15: memref<128xi32, #tpu.memory_space<vmem>>, %arg16: memref<10112x128xf32, #tpu.memory_space<vmem_shared>>, %arg17: memref<!tpu.dma_semaphore, #tpu.memory_space<semaphore_mem>>, %arg18: memref<!tpu.dma_semaphore, #tpu.memory_space<semaphore_mem>>, %arg19: memref<!tpu.dma_semaphore, #tpu.memory_space<semaphore_mem>>, %arg20: memref<!tpu.dma_semaphore, #tpu.memory_space<semaphore_mem>>, %arg21: memref<!tpu.dma_semaphore, #tpu.memory_space<semaphore_mem>>, %arg22: memref<!tpu.dma_semaphore, #tpu.memory_space<semaphore_mem>>) attributes {dimension_semantics = [#tpu.dimension_semantics<core_parallel>, #tpu.dimension_semantics<subcore_parallel>], iteration_bounds = array<i64: 2, 16>, scalar_prefetch = 0 : i64, scratch_operands = 17 : i64, tpu.core_type = #tpu.core_type<sc_vector_subcore>, window_params = [{transform_indices = #map}, {transform_indices = #map1}, {transform_indices = #map1}, {transform_indices = #map2}]} {
    %mul3A = arith.constant 2 : i32
    %mul3A_0 = arith.muli %arg1, %mul3A : i32
    %add3A = arith.addi %mul3A_0, %arg0 : i32
    %mul3A_1 = arith.constant 80 : i32
    %mul3A_2 = arith.muli %add3A, %mul3A_1 : i32
    %add3A_3 = arith.constant 0 : i32
    %add3A_4 = arith.addi %mul3A_2, %add3A_3 : i32
    %mul3A_5 = arith.constant 128 : i32
    %mul3A_6 = arith.muli %add3A_4, %mul3A_5 : i32
    %dma_start3A = tpu.memref_slice %arg3[%mul3A_6] : memref<327680xi32, #tpu.memory_space<hbm>> -> memref<128xi32, #tpu.memory_space<hbm>>
    %dma_start3A_7 = tpu.memref_slice %arg3[%mul3A_6] : memref<327680xi32, #tpu.memory_space<hbm>> -> memref<128xi32, #tpu.memory_space<hbm>>
    tpu.enqueue_dma source(%dma_start3A_7 : memref<128xi32, #tpu.memory_space<hbm>>) target(%arg8 : memref<128xi32, #tpu.memory_space<vmem>>) target_semaphore(%arg19 : memref<!tpu.dma_semaphore, #tpu.memory_space<semaphore_mem>>)
    %dma_start3A_8 = tpu.memref_slice %arg4[%mul3A_6] : memref<327680xi32, #tpu.memory_space<hbm>> -> memref<128xi32, #tpu.memory_space<hbm>>
    %dma_start3A_9 = tpu.memref_slice %arg4[%mul3A_6] : memref<327680xi32, #tpu.memory_space<hbm>> -> memref<128xi32, #tpu.memory_space<hbm>>
    tpu.enqueue_dma source(%dma_start3A_9 : memref<128xi32, #tpu.memory_space<hbm>>) target(%arg9 : memref<128xi32, #tpu.memory_space<vmem>>) target_semaphore(%arg19 : memref<!tpu.dma_semaphore, #tpu.memory_space<semaphore_mem>>)
    %add3A_10 = arith.constant 1 : i32
    %add3A_11 = arith.addi %mul3A_2, %add3A_10 : i32
    %mul3A_12 = arith.constant 128 : i32
    %mul3A_13 = arith.muli %add3A_11, %mul3A_12 : i32
    %dma_start3A_14 = tpu.memref_slice %arg3[%mul3A_13] : memref<327680xi32, #tpu.memory_space<hbm>> -> memref<128xi32, #tpu.memory_space<hbm>>
    %dma_start3A_15 = tpu.memref_slice %arg3[%mul3A_13] : memref<327680xi32, #tpu.memory_space<hbm>> -> memref<128xi32, #tpu.memory_space<hbm>>
    tpu.enqueue_dma source(%dma_start3A_15 : memref<128xi32, #tpu.memory_space<hbm>>) target(%arg10 : memref<128xi32, #tpu.memory_space<vmem>>) target_semaphore(%arg20 : memref<!tpu.dma_semaphore, #tpu.memory_space<semaphore_mem>>)
    %dma_start3A_16 = tpu.memref_slice %arg4[%mul3A_13] : memref<327680xi32, #tpu.memory_space<hbm>> -> memref<128xi32, #tpu.memory_space<hbm>>
    %dma_start3A_17 = tpu.memref_slice %arg4[%mul3A_13] : memref<327680xi32, #tpu.memory_space<hbm>> -> memref<128xi32, #tpu.memory_space<hbm>>
    tpu.enqueue_dma source(%dma_start3A_17 : memref<128xi32, #tpu.memory_space<hbm>>) target(%arg11 : memref<128xi32, #tpu.memory_space<vmem>>) target_semaphore(%arg20 : memref<!tpu.dma_semaphore, #tpu.memory_space<semaphore_mem>>)
    %add3A_18 = arith.constant 2 : i32
    %add3A_19 = arith.addi %mul3A_2, %add3A_18 : i32
    %mul3A_20 = arith.constant 128 : i32
    %mul3A_21 = arith.muli %add3A_19, %mul3A_20 : i32
    %dma_start3A_22 = tpu.memref_slice %arg3[%mul3A_21] : memref<327680xi32, #tpu.memory_space<hbm>> -> memref<128xi32, #tpu.memory_space<hbm>>
    %dma_start3A_23 = tpu.memref_slice %arg3[%mul3A_21] : memref<327680xi32, #tpu.memory_space<hbm>> -> memref<128xi32, #tpu.memory_space<hbm>>
    tpu.enqueue_dma source(%dma_start3A_23 : memref<128xi32, #tpu.memory_space<hbm>>) target(%arg12 : memref<128xi32, #tpu.memory_space<vmem>>) target_semaphore(%arg21 : memref<!tpu.dma_semaphore, #tpu.memory_space<semaphore_mem>>)
    %dma_start3A_24 = tpu.memref_slice %arg4[%mul3A_21] : memref<327680xi32, #tpu.memory_space<hbm>> -> memref<128xi32, #tpu.memory_space<hbm>>
    %dma_start3A_25 = tpu.memref_slice %arg4[%mul3A_21] : memref<327680xi32, #tpu.memory_space<hbm>> -> memref<128xi32, #tpu.memory_space<hbm>>
    tpu.enqueue_dma source(%dma_start3A_25 : memref<128xi32, #tpu.memory_space<hbm>>) target(%arg13 : memref<128xi32, #tpu.memory_space<vmem>>) target_semaphore(%arg21 : memref<!tpu.dma_semaphore, #tpu.memory_space<semaphore_mem>>)
    %add3A_26 = arith.constant 3 : i32
    %add3A_27 = arith.addi %mul3A_2, %add3A_26 : i32
    %mul3A_28 = arith.constant 128 : i32
    %mul3A_29 = arith.muli %add3A_27, %mul3A_28 : i32
    %dma_start3A_30 = tpu.memref_slice %arg3[%mul3A_29] : memref<327680xi32, #tpu.memory_space<hbm>> -> memref<128xi32, #tpu.memory_space<hbm>>
    %dma_start3A_31 = tpu.memref_slice %arg3[%mul3A_29] : memref<327680xi32, #tpu.memory_space<hbm>> -> memref<128xi32, #tpu.memory_space<hbm>>
    tpu.enqueue_dma source(%dma_start3A_31 : memref<128xi32, #tpu.memory_space<hbm>>) target(%arg14 : memref<128xi32, #tpu.memory_space<vmem>>) target_semaphore(%arg22 : memref<!tpu.dma_semaphore, #tpu.memory_space<semaphore_mem>>)
    %dma_start3A_32 = tpu.memref_slice %arg4[%mul3A_29] : memref<327680xi32, #tpu.memory_space<hbm>> -> memref<128xi32, #tpu.memory_space<hbm>>
    %dma_start3A_33 = tpu.memref_slice %arg4[%mul3A_29] : memref<327680xi32, #tpu.memory_space<hbm>> -> memref<128xi32, #tpu.memory_space<hbm>>
    tpu.enqueue_dma source(%dma_start3A_33 : memref<128xi32, #tpu.memory_space<hbm>>) target(%arg15 : memref<128xi32, #tpu.memory_space<vmem>>) target_semaphore(%arg22 : memref<!tpu.dma_semaphore, #tpu.memory_space<semaphore_mem>>)
    %broadcast_in_dim3A = arith.constant 0.000000e+00 : f32
    %broadcast_in_dim3A_34 = vector.broadcast %broadcast_in_dim3A : f32 to vector<16xf32>
    %scan3A = arith.constant 0 : i32
    %scan3A_35 = arith.constant 0 : i32
    %scan3A_36 = arith.constant 128 : i32
    %scan3A_37 = arith.addi %scan3A_35, %scan3A_36 : i32
    %scan3A_38 = arith.constant 1 : i32
    scf.for %scan3A_94 = %scan3A_35 to %scan3A_37 step %scan3A_38  : i32 {
      %swap3A = arith.index_cast %scan3A_94 : i32 to index
      %swap3A_95 = arith.constant 0 : index
      %swap3A_96 = tpu.vector_load %arg6[%swap3A, %swap3A_95] {strides = array<i32>} : memref<128x128xf32, #tpu.memory_space<vmem>>, vector<1x16xf32>,
      %swap3A_97 = vector.shape_cast %swap3A_96 : vector<1x16xf32> to vector<16xf32>
      %swap3A_98 = vector.shape_cast %broadcast_in_dim3A_34 : vector<16xf32> to vector<1x16xf32>
      tpu.vector_store %arg6[%swap3A, %swap3A_95], %swap3A_98 {strides = array<i32>} : memref<128x128xf32, #tpu.memory_space<vmem>>, vector<1x16xf32>,
      %swap3A_99 = arith.index_cast %scan3A_94 : i32 to index
      %swap3A_100 = arith.constant 16 : index
      %swap3A_101 = tpu.vector_load %arg6[%swap3A_99, %swap3A_100] {strides = array<i32>} : memref<128x128xf32, #tpu.memory_space<vmem>>, vector<1x16xf32>,
      %swap3A_102 = vector.shape_cast %swap3A_101 : vector<1x16xf32> to vector<16xf32>
      %swap3A_103 = vector.shape_cast %broadcast_in_dim3A_34 : vector<16xf32> to vector<1x16xf32>
      tpu.vector_store %arg6[%swap3A_99, %swap3A_100], %swap3A_103 {strides = array<i32>} : memref<128x128xf32, #tpu.memory_space<vmem>>, vector<1x16xf32>,
      %swap3A_104 = arith.index_cast %scan3A_94 : i32 to index
      %swap3A_105 = arith.constant 32 : index
      %swap3A_106 = tpu.vector_load %arg6[%swap3A_104, %swap3A_105] {strides = array<i32>} : memref<128x128xf32, #tpu.memory_space<vmem>>, vector<1x16xf32>,
      %swap3A_107 = vector.shape_cast %swap3A_106 : vector<1x16xf32> to vector<16xf32>
      %swap3A_108 = vector.shape_cast %broadcast_in_dim3A_34 : vector<16xf32> to vector<1x16xf32>
      tpu.vector_store %arg6[%swap3A_104, %swap3A_105], %swap3A_108 {strides = array<i32>} : memref<128x128xf32, #tpu.memory_space<vmem>>, vector<1x16xf32>,
      %swap3A_109 = arith.index_cast %scan3A_94 : i32 to index
      %swap3A_110 = arith.constant 48 : index
      %swap3A_111 = tpu.vector_load %arg6[%swap3A_109, %swap3A_110] {strides = array<i32>} : memref<128x128xf32, #tpu.memory_space<vmem>>, vector<1x16xf32>,
      %swap3A_112 = vector.shape_cast %swap3A_111 : vector<1x16xf32> to vector<16xf32>
      %swap3A_113 = vector.shape_cast %broadcast_in_dim3A_34 : vector<16xf32> to vector<1x16xf32>
      tpu.vector_store %arg6[%swap3A_109, %swap3A_110], %swap3A_113 {strides = array<i32>} : memref<128x128xf32, #tpu.memory_space<vmem>>, vector<1x16xf32>,
      %swap3A_114 = arith.index_cast %scan3A_94 : i32 to index
      %swap3A_115 = arith.constant 64 : index
      %swap3A_116 = tpu.vector_load %arg6[%swap3A_114, %swap3A_115] {strides = array<i32>} : memref<128x128xf32, #tpu.memory_space<vmem>>, vector<1x16xf32>,
      %swap3A_117 = vector.shape_cast %swap3A_116 : vector<1x16xf32> to vector<16xf32>
      %swap3A_118 = vector.shape_cast %broadcast_in_dim3A_34 : vector<16xf32> to vector<1x16xf32>
      tpu.vector_store %arg6[%swap3A_114, %swap3A_115], %swap3A_118 {strides = array<i32>} : memref<128x128xf32, #tpu.memory_space<vmem>>, vector<1x16xf32>,
      %swap3A_119 = arith.index_cast %scan3A_94 : i32 to index
      %swap3A_120 = arith.constant 80 : index
      %swap3A_121 = tpu.vector_load %arg6[%swap3A_119, %swap3A_120] {strides = array<i32>} : memref<128x128xf32, #tpu.memory_space<vmem>>, vector<1x16xf32>,
      %swap3A_122 = vector.shape_cast %swap3A_121 : vector<1x16xf32> to vector<16xf32>
      %swap3A_123 = vector.shape_cast %broadcast_in_dim3A_34 : vector<16xf32> to vector<1x16xf32>
      tpu.vector_store %arg6[%swap3A_119, %swap3A_120], %swap3A_123 {strides = array<i32>} : memref<128x128xf32, #tpu.memory_space<vmem>>, vector<1x16xf32>,
      %swap3A_124 = arith.index_cast %scan3A_94 : i32 to index
      %swap3A_125 = arith.constant 96 : index
      %swap3A_126 = tpu.vector_load %arg6[%swap3A_124, %swap3A_125] {strides = array<i32>} : memref<128x128xf32, #tpu.memory_space<vmem>>, vector<1x16xf32>,
      %swap3A_127 = vector.shape_cast %swap3A_126 : vector<1x16xf32> to vector<16xf32>
      %swap3A_128 = vector.shape_cast %broadcast_in_dim3A_34 : vector<16xf32> to vector<1x16xf32>
      tpu.vector_store %arg6[%swap3A_124, %swap3A_125], %swap3A_128 {strides = array<i32>} : memref<128x128xf32, #tpu.memory_space<vmem>>, vector<1x16xf32>,
      %swap3A_129 = arith.index_cast %scan3A_94 : i32 to index
      %swap3A_130 = arith.constant 112 : index
      %swap3A_131 = tpu.vector_load %arg6[%swap3A_129, %swap3A_130] {strides = array<i32>} : memref<128x128xf32, #tpu.memory_space<vmem>>, vector<1x16xf32>,
      %swap3A_132 = vector.shape_cast %swap3A_131 : vector<1x16xf32> to vector<16xf32>
      %swap3A_133 = vector.shape_cast %broadcast_in_dim3A_34 : vector<16xf32> to vector<1x16xf32>
      tpu.vector_store %arg6[%swap3A_129, %swap3A_130], %swap3A_133 {strides = array<i32>} : memref<128x128xf32, #tpu.memory_space<vmem>>, vector<1x16xf32>,
    }
    %scan3A_39 = arith.constant 128 : i32
    %mul3A_40 = arith.constant 632 : i32
    %mul3A_41 = arith.muli %arg1, %mul3A_40 : i32
    %add3A_42 = arith.constant 0 : i32
    %add3A_43 = arith.addi %mul3A_41, %add3A_42 : i32
    "tpu.region"() ({
      %run_scoped3A = tpu.sem_alloc : memref<!tpu.dma_semaphore, #tpu.memory_space<semaphore_mem>>
      %dma_start3A_94 = arith.constant 0 : i32
      %dma_start3A_95 = tpu.memref_slice %arg16[%add3A_43, %dma_start3A_94] : memref<10112x128xf32, #tpu.memory_space<vmem_shared>> -> memref<128x128xf32, #tpu.memory_space<vmem_shared>>
      %dma_start3A_96 = arith.constant 0 : i32
      %dma_start3A_97 = tpu.memref_slice %arg16[%add3A_43, %dma_start3A_96] : memref<10112x128xf32, #tpu.memory_space<vmem_shared>> -> memref<128x128xf32, #tpu.memory_space<vmem_shared>>
      tpu.enqueue_dma source(%arg6 : memref<128x128xf32, #tpu.memory_space<vmem>>) target(%dma_start3A_97 : memref<128x128xf32, #tpu.memory_space<vmem_shared>>) target_semaphore(%run_scoped3A : memref<!tpu.dma_semaphore, #tpu.memory_space<semaphore_mem>>)
      %dma_wait3A_98 = arith.constant 0 : i32
      %dma_wait3A_99 = tpu.memref_slice %arg16[%add3A_43, %dma_wait3A_98] : memref<10112x128xf32, #tpu.memory_space<vmem_shared>> -> memref<128x128xf32, #tpu.memory_space<vmem_shared>>
      %dma_wait3A_100 = arith.constant 0 : i32
      %dma_wait3A_101 = tpu.memref_slice %arg16[%add3A_43, %dma_wait3A_100] : memref<10112x128xf32, #tpu.memory_space<vmem_shared>> -> memref<128x128xf32, #tpu.memory_space<vmem_shared>>
      tpu.wait_dma2 semaphore(%run_scoped3A : memref<!tpu.dma_semaphore, #tpu.memory_space<semaphore_mem>>) src(%arg6 : memref<128x128xf32, #tpu.memory_space<vmem>>) dst(%dma_wait3A_101 : memref<128x128xf32, #tpu.memory_space<vmem_shared>>)
      tpu.yield
    }) : () -> ()
    %mul3A_44 = arith.constant 632 : i32
    %mul3A_45 = arith.muli %arg1, %mul3A_44 : i32
    %add3A_46 = arith.constant 128 : i32
    %add3A_47 = arith.addi %mul3A_45, %add3A_46 : i32
    "tpu.region"() ({
      %run_scoped3A = tpu.sem_alloc : memref<!tpu.dma_semaphore, #tpu.memory_space<semaphore_mem>>
      %dma_start3A_94 = arith.constant 0 : i32
      %dma_start3A_95 = tpu.memref_slice %arg16[%add3A_47, %dma_start3A_94] : memref<10112x128xf32, #tpu.memory_space<vmem_shared>> -> memref<128x128xf32, #tpu.memory_space<vmem_shared>>
      %dma_start3A_96 = arith.constant 0 : i32
      %dma_start3A_97 = tpu.memref_slice %arg16[%add3A_47, %dma_start3A_96] : memref<10112x128xf32, #tpu.memory_space<vmem_shared>> -> memref<128x128xf32, #tpu.memory_space<vmem_shared>>
      tpu.enqueue_dma source(%arg6 : memref<128x128xf32, #tpu.memory_space<vmem>>) target(%dma_start3A_97 : memref<128x128xf32, #tpu.memory_space<vmem_shared>>) target_semaphore(%run_scoped3A : memref<!tpu.dma_semaphore, #tpu.memory_space<semaphore_mem>>)
      %dma_wait3A_98 = arith.constant 0 : i32
      %dma_wait3A_99 = tpu.memref_slice %arg16[%add3A_47, %dma_wait3A_98] : memref<10112x128xf32, #tpu.memory_space<vmem_shared>> -> memref<128x128xf32, #tpu.memory_space<vmem_shared>>
      %dma_wait3A_100 = arith.constant 0 : i32
      %dma_wait3A_101 = tpu.memref_slice %arg16[%add3A_47, %dma_wait3A_100] : memref<10112x128xf32, #tpu.memory_space<vmem_shared>> -> memref<128x128xf32, #tpu.memory_space<vmem_shared>>
      tpu.wait_dma2 semaphore(%run_scoped3A : memref<!tpu.dma_semaphore, #tpu.memory_space<semaphore_mem>>) src(%arg6 : memref<128x128xf32, #tpu.memory_space<vmem>>) dst(%dma_wait3A_101 : memref<128x128xf32, #tpu.memory_space<vmem_shared>>)
      tpu.yield
    }) : () -> ()
    %mul3A_48 = arith.constant 632 : i32
    %mul3A_49 = arith.muli %arg1, %mul3A_48 : i32
    %add3A_50 = arith.constant 256 : i32
    %add3A_51 = arith.addi %mul3A_49, %add3A_50 : i32
    "tpu.region"() ({
      %run_scoped3A = tpu.sem_alloc : memref<!tpu.dma_semaphore, #tpu.memory_space<semaphore_mem>>
      %dma_start3A_94 = arith.constant 0 : i32
      %dma_start3A_95 = tpu.memref_slice %arg16[%add3A_51, %dma_start3A_94] : memref<10112x128xf32, #tpu.memory_space<vmem_shared>> -> memref<128x128xf32, #tpu.memory_space<vmem_shared>>
      %dma_start3A_96 = arith.constant 0 : i32
      %dma_start3A_97 = tpu.memref_slice %arg16[%add3A_51, %dma_start3A_96] : memref<10112x128xf32, #tpu.memory_space<vmem_shared>> -> memref<128x128xf32, #tpu.memory_space<vmem_shared>>
      tpu.enqueue_dma source(%arg6 : memref<128x128xf32, #tpu.memory_space<vmem>>) target(%dma_start3A_97 : memref<128x128xf32, #tpu.memory_space<vmem_shared>>) target_semaphore(%run_scoped3A : memref<!tpu.dma_semaphore, #tpu.memory_space<semaphore_mem>>)
      %dma_wait3A_98 = arith.constant 0 : i32
      %dma_wait3A_99 = tpu.memref_slice %arg16[%add3A_51, %dma_wait3A_98] : memref<10112x128xf32, #tpu.memory_space<vmem_shared>> -> memref<128x128xf32, #tpu.memory_space<vmem_shared>>
      %dma_wait3A_100 = arith.constant 0 : i32
      %dma_wait3A_101 = tpu.memref_slice %arg16[%add3A_51, %dma_wait3A_100] : memref<10112x128xf32, #tpu.memory_space<vmem_shared>> -> memref<128x128xf32, #tpu.memory_space<vmem_shared>>
      tpu.wait_dma2 semaphore(%run_scoped3A : memref<!tpu.dma_semaphore, #tpu.memory_space<semaphore_mem>>) src(%arg6 : memref<128x128xf32, #tpu.memory_space<vmem>>) dst(%dma_wait3A_101 : memref<128x128xf32, #tpu.memory_space<vmem_shared>>)
      tpu.yield
    }) : () -> ()
    %mul3A_52 = arith.constant 632 : i32
    %mul3A_53 = arith.muli %arg1, %mul3A_52 : i32
    %add3A_54 = arith.constant 384 : i32
    %add3A_55 = arith.addi %mul3A_53, %add3A_54 : i32
    "tpu.region"() ({
      %run_scoped3A = tpu.sem_alloc : memref<!tpu.dma_semaphore, #tpu.memory_space<semaphore_mem>>
      %dma_start3A_94 = arith.constant 0 : i32
      %dma_start3A_95 = tpu.memref_slice %arg16[%add3A_55, %dma_start3A_94] : memref<10112x128xf32, #tpu.memory_space<vmem_shared>> -> memref<128x128xf32, #tpu.memory_space<vmem_shared>>
      %dma_start3A_96 = arith.constant 0 : i32
      %dma_start3A_97 = tpu.memref_slice %arg16[%add3A_55, %dma_start3A_96] : memref<10112x128xf32, #tpu.memory_space<vmem_shared>> -> memref<128x128xf32, #tpu.memory_space<vmem_shared>>
      tpu.enqueue_dma source(%arg6 : memref<128x128xf32, #tpu.memory_space<vmem>>) target(%dma_start3A_97 : memref<128x128xf32, #tpu.memory_space<vmem_shared>>) target_semaphore(%run_scoped3A : memref<!tpu.dma_semaphore, #tpu.memory_space<semaphore_mem>>)
      %dma_wait3A_98 = arith.constant 0 : i32
      %dma_wait3A_99 = tpu.memref_slice %arg16[%add3A_55, %dma_wait3A_98] : memref<10112x128xf32, #tpu.memory_space<vmem_shared>> -> memref<128x128xf32, #tpu.memory_space<vmem_shared>>
      %dma_wait3A_100 = arith.constant 0 : i32
      %dma_wait3A_101 = tpu.memref_slice %arg16[%add3A_55, %dma_wait3A_100] : memref<10112x128xf32, #tpu.memory_space<vmem_shared>> -> memref<128x128xf32, #tpu.memory_space<vmem_shared>>
      tpu.wait_dma2 semaphore(%run_scoped3A : memref<!tpu.dma_semaphore, #tpu.memory_space<semaphore_mem>>) src(%arg6 : memref<128x128xf32, #tpu.memory_space<vmem>>) dst(%dma_wait3A_101 : memref<128x128xf32, #tpu.memory_space<vmem_shared>>)
      tpu.yield
    }) : () -> ()
    %mul3A_56 = arith.constant 632 : i32
    %mul3A_57 = arith.muli %arg1, %mul3A_56 : i32
    %add3A_58 = arith.constant 512 : i32
    %add3A_59 = arith.addi %mul3A_57, %add3A_58 : i32
    "tpu.region"() ({
      %run_scoped3A = tpu.sem_alloc : memref<!tpu.dma_semaphore, #tpu.memory_space<semaphore_mem>>
      %dma_start3A_94 = arith.constant 0 : i32
      %dma_start3A_95 = arith.constant 0 : i32
      %dma_start3A_96 = tpu.memref_slice %arg6[%dma_start3A_94, %dma_start3A_95] : memref<128x128xf32, #tpu.memory_space<vmem>> -> memref<120x128xf32, #tpu.memory_space<vmem>>
      %dma_start3A_97 = arith.constant 0 : i32
      %dma_start3A_98 = tpu.memref_slice %arg16[%add3A_59, %dma_start3A_97] : memref<10112x128xf32, #tpu.memory_space<vmem_shared>> -> memref<120x128xf32, #tpu.memory_space<vmem_shared>>
      %dma_start3A_99 = arith.constant 0 : i32
      %dma_start3A_100 = tpu.memref_slice %arg16[%add3A_59, %dma_start3A_99] : memref<10112x128xf32, #tpu.memory_space<vmem_shared>> -> memref<120x128xf32, #tpu.memory_space<vmem_shared>>
      %dma_start3A_101 = arith.constant 0 : i32
      %dma_start3A_102 = arith.constant 0 : i32
      %dma_start3A_103 = tpu.memref_slice %arg6[%dma_start3A_101, %dma_start3A_102] : memref<128x128xf32, #tpu.memory_space<vmem>> -> memref<120x128xf32, #tpu.memory_space<vmem>>
      tpu.enqueue_dma source(%dma_start3A_103 : memref<120x128xf32, #tpu.memory_space<vmem>>) target(%dma_start3A_100 : memref<120x128xf32, #tpu.memory_space<vmem_shared>>) target_semaphore(%run_scoped3A : memref<!tpu.dma_semaphore, #tpu.memory_space<semaphore_mem>>)
      %dma_wait3A_104 = arith.constant 0 : i32
      %dma_wait3A_105 = arith.constant 0 : i32
      %dma_wait3A_106 = tpu.memref_slice %arg6[%dma_wait3A_104, %dma_wait3A_105] : memref<128x128xf32, #tpu.memory_space<vmem>> -> memref<120x128xf32, #tpu.memory_space<vmem>>
      %dma_wait3A_107 = arith.constant 0 : i32
      %dma_wait3A_108 = tpu.memref_slice %arg16[%add3A_59, %dma_wait3A_107] : memref<10112x128xf32, #tpu.memory_space<vmem_shared>> -> memref<120x128xf32, #tpu.memory_space<vmem_shared>>
      %dma_wait3A_109 = arith.constant 0 : i32
      %dma_wait3A_110 = tpu.memref_slice %arg16[%add3A_59, %dma_wait3A_109] : memref<10112x128xf32, #tpu.memory_space<vmem_shared>> -> memref<120x128xf32, #tpu.memory_space<vmem_shared>>
      %dma_wait3A_111 = arith.constant 0 : i32
      %dma_wait3A_112 = arith.constant 0 : i32
      %dma_wait3A_113 = tpu.memref_slice %arg6[%dma_wait3A_111, %dma_wait3A_112] : memref<128x128xf32, #tpu.memory_space<vmem>> -> memref<120x128xf32, #tpu.memory_space<vmem>>
      tpu.wait_dma2 semaphore(%run_scoped3A : memref<!tpu.dma_semaphore, #tpu.memory_space<semaphore_mem>>) src(%dma_wait3A_113 : memref<120x128xf32, #tpu.memory_space<vmem>>) dst(%dma_wait3A_110 : memref<120x128xf32, #tpu.memory_space<vmem_shared>>)
      tpu.yield
    }) : () -> ()
    %add3A_60 = arith.constant 0 : i32
    %add3A_61 = arith.addi %mul3A_2, %add3A_60 : i32
    %mul3A_62 = arith.constant 128 : i32
    %mul3A_63 = arith.muli %add3A_61, %mul3A_62 : i32
    %dma_wait3A = tpu.memref_slice %arg3[%mul3A_63] : memref<327680xi32, #tpu.memory_space<hbm>> -> memref<128xi32, #tpu.memory_space<hbm>>
    %dma_wait3A_64 = tpu.memref_slice %arg3[%mul3A_63] : memref<327680xi32, #tpu.memory_space<hbm>> -> memref<128xi32, #tpu.memory_space<hbm>>
    tpu.wait_dma2 semaphore(%arg19 : memref<!tpu.dma_semaphore, #tpu.memory_space<semaphore_mem>>) src(%dma_wait3A_64 : memref<128xi32, #tpu.memory_space<hbm>>) dst(%arg8 : memref<128xi32, #tpu.memory_space<vmem>>)
    %dma_wait3A_65 = tpu.memref_slice %arg4[%mul3A_63] : memref<327680xi32, #tpu.memory_space<hbm>> -> memref<128xi32, #tpu.memory_space<hbm>>
    %dma_wait3A_66 = tpu.memref_slice %arg4[%mul3A_63] : memref<327680xi32, #tpu.memory_space<hbm>> -> memref<128xi32, #tpu.memory_space<hbm>>
    tpu.wait_dma2 semaphore(%arg19 : memref<!tpu.dma_semaphore, #tpu.memory_space<semaphore_mem>>) src(%dma_wait3A_66 : memref<128xi32, #tpu.memory_space<hbm>>) dst(%arg9 : memref<128xi32, #tpu.memory_space<vmem>>)
    %dma_start3A_67 = arith.constant 0 : i32
    %dma_start3A_68 = arith.constant 0 : i32
    %dma_start3A_69 = tpu.memref_slice %arg2[%dma_start3A_67, %dma_start3A_68] : memref<10000x128xf32, #tpu.memory_space<hbm>> -> memref<10000x128xf32, #tpu.memory_space<hbm>>
    tpu.enqueue_indirect_dma source(%dma_start3A_69 : memref<10000x128xf32, #tpu.memory_space<hbm>>) target(%arg6 : memref<128x128xf32, #tpu.memory_space<vmem>>) offsets(%arg8 : memref<128xi32, #tpu.memory_space<vmem>>) semaphore(%arg17 : memref<!tpu.dma_semaphore, #tpu.memory_space<semaphore_mem>>)
    %add3A_70 = arith.constant 1 : i32
    %add3A_71 = arith.addi %mul3A_2, %add3A_70 : i32
    %mul3A_72 = arith.constant 128 : i32
    %mul3A_73 = arith.muli %add3A_71, %mul3A_72 : i32
    %dma_wait3A_74 = tpu.memref_slice %arg3[%mul3A_73] : memref<327680xi32, #tpu.memory_space<hbm>> -> memref<128xi32, #tpu.memory_space<hbm>>
    %dma_wait3A_75 = tpu.memref_slice %arg3[%mul3A_73] : memref<327680xi32, #tpu.memory_space<hbm>> -> memref<128xi32, #tpu.memory_space<hbm>>
    tpu.wait_dma2 semaphore(%arg20 : memref<!tpu.dma_semaphore, #tpu.memory_space<semaphore_mem>>) src(%dma_wait3A_75 : memref<128xi32, #tpu.memory_space<hbm>>) dst(%arg10 : memref<128xi32, #tpu.memory_space<vmem>>)
    %dma_wait3A_76 = tpu.memref_slice %arg4[%mul3A_73] : memref<327680xi32, #tpu.memory_space<hbm>> -> memref<128xi32, #tpu.memory_space<hbm>>
    %dma_wait3A_77 = tpu.memref_slice %arg4[%mul3A_73] : memref<327680xi32, #tpu.memory_space<hbm>> -> memref<128xi32, #tpu.memory_space<hbm>>
    tpu.wait_dma2 semaphore(%arg20 : memref<!tpu.dma_semaphore, #tpu.memory_space<semaphore_mem>>) src(%dma_wait3A_77 : memref<128xi32, #tpu.memory_space<hbm>>) dst(%arg11 : memref<128xi32, #tpu.memory_space<vmem>>)
    %dma_start3A_78 = arith.constant 0 : i32
    %dma_start3A_79 = arith.constant 0 : i32
    %dma_start3A_80 = tpu.memref_slice %arg2[%dma_start3A_78, %dma_start3A_79] : memref<10000x128xf32, #tpu.memory_space<hbm>> -> memref<10000x128xf32, #tpu.memory_space<hbm>>
    tpu.enqueue_indirect_dma source(%dma_start3A_80 : memref<10000x128xf32, #tpu.memory_space<hbm>>) target(%arg7 : memref<128x128xf32, #tpu.memory_space<vmem>>) offsets(%arg10 : memref<128xi32, #tpu.memory_space<vmem>>) semaphore(%arg18 : memref<!tpu.dma_semaphore, #tpu.memory_space<semaphore_mem>>)
    %barrier3A = arith.constant 0 : index
    tpu.barrier barrier_id(%barrier3A)
    %scan3A_81 = arith.constant 0 : i32
    %scan3A_82 = arith.constant 0 : i32
    %scan3A_83 = arith.constant 20 : i32
    %scan3A_84 = arith.addi %scan3A_82, %scan3A_83 : i32
    %scan3A_85 = arith.constant 1 : i32
    scf.for %scan3A_94 = %scan3A_82 to %scan3A_84 step %scan3A_85  : i32 {
      %mul3A_95 = arith.constant 4 : i32
      %mul3A_96 = arith.muli %mul3A_95, %scan3A_94 : i32
      %add3A_97 = arith.constant 0 : i32
      %add3A_98 = arith.addi %mul3A_96, %add3A_97 : i32
      %dma_wait3A_99 = arith.constant 0 : i32
      %dma_wait3A_100 = arith.constant 0 : i32
      %dma_wait3A_101 = tpu.memref_slice %arg2[%dma_wait3A_99, %dma_wait3A_100] : memref<10000x128xf32, #tpu.memory_space<hbm>> -> memref<10000x128xf32, #tpu.memory_space<hbm>>
      tpu.wait_indirect_dma semaphore(%arg17 : memref<!tpu.dma_semaphore, #tpu.memory_space<semaphore_mem>>) src(%dma_wait3A_101 : memref<10000x128xf32, #tpu.memory_space<hbm>>) dst(%arg6 : memref<128x128xf32, #tpu.memory_space<vmem>>)
      "tpu.region"() ({
        %run_scoped3A = tpu.sem_alloc : memref<!tpu.dma_semaphore, #tpu.memory_space<semaphore_mem>>
        %dma_start3A_173 = arith.constant 0 : i32
        %dma_start3A_174 = arith.constant 0 : i32
        %dma_start3A_175 = tpu.memref_slice %arg16[%dma_start3A_173, %dma_start3A_174] : memref<10112x128xf32, #tpu.memory_space<vmem_shared>> -> memref<10112x128xf32, #tpu.memory_space<vmem_shared>>
        tpu.enqueue_indirect_dma source(%arg6 : memref<128x128xf32, #tpu.memory_space<vmem>>) target(%dma_start3A_175 : memref<10112x128xf32, #tpu.memory_space<vmem_shared>>) offsets(%arg9 : memref<128xi32, #tpu.memory_space<vmem>>) semaphore(%run_scoped3A : memref<!tpu.dma_semaphore, #tpu.memory_space<semaphore_mem>>) {add = true}
        %dma_wait3A_176 = arith.constant 0 : i32
        %dma_wait3A_177 = arith.constant 0 : i32
        %dma_wait3A_178 = tpu.memref_slice %arg16[%dma_wait3A_176, %dma_wait3A_177] : memref<10112x128xf32, #tpu.memory_space<vmem_shared>> -> memref<10112x128xf32, #tpu.memory_space<vmem_shared>>
        tpu.wait_indirect_dma semaphore(%run_scoped3A : memref<!tpu.dma_semaphore, #tpu.memory_space<semaphore_mem>>) src(%arg6 : memref<128x128xf32, #tpu.memory_space<vmem>>) dst(%dma_wait3A_178 : memref<10112x128xf32, #tpu.memory_space<vmem_shared>>)
        tpu.yield
      }) : () -> ()
      %add3A_102 = arith.constant 2 : i32
      %add3A_103 = arith.addi %add3A_98, %add3A_102 : i32
      %lt3A_104 = arith.constant 80 : i32
      %lt3A_105 = arith.cmpi slt, %add3A_103, %lt3A_104 : i32
      %convert_element_type3A_106 = arith.extui %lt3A_105 : i1 to i32
      %cond3A_107 = arith.constant 0 : i32
      %cond3A_108 = arith.cmpi ne, %convert_element_type3A_106, %cond3A_107 : i32
      scf.if %cond3A_108 {
        %add3A_173 = arith.constant 2 : i32
        %add3A_174 = arith.addi %add3A_98, %add3A_173 : i32
        %add3A_175 = arith.addi %mul3A_2, %add3A_174 : i32
        %mul3A_176 = arith.constant 128 : i32
        %mul3A_177 = arith.muli %add3A_175, %mul3A_176 : i32
        %dma_wait3A_178 = tpu.memref_slice %arg3[%mul3A_177] : memref<327680xi32, #tpu.memory_space<hbm>> -> memref<128xi32, #tpu.memory_space<hbm>>
        %dma_wait3A_179 = tpu.memref_slice %arg3[%mul3A_177] : memref<327680xi32, #tpu.memory_space<hbm>> -> memref<128xi32, #tpu.memory_space<hbm>>
        tpu.wait_dma2 semaphore(%arg21 : memref<!tpu.dma_semaphore, #tpu.memory_space<semaphore_mem>>) src(%dma_wait3A_179 : memref<128xi32, #tpu.memory_space<hbm>>) dst(%arg12 : memref<128xi32, #tpu.memory_space<vmem>>)
        %dma_wait3A_180 = tpu.memref_slice %arg4[%mul3A_177] : memref<327680xi32, #tpu.memory_space<hbm>> -> memref<128xi32, #tpu.memory_space<hbm>>
        %dma_wait3A_181 = tpu.memref_slice %arg4[%mul3A_177] : memref<327680xi32, #tpu.memory_space<hbm>> -> memref<128xi32, #tpu.memory_space<hbm>>
        tpu.wait_dma2 semaphore(%arg21 : memref<!tpu.dma_semaphore, #tpu.memory_space<semaphore_mem>>) src(%dma_wait3A_181 : memref<128xi32, #tpu.memory_space<hbm>>) dst(%arg13 : memref<128xi32, #tpu.memory_space<vmem>>)
        %dma_start3A_182 = arith.constant 0 : i32
        %dma_start3A_183 = arith.constant 0 : i32
        %dma_start3A_184 = tpu.memref_slice %arg2[%dma_start3A_182, %dma_start3A_183] : memref<10000x128xf32, #tpu.memory_space<hbm>> -> memref<10000x128xf32, #tpu.memory_space<hbm>>
        tpu.enqueue_indirect_dma source(%dma_start3A_184 : memref<10000x128xf32, #tpu.memory_space<hbm>>) target(%arg6 : memref<128x128xf32, #tpu.memory_space<vmem>>) offsets(%arg12 : memref<128xi32, #tpu.memory_space<vmem>>) semaphore(%arg17 : memref<!tpu.dma_semaphore, #tpu.memory_space<semaphore_mem>>)
      } else {
      }
      %add3A_109 = arith.constant 4 : i32
      %add3A_110 = arith.addi %add3A_98, %add3A_109 : i32
      %lt3A_111 = arith.constant 80 : i32
      %lt3A_112 = arith.cmpi slt, %add3A_110, %lt3A_111 : i32
      %convert_element_type3A_113 = arith.extui %lt3A_112 : i1 to i32
      %cond3A_114 = arith.constant 0 : i32
      %cond3A_115 = arith.cmpi ne, %convert_element_type3A_113, %cond3A_114 : i32
      scf.if %cond3A_115 {
        %add3A_173 = arith.constant 4 : i32
        %add3A_174 = arith.addi %add3A_98, %add3A_173 : i32
        %add3A_175 = arith.addi %mul3A_2, %add3A_174 : i32
        %mul3A_176 = arith.constant 128 : i32
        %mul3A_177 = arith.muli %add3A_175, %mul3A_176 : i32
        %dma_start3A_178 = tpu.memref_slice %arg3[%mul3A_177] : memref<327680xi32, #tpu.memory_space<hbm>> -> memref<128xi32, #tpu.memory_space<hbm>>
        %dma_start3A_179 = tpu.memref_slice %arg3[%mul3A_177] : memref<327680xi32, #tpu.memory_space<hbm>> -> memref<128xi32, #tpu.memory_space<hbm>>
        tpu.enqueue_dma source(%dma_start3A_179 : memref<128xi32, #tpu.memory_space<hbm>>) target(%arg8 : memref<128xi32, #tpu.memory_space<vmem>>) target_semaphore(%arg19 : memref<!tpu.dma_semaphore, #tpu.memory_space<semaphore_mem>>)
        %dma_start3A_180 = tpu.memref_slice %arg4[%mul3A_177] : memref<327680xi32, #tpu.memory_space<hbm>> -> memref<128xi32, #tpu.memory_space<hbm>>
        %dma_start3A_181 = tpu.memref_slice %arg4[%mul3A_177] : memref<327680xi32, #tpu.memory_space<hbm>> -> memref<128xi32, #tpu.memory_space<hbm>>
        tpu.enqueue_dma source(%dma_start3A_181 : memref<128xi32, #tpu.memory_space<hbm>>) target(%arg9 : memref<128xi32, #tpu.memory_space<vmem>>) target_semaphore(%arg19 : memref<!tpu.dma_semaphore, #tpu.memory_space<semaphore_mem>>)
      } else {
      }
      %add3A_116 = arith.constant 1 : i32
      %add3A_117 = arith.addi %mul3A_96, %add3A_116 : i32
      %dma_wait3A_118 = arith.constant 0 : i32
      %dma_wait3A_119 = arith.constant 0 : i32
      %dma_wait3A_120 = tpu.memref_slice %arg2[%dma_wait3A_118, %dma_wait3A_119] : memref<10000x128xf32, #tpu.memory_space<hbm>> -> memref<10000x128xf32, #tpu.memory_space<hbm>>
      tpu.wait_indirect_dma semaphore(%arg18 : memref<!tpu.dma_semaphore, #tpu.memory_space<semaphore_mem>>) src(%dma_wait3A_120 : memref<10000x128xf32, #tpu.memory_space<hbm>>) dst(%arg7 : memref<128x128xf32, #tpu.memory_space<vmem>>)
      "tpu.region"() ({
        %run_scoped3A = tpu.sem_alloc : memref<!tpu.dma_semaphore, #tpu.memory_space<semaphore_mem>>
        %dma_start3A_173 = arith.constant 0 : i32
        %dma_start3A_174 = arith.constant 0 : i32
        %dma_start3A_175 = tpu.memref_slice %arg16[%dma_start3A_173, %dma_start3A_174] : memref<10112x128xf32, #tpu.memory_space<vmem_shared>> -> memref<10112x128xf32, #tpu.memory_space<vmem_shared>>
        tpu.enqueue_indirect_dma source(%arg7 : memref<128x128xf32, #tpu.memory_space<vmem>>) target(%dma_start3A_175 : memref<10112x128xf32, #tpu.memory_space<vmem_shared>>) offsets(%arg11 : memref<128xi32, #tpu.memory_space<vmem>>) semaphore(%run_scoped3A : memref<!tpu.dma_semaphore, #tpu.memory_space<semaphore_mem>>) {add = true}
        %dma_wait3A_176 = arith.constant 0 : i32
        %dma_wait3A_177 = arith.constant 0 : i32
        %dma_wait3A_178 = tpu.memref_slice %arg16[%dma_wait3A_176, %dma_wait3A_177] : memref<10112x128xf32, #tpu.memory_space<vmem_shared>> -> memref<10112x128xf32, #tpu.memory_space<vmem_shared>>
        tpu.wait_indirect_dma semaphore(%run_scoped3A : memref<!tpu.dma_semaphore, #tpu.memory_space<semaphore_mem>>) src(%arg7 : memref<128x128xf32, #tpu.memory_space<vmem>>) dst(%dma_wait3A_178 : memref<10112x128xf32, #tpu.memory_space<vmem_shared>>)
        tpu.yield
      }) : () -> ()
      %add3A_121 = arith.constant 2 : i32
      %add3A_122 = arith.addi %add3A_117, %add3A_121 : i32
      %lt3A_123 = arith.constant 80 : i32
      %lt3A_124 = arith.cmpi slt, %add3A_122, %lt3A_123 : i32
      %convert_element_type3A_125 = arith.extui %lt3A_124 : i1 to i32
      %cond3A_126 = arith.constant 0 : i32
      %cond3A_127 = arith.cmpi ne, %convert_element_type3A_125, %cond3A_126 : i32
      scf.if %cond3A_127 {
        %add3A_173 = arith.constant 2 : i32
        %add3A_174 = arith.addi %add3A_117, %add3A_173 : i32
        %add3A_175 = arith.addi %mul3A_2, %add3A_174 : i32
        %mul3A_176 = arith.constant 128 : i32
        %mul3A_177 = arith.muli %add3A_175, %mul3A_176 : i32
        %dma_wait3A_178 = tpu.memref_slice %arg3[%mul3A_177] : memref<327680xi32, #tpu.memory_space<hbm>> -> memref<128xi32, #tpu.memory_space<hbm>>
        %dma_wait3A_179 = tpu.memref_slice %arg3[%mul3A_177] : memref<327680xi32, #tpu.memory_space<hbm>> -> memref<128xi32, #tpu.memory_space<hbm>>
        tpu.wait_dma2 semaphore(%arg22 : memref<!tpu.dma_semaphore, #tpu.memory_space<semaphore_mem>>) src(%dma_wait3A_179 : memref<128xi32, #tpu.memory_space<hbm>>) dst(%arg14 : memref<128xi32, #tpu.memory_space<vmem>>)
        %dma_wait3A_180 = tpu.memref_slice %arg4[%mul3A_177] : memref<327680xi32, #tpu.memory_space<hbm>> -> memref<128xi32, #tpu.memory_space<hbm>>
        %dma_wait3A_181 = tpu.memref_slice %arg4[%mul3A_177] : memref<327680xi32, #tpu.memory_space<hbm>> -> memref<128xi32, #tpu.memory_space<hbm>>
        tpu.wait_dma2 semaphore(%arg22 : memref<!tpu.dma_semaphore, #tpu.memory_space<semaphore_mem>>) src(%dma_wait3A_181 : memref<128xi32, #tpu.memory_space<hbm>>) dst(%arg15 : memref<128xi32, #tpu.memory_space<vmem>>)
        %dma_start3A_182 = arith.constant 0 : i32
        %dma_start3A_183 = arith.constant 0 : i32
        %dma_start3A_184 = tpu.memref_slice %arg2[%dma_start3A_182, %dma_start3A_183] : memref<10000x128xf32, #tpu.memory_space<hbm>> -> memref<10000x128xf32, #tpu.memory_space<hbm>>
        tpu.enqueue_indirect_dma source(%dma_start3A_184 : memref<10000x128xf32, #tpu.memory_space<hbm>>) target(%arg7 : memref<128x128xf32, #tpu.memory_space<vmem>>) offsets(%arg14 : memref<128xi32, #tpu.memory_space<vmem>>) semaphore(%arg18 : memref<!tpu.dma_semaphore, #tpu.memory_space<semaphore_mem>>)
      } else {
      }
      %add3A_128 = arith.constant 4 : i32
      %add3A_129 = arith.addi %add3A_117, %add3A_128 : i32
      %lt3A_130 = arith.constant 80 : i32
      %lt3A_131 = arith.cmpi slt, %add3A_129, %lt3A_130 : i32
      %convert_element_type3A_132 = arith.extui %lt3A_131 : i1 to i32
      %cond3A_133 = arith.constant 0 : i32
      %cond3A_134 = arith.cmpi ne, %convert_element_type3A_132, %cond3A_133 : i32
      scf.if %cond3A_134 {
        %add3A_173 = arith.constant 4 : i32
        %add3A_174 = arith.addi %add3A_117, %add3A_173 : i32
        %add3A_175 = arith.addi %mul3A_2, %add3A_174 : i32
        %mul3A_176 = arith.constant 128 : i32
        %mul3A_177 = arith.muli %add3A_175, %mul3A_176 : i32
        %dma_start3A_178 = tpu.memref_slice %arg3[%mul3A_177] : memref<327680xi32, #tpu.memory_space<hbm>> -> memref<128xi32, #tpu.memory_space<hbm>>
        %dma_start3A_179 = tpu.memref_slice %arg3[%mul3A_177] : memref<327680xi32, #tpu.memory_space<hbm>> -> memref<128xi32, #tpu.memory_space<hbm>>
        tpu.enqueue_dma source(%dma_start3A_179 : memref<128xi32, #tpu.memory_space<hbm>>) target(%arg10 : memref<128xi32, #tpu.memory_space<vmem>>) target_semaphore(%arg20 : memref<!tpu.dma_semaphore, #tpu.memory_space<semaphore_mem>>)
        %dma_start3A_180 = tpu.memref_slice %arg4[%mul3A_177] : memref<327680xi32, #tpu.memory_space<hbm>> -> memref<128xi32, #tpu.memory_space<hbm>>
        %dma_start3A_181 = tpu.memref_slice %arg4[%mul3A_177] : memref<327680xi32, #tpu.memory_space<hbm>> -> memref<128xi32, #tpu.memory_space<hbm>>
        tpu.enqueue_dma source(%dma_start3A_181 : memref<128xi32, #tpu.memory_space<hbm>>) target(%arg11 : memref<128xi32, #tpu.memory_space<vmem>>) target_semaphore(%arg20 : memref<!tpu.dma_semaphore, #tpu.memory_space<semaphore_mem>>)
      } else {
      }
      %add3A_135 = arith.constant 2 : i32
      %add3A_136 = arith.addi %mul3A_96, %add3A_135 : i32
      %dma_wait3A_137 = arith.constant 0 : i32
      %dma_wait3A_138 = arith.constant 0 : i32
      %dma_wait3A_139 = tpu.memref_slice %arg2[%dma_wait3A_137, %dma_wait3A_138] : memref<10000x128xf32, #tpu.memory_space<hbm>> -> memref<10000x128xf32, #tpu.memory_space<hbm>>
      tpu.wait_indirect_dma semaphore(%arg17 : memref<!tpu.dma_semaphore, #tpu.memory_space<semaphore_mem>>) src(%dma_wait3A_139 : memref<10000x128xf32, #tpu.memory_space<hbm>>) dst(%arg6 : memref<128x128xf32, #tpu.memory_space<vmem>>)
      "tpu.region"() ({
        %run_scoped3A = tpu.sem_alloc : memref<!tpu.dma_semaphore, #tpu.memory_space<semaphore_mem>>
        %dma_start3A_173 = arith.constant 0 : i32
        %dma_start3A_174 = arith.constant 0 : i32
        %dma_start3A_175 = tpu.memref_slice %arg16[%dma_start3A_173, %dma_start3A_174] : memref<10112x128xf32, #tpu.memory_space<vmem_shared>> -> memref<10112x128xf32, #tpu.memory_space<vmem_shared>>
        tpu.enqueue_indirect_dma source(%arg6 : memref<128x128xf32, #tpu.memory_space<vmem>>) target(%dma_start3A_175 : memref<10112x128xf32, #tpu.memory_space<vmem_shared>>) offsets(%arg13 : memref<128xi32, #tpu.memory_space<vmem>>) semaphore(%run_scoped3A : memref<!tpu.dma_semaphore, #tpu.memory_space<semaphore_mem>>) {add = true}
        %dma_wait3A_176 = arith.constant 0 : i32
        %dma_wait3A_177 = arith.constant 0 : i32
        %dma_wait3A_178 = tpu.memref_slice %arg16[%dma_wait3A_176, %dma_wait3A_177] : memref<10112x128xf32, #tpu.memory_space<vmem_shared>> -> memref<10112x128xf32, #tpu.memory_space<vmem_shared>>
        tpu.wait_indirect_dma semaphore(%run_scoped3A : memref<!tpu.dma_semaphore, #tpu.memory_space<semaphore_mem>>) src(%arg6 : memref<128x128xf32, #tpu.memory_space<vmem>>) dst(%dma_wait3A_178 : memref<10112x128xf32, #tpu.memory_space<vmem_shared>>)
        tpu.yield
      }) : () -> ()
      %add3A_140 = arith.constant 2 : i32
      %add3A_141 = arith.addi %add3A_136, %add3A_140 : i32
      %lt3A_142 = arith.constant 80 : i32
      %lt3A_143 = arith.cmpi slt, %add3A_141, %lt3A_142 : i32
      %convert_element_type3A_144 = arith.extui %lt3A_143 : i1 to i32
      %cond3A_145 = arith.constant 0 : i32
      %cond3A_146 = arith.cmpi ne, %convert_element_type3A_144, %cond3A_145 : i32
      scf.if %cond3A_146 {
        %add3A_173 = arith.constant 2 : i32
        %add3A_174 = arith.addi %add3A_136, %add3A_173 : i32
        %add3A_175 = arith.addi %mul3A_2, %add3A_174 : i32
        %mul3A_176 = arith.constant 128 : i32
        %mul3A_177 = arith.muli %add3A_175, %mul3A_176 : i32
        %dma_wait3A_178 = tpu.memref_slice %arg3[%mul3A_177] : memref<327680xi32, #tpu.memory_space<hbm>> -> memref<128xi32, #tpu.memory_space<hbm>>
        %dma_wait3A_179 = tpu.memref_slice %arg3[%mul3A_177] : memref<327680xi32, #tpu.memory_space<hbm>> -> memref<128xi32, #tpu.memory_space<hbm>>
        tpu.wait_dma2 semaphore(%arg19 : memref<!tpu.dma_semaphore, #tpu.memory_space<semaphore_mem>>) src(%dma_wait3A_179 : memref<128xi32, #tpu.memory_space<hbm>>) dst(%arg8 : memref<128xi32, #tpu.memory_space<vmem>>)
        %dma_wait3A_180 = tpu.memref_slice %arg4[%mul3A_177] : memref<327680xi32, #tpu.memory_space<hbm>> -> memref<128xi32, #tpu.memory_space<hbm>>
        %dma_wait3A_181 = tpu.memref_slice %arg4[%mul3A_177] : memref<327680xi32, #tpu.memory_space<hbm>> -> memref<128xi32, #tpu.memory_space<hbm>>
        tpu.wait_dma2 semaphore(%arg19 : memref<!tpu.dma_semaphore, #tpu.memory_space<semaphore_mem>>) src(%dma_wait3A_181 : memref<128xi32, #tpu.memory_space<hbm>>) dst(%arg9 : memref<128xi32, #tpu.memory_space<vmem>>)
        %dma_start3A_182 = arith.constant 0 : i32
        %dma_start3A_183 = arith.constant 0 : i32
        %dma_start3A_184 = tpu.memref_slice %arg2[%dma_start3A_182, %dma_start3A_183] : memref<10000x128xf32, #tpu.memory_space<hbm>> -> memref<10000x128xf32, #tpu.memory_space<hbm>>
        tpu.enqueue_indirect_dma source(%dma_start3A_184 : memref<10000x128xf32, #tpu.memory_space<hbm>>) target(%arg6 : memref<128x128xf32, #tpu.memory_space<vmem>>) offsets(%arg8 : memref<128xi32, #tpu.memory_space<vmem>>) semaphore(%arg17 : memref<!tpu.dma_semaphore, #tpu.memory_space<semaphore_mem>>)
      } else {
      }
      %add3A_147 = arith.constant 4 : i32
      %add3A_148 = arith.addi %add3A_136, %add3A_147 : i32
      %lt3A_149 = arith.constant 80 : i32
      %lt3A_150 = arith.cmpi slt, %add3A_148, %lt3A_149 : i32
      %convert_element_type3A_151 = arith.extui %lt3A_150 : i1 to i32
      %cond3A_152 = arith.constant 0 : i32
      %cond3A_153 = arith.cmpi ne, %convert_element_type3A_151, %cond3A_152 : i32
      scf.if %cond3A_153 {
        %add3A_173 = arith.constant 4 : i32
        %add3A_174 = arith.addi %add3A_136, %add3A_173 : i32
        %add3A_175 = arith.addi %mul3A_2, %add3A_174 : i32
        %mul3A_176 = arith.constant 128 : i32
        %mul3A_177 = arith.muli %add3A_175, %mul3A_176 : i32
        %dma_start3A_178 = tpu.memref_slice %arg3[%mul3A_177] : memref<327680xi32, #tpu.memory_space<hbm>> -> memref<128xi32, #tpu.memory_space<hbm>>
        %dma_start3A_179 = tpu.memref_slice %arg3[%mul3A_177] : memref<327680xi32, #tpu.memory_space<hbm>> -> memref<128xi32, #tpu.memory_space<hbm>>
        tpu.enqueue_dma source(%dma_start3A_179 : memref<128xi32, #tpu.memory_space<hbm>>) target(%arg12 : memref<128xi32, #tpu.memory_space<vmem>>) target_semaphore(%arg21 : memref<!tpu.dma_semaphore, #tpu.memory_space<semaphore_mem>>)
        %dma_start3A_180 = tpu.memref_slice %arg4[%mul3A_177] : memref<327680xi32, #tpu.memory_space<hbm>> -> memref<128xi32, #tpu.memory_space<hbm>>
        %dma_start3A_181 = tpu.memref_slice %arg4[%mul3A_177] : memref<327680xi32, #tpu.memory_space<hbm>> -> memref<128xi32, #tpu.memory_space<hbm>>
        tpu.enqueue_dma source(%dma_start3A_181 : memref<128xi32, #tpu.memory_space<hbm>>) target(%arg13 : memref<128xi32, #tpu.memory_space<vmem>>) target_semaphore(%arg21 : memref<!tpu.dma_semaphore, #tpu.memory_space<semaphore_mem>>)
      } else {
      }
      %add3A_154 = arith.constant 3 : i32
      %add3A_155 = arith.addi %mul3A_96, %add3A_154 : i32
      %dma_wait3A_156 = arith.constant 0 : i32
      %dma_wait3A_157 = arith.constant 0 : i32
      %dma_wait3A_158 = tpu.memref_slice %arg2[%dma_wait3A_156, %dma_wait3A_157] : memref<10000x128xf32, #tpu.memory_space<hbm>> -> memref<10000x128xf32, #tpu.memory_space<hbm>>
      tpu.wait_indirect_dma semaphore(%arg18 : memref<!tpu.dma_semaphore, #tpu.memory_space<semaphore_mem>>) src(%dma_wait3A_158 : memref<10000x128xf32, #tpu.memory_space<hbm>>) dst(%arg7 : memref<128x128xf32, #tpu.memory_space<vmem>>)
      "tpu.region"() ({
        %run_scoped3A = tpu.sem_alloc : memref<!tpu.dma_semaphore, #tpu.memory_space<semaphore_mem>>
        %dma_start3A_173 = arith.constant 0 : i32
        %dma_start3A_174 = arith.constant 0 : i32
        %dma_start3A_175 = tpu.memref_slice %arg16[%dma_start3A_173, %dma_start3A_174] : memref<10112x128xf32, #tpu.memory_space<vmem_shared>> -> memref<10112x128xf32, #tpu.memory_space<vmem_shared>>
        tpu.enqueue_indirect_dma source(%arg7 : memref<128x128xf32, #tpu.memory_space<vmem>>) target(%dma_start3A_175 : memref<10112x128xf32, #tpu.memory_space<vmem_shared>>) offsets(%arg15 : memref<128xi32, #tpu.memory_space<vmem>>) semaphore(%run_scoped3A : memref<!tpu.dma_semaphore, #tpu.memory_space<semaphore_mem>>) {add = true}
        %dma_wait3A_176 = arith.constant 0 : i32
        %dma_wait3A_177 = arith.constant 0 : i32
        %dma_wait3A_178 = tpu.memref_slice %arg16[%dma_wait3A_176, %dma_wait3A_177] : memref<10112x128xf32, #tpu.memory_space<vmem_shared>> -> memref<10112x128xf32, #tpu.memory_space<vmem_shared>>
        tpu.wait_indirect_dma semaphore(%run_scoped3A : memref<!tpu.dma_semaphore, #tpu.memory_space<semaphore_mem>>) src(%arg7 : memref<128x128xf32, #tpu.memory_space<vmem>>) dst(%dma_wait3A_178 : memref<10112x128xf32, #tpu.memory_space<vmem_shared>>)
        tpu.yield
      }) : () -> ()
      %add3A_159 = arith.constant 2 : i32
      %add3A_160 = arith.addi %add3A_155, %add3A_159 : i32
      %lt3A_161 = arith.constant 80 : i32
      %lt3A_162 = arith.cmpi slt, %add3A_160, %lt3A_161 : i32
      %convert_element_type3A_163 = arith.extui %lt3A_162 : i1 to i32
      %cond3A_164 = arith.constant 0 : i32
      %cond3A_165 = arith.cmpi ne, %convert_element_type3A_163, %cond3A_164 : i32
      scf.if %cond3A_165 {
        %add3A_173 = arith.constant 2 : i32
        %add3A_174 = arith.addi %add3A_155, %add3A_173 : i32
        %add3A_175 = arith.addi %mul3A_2, %add3A_174 : i32
        %mul3A_176 = arith.constant 128 : i32
        %mul3A_177 = arith.muli %add3A_175, %mul3A_176 : i32
        %dma_wait3A_178 = tpu.memref_slice %arg3[%mul3A_177] : memref<327680xi32, #tpu.memory_space<hbm>> -> memref<128xi32, #tpu.memory_space<hbm>>
        %dma_wait3A_179 = tpu.memref_slice %arg3[%mul3A_177] : memref<327680xi32, #tpu.memory_space<hbm>> -> memref<128xi32, #tpu.memory_space<hbm>>
        tpu.wait_dma2 semaphore(%arg20 : memref<!tpu.dma_semaphore, #tpu.memory_space<semaphore_mem>>) src(%dma_wait3A_179 : memref<128xi32, #tpu.memory_space<hbm>>) dst(%arg10 : memref<128xi32, #tpu.memory_space<vmem>>)
        %dma_wait3A_180 = tpu.memref_slice %arg4[%mul3A_177] : memref<327680xi32, #tpu.memory_space<hbm>> -> memref<128xi32, #tpu.memory_space<hbm>>
        %dma_wait3A_181 = tpu.memref_slice %arg4[%mul3A_177] : memref<327680xi32, #tpu.memory_space<hbm>> -> memref<128xi32, #tpu.memory_space<hbm>>
        tpu.wait_dma2 semaphore(%arg20 : memref<!tpu.dma_semaphore, #tpu.memory_space<semaphore_mem>>) src(%dma_wait3A_181 : memref<128xi32, #tpu.memory_space<hbm>>) dst(%arg11 : memref<128xi32, #tpu.memory_space<vmem>>)
        %dma_start3A_182 = arith.constant 0 : i32
        %dma_start3A_183 = arith.constant 0 : i32
        %dma_start3A_184 = tpu.memref_slice %arg2[%dma_start3A_182, %dma_start3A_183] : memref<10000x128xf32, #tpu.memory_space<hbm>> -> memref<10000x128xf32, #tpu.memory_space<hbm>>
        tpu.enqueue_indirect_dma source(%dma_start3A_184 : memref<10000x128xf32, #tpu.memory_space<hbm>>) target(%arg7 : memref<128x128xf32, #tpu.memory_space<vmem>>) offsets(%arg10 : memref<128xi32, #tpu.memory_space<vmem>>) semaphore(%arg18 : memref<!tpu.dma_semaphore, #tpu.memory_space<semaphore_mem>>)
      } else {
      }
      %add3A_166 = arith.constant 4 : i32
      %add3A_167 = arith.addi %add3A_155, %add3A_166 : i32
      %lt3A_168 = arith.constant 80 : i32
      %lt3A_169 = arith.cmpi slt, %add3A_167, %lt3A_168 : i32
      %convert_element_type3A_170 = arith.extui %lt3A_169 : i1 to i32
      %cond3A_171 = arith.constant 0 : i32
      %cond3A_172 = arith.cmpi ne, %convert_element_type3A_170, %cond3A_171 : i32
      scf.if %cond3A_172 {
        %add3A_173 = arith.constant 4 : i32
        %add3A_174 = arith.addi %add3A_155, %add3A_173 : i32
        %add3A_175 = arith.addi %mul3A_2, %add3A_174 : i32
        %mul3A_176 = arith.constant 128 : i32
        %mul3A_177 = arith.muli %add3A_175, %mul3A_176 : i32
        %dma_start3A_178 = tpu.memref_slice %arg3[%mul3A_177] : memref<327680xi32, #tpu.memory_space<hbm>> -> memref<128xi32, #tpu.memory_space<hbm>>
        %dma_start3A_179 = tpu.memref_slice %arg3[%mul3A_177] : memref<327680xi32, #tpu.memory_space<hbm>> -> memref<128xi32, #tpu.memory_space<hbm>>
        tpu.enqueue_dma source(%dma_start3A_179 : memref<128xi32, #tpu.memory_space<hbm>>) target(%arg14 : memref<128xi32, #tpu.memory_space<vmem>>) target_semaphore(%arg22 : memref<!tpu.dma_semaphore, #tpu.memory_space<semaphore_mem>>)
        %dma_start3A_180 = tpu.memref_slice %arg4[%mul3A_177] : memref<327680xi32, #tpu.memory_space<hbm>> -> memref<128xi32, #tpu.memory_space<hbm>>
        %dma_start3A_181 = tpu.memref_slice %arg4[%mul3A_177] : memref<327680xi32, #tpu.memory_space<hbm>> -> memref<128xi32, #tpu.memory_space<hbm>>
        tpu.enqueue_dma source(%dma_start3A_181 : memref<128xi32, #tpu.memory_space<hbm>>) target(%arg15 : memref<128xi32, #tpu.memory_space<vmem>>) target_semaphore(%arg22 : memref<!tpu.dma_semaphore, #tpu.memory_space<semaphore_mem>>)
      } else {
      }
    }
    %scan3A_86 = arith.constant 20 : i32
    %barrier3A_87 = arith.constant 0 : index
    tpu.barrier barrier_id(%barrier3A_87)
    %lt3A = arith.constant 15 : i32
    %lt3A_88 = arith.cmpi slt, %arg1, %lt3A : i32
    %convert_element_type3A = arith.extui %lt3A_88 : i1 to i32
    %cond3A = arith.constant 0 : i32
    %cond3A_89 = arith.cmpi ne, %convert_element_type3A, %cond3A : i32
    scf.if %cond3A_89 {
      %mul3A_94 = arith.constant 632 : i32
      %mul3A_95 = arith.muli %arg1, %mul3A_94 : i32
      %mul3A_96 = arith.constant 632 : i32
      %mul3A_97 = arith.muli %arg1, %mul3A_96 : i32
      "tpu.region"() ({
        %run_scoped3A = tpu.sem_alloc : memref<!tpu.dma_semaphore, #tpu.memory_space<semaphore_mem>>
        %dma_start3A_98 = arith.constant 0 : i32
        %dma_start3A_99 = tpu.memref_slice %arg5[%arg0, %mul3A_97, %dma_start3A_98] : memref<2x10000x128xf32, #tpu.memory_space<hbm>> -> memref<1x632x128xf32, #tpu.memory_space<hbm>>
        %dma_start3A_100 = tpu.memref_squeeze %dma_start3A_99 : memref<1x632x128xf32, #tpu.memory_space<hbm>> -> memref<632x128xf32, #tpu.memory_space<hbm>>
        %dma_start3A_101 = arith.constant 0 : i32
        %dma_start3A_102 = tpu.memref_slice %arg16[%mul3A_95, %dma_start3A_101] : memref<10112x128xf32, #tpu.memory_space<vmem_shared>> -> memref<632x128xf32, #tpu.memory_space<vmem_shared>>
        tpu.enqueue_dma source(%dma_start3A_102 : memref<632x128xf32, #tpu.memory_space<vmem_shared>>) target(%dma_start3A_100 : memref<632x128xf32, #tpu.memory_space<hbm>>) target_semaphore(%run_scoped3A : memref<!tpu.dma_semaphore, #tpu.memory_space<semaphore_mem>>)
        %dma_wait3A_103 = arith.constant 0 : i32
        %dma_wait3A_104 = tpu.memref_slice %arg5[%arg0, %mul3A_97, %dma_wait3A_103] : memref<2x10000x128xf32, #tpu.memory_space<hbm>> -> memref<1x632x128xf32, #tpu.memory_space<hbm>>
        %dma_wait3A_105 = tpu.memref_squeeze %dma_wait3A_104 : memref<1x632x128xf32, #tpu.memory_space<hbm>> -> memref<632x128xf32, #tpu.memory_space<hbm>>
        %dma_wait3A_106 = arith.constant 0 : i32
        %dma_wait3A_107 = tpu.memref_slice %arg16[%mul3A_95, %dma_wait3A_106] : memref<10112x128xf32, #tpu.memory_space<vmem_shared>> -> memref<632x128xf32, #tpu.memory_space<vmem_shared>>
        tpu.wait_dma2 semaphore(%run_scoped3A : memref<!tpu.dma_semaphore, #tpu.memory_space<semaphore_mem>>) src(%dma_wait3A_107 : memref<632x128xf32, #tpu.memory_space<vmem_shared>>) dst(%dma_wait3A_105 : memref<632x128xf32, #tpu.memory_space<hbm>>)
        tpu.yield
      }) : () -> ()
    } else {
    }
    %eq3A = arith.constant 15 : i32
    %eq3A_90 = arith.cmpi eq, %arg1, %eq3A : i32
    %convert_element_type3A_91 = arith.extui %eq3A_90 : i1 to i32
    %cond3A_92 = arith.constant 0 : i32
    %cond3A_93 = arith.cmpi ne, %convert_element_type3A_91, %cond3A_92 : i32
    scf.if %cond3A_93 {
      "tpu.region"() ({
        %run_scoped3A = tpu.sem_alloc : memref<!tpu.dma_semaphore, #tpu.memory_space<semaphore_mem>>
        %dma_start3A_94 = arith.constant 9480 : i32
        %dma_start3A_95 = arith.constant 0 : i32
        %dma_start3A_96 = tpu.memref_slice %arg5[%arg0, %dma_start3A_94, %dma_start3A_95] : memref<2x10000x128xf32, #tpu.memory_space<hbm>> -> memref<1x520x128xf32, #tpu.memory_space<hbm>>
        %dma_start3A_97 = tpu.memref_squeeze %dma_start3A_96 : memref<1x520x128xf32, #tpu.memory_space<hbm>> -> memref<520x128xf32, #tpu.memory_space<hbm>>
        %dma_start3A_98 = arith.constant 9480 : i32
        %dma_start3A_99 = arith.constant 0 : i32
        %dma_start3A_100 = tpu.memref_slice %arg16[%dma_start3A_98, %dma_start3A_99] : memref<10112x128xf32, #tpu.memory_space<vmem_shared>> -> memref<520x128xf32, #tpu.memory_space<vmem_shared>>
        tpu.enqueue_dma source(%dma_start3A_100 : memref<520x128xf32, #tpu.memory_space<vmem_shared>>) target(%dma_start3A_97 : memref<520x128xf32, #tpu.memory_space<hbm>>) target_semaphore(%run_scoped3A : memref<!tpu.dma_semaphore, #tpu.memory_space<semaphore_mem>>)
        %dma_wait3A_101 = arith.constant 9480 : i32
        %dma_wait3A_102 = arith.constant 0 : i32
        %dma_wait3A_103 = tpu.memref_slice %arg5[%arg0, %dma_wait3A_101, %dma_wait3A_102] : memref<2x10000x128xf32, #tpu.memory_space<hbm>> -> memref<1x520x128xf32, #tpu.memory_space<hbm>>
        %dma_wait3A_104 = tpu.memref_squeeze %dma_wait3A_103 : memref<1x520x128xf32, #tpu.memory_space<hbm>> -> memref<520x128xf32, #tpu.memory_space<hbm>>
        %dma_wait3A_105 = arith.constant 9480 : i32
        %dma_wait3A_106 = arith.constant 0 : i32
        %dma_wait3A_107 = tpu.memref_slice %arg16[%dma_wait3A_105, %dma_wait3A_106] : memref<10112x128xf32, #tpu.memory_space<vmem_shared>> -> memref<520x128xf32, #tpu.memory_space<vmem_shared>>
        tpu.wait_dma2 semaphore(%run_scoped3A : memref<!tpu.dma_semaphore, #tpu.memory_space<semaphore_mem>>) src(%dma_wait3A_107 : memref<520x128xf32, #tpu.memory_space<vmem_shared>>) dst(%dma_wait3A_104 : memref<520x128xf32, #tpu.memory_space<hbm>>)
        tpu.yield
      }) : () -> ()
    } else {
    }
    return
  }
}

module attributes {stable_mosaic.version = 14 : i64} {
  func.func @_combine_body(%arg0: i32, %arg1: memref<1000x128xf32, #tpu.memory_space<vmem>>, %arg2: memref<2x1000x128xf32, #tpu.memory_space<vmem>>, %arg3: memref<1x2x1000xf32, #tpu.memory_space<vmem>>, %arg4: memref<128x128xf32, #tpu.memory_space<vmem>>, %arg5: memref<128x128xf32, #tpu.memory_space<vmem>>, %arg6: memref<1x128xf32, #tpu.memory_space<vmem>>, %arg7: memref<1000x128xf32, #tpu.memory_space<vmem>>) attributes {dimension_semantics = [#tpu.dimension_semantics<arbitrary>], iteration_bounds = array<i64: 10>, scalar_prefetch = 0 : i64, scratch_operands = 0 : i64, tpu.core_type = #tpu.core_type<tc>, window_params = [{transform_indices = @transform_0, window_bounds = array<i64: 1000, 128>}, {transform_indices = @transform_1, window_bounds = array<i64: 2, 1000, 128>}, {transform_indices = @transform_2, window_bounds = array<i64: 1, 2, 1000>}, {pipeline_mode = #tpu.pipeline_mode<synchronous>, transform_indices = @transform_3, window_bounds = array<i64: 128, 128>}, {pipeline_mode = #tpu.pipeline_mode<synchronous>, transform_indices = @transform_4, window_bounds = array<i64: 128, 128>}, {pipeline_mode = #tpu.pipeline_mode<synchronous>, transform_indices = @transform_5, window_bounds = array<i64: 1, 128>}, {transform_indices = @transform_6, window_bounds = array<i64: 1000, 128>}]} {
    %get3A = arith.constant 0 : index
    %get3A_0 = arith.constant 0 : index
    %get3A_1 = arith.constant 0 : index
    %get3A_2 = vector.load %arg3[%get3A, %get3A_0, %get3A_1] : memref<1x2x1000xf32, #tpu.memory_space<vmem>>, vector<1x2x1000xf32>
    %reduce_sum3A = arith.constant dense<0.000000e+00> : vector<1000xf32>
    %reduce_sum3A_3 = vector.multi_reduction <add>, %get3A_2, %reduce_sum3A [0, 1] : vector<1x2x1000xf32> to vector<1000xf32>
    %max3A = arith.constant 1.000000e+00 : f32
    %max3A_4 = vector.broadcast %max3A : f32 to vector<1000xf32>
    %max3A_5 = arith.maximumf %reduce_sum3A_3, %max3A_4 : vector<1000xf32>
    %div3A = arith.constant 1.000000e+00 : f32
    %div3A_6 = vector.broadcast %div3A : f32 to vector<1000xf32>
    %div3A_7 = arith.divf %div3A_6, %max3A_5 : vector<1000xf32>
    %broadcast_in_dim3A = vector.shape_cast %div3A_7 : vector<1000xf32> to vector<1000x1xf32>
    %get3A_8 = arith.constant 0 : index
    %get3A_9 = arith.constant 0 : index
    %get3A_10 = arith.constant 0 : index
    %get3A_11 = vector.load %arg2[%get3A_8, %get3A_9, %get3A_10] : memref<2x1000x128xf32, #tpu.memory_space<vmem>>, vector<1x1000x128xf32>
    %get3A_12 = vector.shape_cast %get3A_11 : vector<1x1000x128xf32> to vector<1000x128xf32>
    %get3A_13 = arith.constant 1 : index
    %get3A_14 = arith.constant 0 : index
    %get3A_15 = arith.constant 0 : index
    %get3A_16 = vector.load %arg2[%get3A_13, %get3A_14, %get3A_15] : memref<2x1000x128xf32, #tpu.memory_space<vmem>>, vector<1x1000x128xf32>
    %get3A_17 = vector.shape_cast %get3A_16 : vector<1x1000x128xf32> to vector<1000x128xf32>
    %add3A = arith.addf %get3A_12, %get3A_17 : vector<1000x128xf32>
    %get3A_18 = arith.constant 0 : index
    %get3A_19 = arith.constant 0 : index
    %get3A_20 = vector.load %arg1[%get3A_18, %get3A_19] : memref<1000x128xf32, #tpu.memory_space<vmem>>, vector<1000x128xf32>
    %get3A_21 = arith.constant 0 : index
    %get3A_22 = arith.constant 0 : index
    %get3A_23 = vector.load %arg4[%get3A_21, %get3A_22] : memref<128x128xf32, #tpu.memory_space<vmem>>, vector<128x128xf32>
    %dot_general3A = arith.constant dense<0.000000e+00> : vector<1000x128xf32>
    %dot_general3A_24 = tpu.matmul %get3A_20, %get3A_23, %dot_general3A {dimension_numbers = #tpu.dot_dimension_numbers<[1], [0], [0], [1], [0, 0, 1, 1], [], []>, transpose_lhs_hint = false} : vector<1000x128xf32>, vector<128x128xf32>, vector<1000x128xf32> -> vector<1000x128xf32>
    %mul3A = vector.broadcast %broadcast_in_dim3A : vector<1000x1xf32> to vector<1000x128xf32>
    %mul3A_25 = arith.mulf %add3A, %mul3A : vector<1000x128xf32>
    %get3A_26 = arith.constant 0 : index
    %get3A_27 = arith.constant 0 : index
    %get3A_28 = vector.load %arg5[%get3A_26, %get3A_27] : memref<128x128xf32, #tpu.memory_space<vmem>>, vector<128x128xf32>
    %dot_general3A_29 = arith.constant dense<0.000000e+00> : vector<1000x128xf32>
    %dot_general3A_30 = tpu.matmul %mul3A_25, %get3A_28, %dot_general3A_29 {dimension_numbers = #tpu.dot_dimension_numbers<[1], [0], [0], [1], [0, 0, 1, 1], [], []>, transpose_lhs_hint = false} : vector<1000x128xf32>, vector<128x128xf32>, vector<1000x128xf32> -> vector<1000x128xf32>
    %add3A_31 = arith.addf %dot_general3A_24, %dot_general3A_30 : vector<1000x128xf32>
    %get3A_32 = arith.constant 0 : index
    %get3A_33 = arith.constant 0 : index
    %get3A_34 = vector.load %arg6[%get3A_32, %get3A_33] : memref<1x128xf32, #tpu.memory_space<vmem>>, vector<1x128xf32>
    %add3A_35 = vector.broadcast %get3A_34 : vector<1x128xf32> to vector<1000x128xf32>
    %add3A_36 = arith.addf %add3A_31, %add3A_35 : vector<1000x128xf32>
    %max3A_37 = arith.constant 0.000000e+00 : f32
    %max3A_38 = vector.broadcast %max3A_37 : f32 to vector<1000x128xf32>
    %max3A_39 = arith.maximumf %add3A_36, %max3A_38 : vector<1000x128xf32>
    %swap3A = arith.constant 0 : index
    %swap3A_40 = arith.constant 0 : index
    %swap3A_41 = vector.load %arg7[%swap3A, %swap3A_40] : memref<1000x128xf32, #tpu.memory_space<vmem>>, vector<1000x128xf32>
    tpu.vector_store %arg7[%swap3A, %swap3A_40], %max3A_39 {strides = array<i32>} : memref<1000x128xf32, #tpu.memory_space<vmem>>, vector<1000x128xf32>,
    return
  }
  func.func @transform_0(%arg0: i32) -> (i32, i32) {
    %c0_i32 = arith.constant 0 : i32
    %c0_i32_0 = arith.constant 0 : i32
    return %arg0, %c0_i32 : i32, i32
  }
  func.func @transform_1(%arg0: i32) -> (i32, i32, i32) {
    %c0_i32 = arith.constant 0 : i32
    %c0_i32_0 = arith.constant 0 : i32
    %c0_i32_1 = arith.constant 0 : i32
    return %c0_i32, %arg0, %c0_i32_0 : i32, i32, i32
  }
  func.func @transform_2(%arg0: i32) -> (i32, i32, i32) {
    %c0_i32 = arith.constant 0 : i32
    %c0_i32_0 = arith.constant 0 : i32
    %c0_i32_1 = arith.constant 0 : i32
    return %arg0, %c0_i32, %c0_i32_0 : i32, i32, i32
  }
  func.func @transform_3(%arg0: i32) -> (i32, i32) {
    %c0_i32 = arith.constant 0 : i32
    %c0_i32_0 = arith.constant 0 : i32
    %c0_i32_1 = arith.constant 0 : i32
    return %c0_i32, %c0_i32_0 : i32, i32
  }
  func.func @transform_4(%arg0: i32) -> (i32, i32) {
    %c0_i32 = arith.constant 0 : i32
    %c0_i32_0 = arith.constant 0 : i32
    %c0_i32_1 = arith.constant 0 : i32
    return %c0_i32, %c0_i32_0 : i32, i32
  }
  func.func @transform_5(%arg0: i32) -> (i32, i32) {
    %c0_i32 = arith.constant 0 : i32
    %c0_i32_0 = arith.constant 0 : i32
    %c0_i32_1 = arith.constant 0 : i32
    return %c0_i32, %c0_i32_0 : i32, i32
  }
  func.func @transform_6(%arg0: i32) -> (i32, i32) {
    %c0_i32 = arith.constant 0 : i32
    %c0_i32_0 = arith.constant 0 : i32
    return %arg0, %c0_i32 : i32, i32
  }
}

module attributes {stable_mosaic.version = 14 : i64} {
  func.func @_combine_body(%arg0: i32, %arg1: memref<1000x128xf32, #tpu.memory_space<vmem>>, %arg2: memref<2x1000x128xf32, #tpu.memory_space<vmem>>, %arg3: memref<1x2x1000xf32, #tpu.memory_space<vmem>>, %arg4: memref<128x128xf32, #tpu.memory_space<vmem>>, %arg5: memref<128x128xf32, #tpu.memory_space<vmem>>, %arg6: memref<1x128xf32, #tpu.memory_space<vmem>>, %arg7: memref<1000x128xf32, #tpu.memory_space<vmem>>) attributes {dimension_semantics = [#tpu.dimension_semantics<arbitrary>], iteration_bounds = array<i64: 10>, scalar_prefetch = 0 : i64, scratch_operands = 0 : i64, tpu.core_type = #tpu.core_type<tc>, window_params = [{transform_indices = @transform_0, window_bounds = array<i64: 1000, 128>}, {transform_indices = @transform_1, window_bounds = array<i64: 2, 1000, 128>}, {transform_indices = @transform_2, window_bounds = array<i64: 1, 2, 1000>}, {pipeline_mode = #tpu.pipeline_mode<synchronous>, transform_indices = @transform_3, window_bounds = array<i64: 128, 128>}, {pipeline_mode = #tpu.pipeline_mode<synchronous>, transform_indices = @transform_4, window_bounds = array<i64: 128, 128>}, {pipeline_mode = #tpu.pipeline_mode<synchronous>, transform_indices = @transform_5, window_bounds = array<i64: 1, 128>}, {transform_indices = @transform_6, window_bounds = array<i64: 1000, 128>}]} {
    %get3A = arith.constant 0 : index
    %get3A_0 = arith.constant 0 : index
    %get3A_1 = arith.constant 0 : index
    %get3A_2 = vector.load %arg3[%get3A, %get3A_0, %get3A_1] : memref<1x2x1000xf32, #tpu.memory_space<vmem>>, vector<1x2x1000xf32>
    %reduce_sum3A = arith.constant dense<0.000000e+00> : vector<1000xf32>
    %reduce_sum3A_3 = vector.multi_reduction <add>, %get3A_2, %reduce_sum3A [0, 1] : vector<1x2x1000xf32> to vector<1000xf32>
    %max3A = arith.constant 1.000000e+00 : f32
    %max3A_4 = vector.broadcast %max3A : f32 to vector<1000xf32>
    %max3A_5 = arith.maximumf %reduce_sum3A_3, %max3A_4 : vector<1000xf32>
    %div3A = arith.constant 1.000000e+00 : f32
    %div3A_6 = vector.broadcast %div3A : f32 to vector<1000xf32>
    %div3A_7 = arith.divf %div3A_6, %max3A_5 : vector<1000xf32>
    %broadcast_in_dim3A = vector.shape_cast %div3A_7 : vector<1000xf32> to vector<1000x1xf32>
    %get3A_8 = arith.constant 0 : index
    %get3A_9 = arith.constant 0 : index
    %get3A_10 = arith.constant 0 : index
    %get3A_11 = vector.load %arg2[%get3A_8, %get3A_9, %get3A_10] : memref<2x1000x128xf32, #tpu.memory_space<vmem>>, vector<1x1000x128xf32>
    %get3A_12 = vector.shape_cast %get3A_11 : vector<1x1000x128xf32> to vector<1000x128xf32>
    %get3A_13 = arith.constant 1 : index
    %get3A_14 = arith.constant 0 : index
    %get3A_15 = arith.constant 0 : index
    %get3A_16 = vector.load %arg2[%get3A_13, %get3A_14, %get3A_15] : memref<2x1000x128xf32, #tpu.memory_space<vmem>>, vector<1x1000x128xf32>
    %get3A_17 = vector.shape_cast %get3A_16 : vector<1x1000x128xf32> to vector<1000x128xf32>
    %add3A = arith.addf %get3A_12, %get3A_17 : vector<1000x128xf32>
    %get3A_18 = arith.constant 0 : index
    %get3A_19 = arith.constant 0 : index
    %get3A_20 = vector.load %arg1[%get3A_18, %get3A_19] : memref<1000x128xf32, #tpu.memory_space<vmem>>, vector<1000x128xf32>
    %get3A_21 = arith.constant 0 : index
    %get3A_22 = arith.constant 0 : index
    %get3A_23 = vector.load %arg4[%get3A_21, %get3A_22] : memref<128x128xf32, #tpu.memory_space<vmem>>, vector<128x128xf32>
    %dot_general3A = arith.constant dense<0.000000e+00> : vector<1000x128xf32>
    %dot_general3A_24 = tpu.matmul %get3A_20, %get3A_23, %dot_general3A {dimension_numbers = #tpu.dot_dimension_numbers<[1], [0], [0], [1], [0, 0, 1, 1], [], []>, transpose_lhs_hint = false} : vector<1000x128xf32>, vector<128x128xf32>, vector<1000x128xf32> -> vector<1000x128xf32>
    %mul3A = vector.broadcast %broadcast_in_dim3A : vector<1000x1xf32> to vector<1000x128xf32>
    %mul3A_25 = arith.mulf %add3A, %mul3A : vector<1000x128xf32>
    %get3A_26 = arith.constant 0 : index
    %get3A_27 = arith.constant 0 : index
    %get3A_28 = vector.load %arg5[%get3A_26, %get3A_27] : memref<128x128xf32, #tpu.memory_space<vmem>>, vector<128x128xf32>
    %dot_general3A_29 = arith.constant dense<0.000000e+00> : vector<1000x128xf32>
    %dot_general3A_30 = tpu.matmul %mul3A_25, %get3A_28, %dot_general3A_29 {dimension_numbers = #tpu.dot_dimension_numbers<[1], [0], [0], [1], [0, 0, 1, 1], [], []>, transpose_lhs_hint = false} : vector<1000x128xf32>, vector<128x128xf32>, vector<1000x128xf32> -> vector<1000x128xf32>
    %add3A_31 = arith.addf %dot_general3A_24, %dot_general3A_30 : vector<1000x128xf32>
    %get3A_32 = arith.constant 0 : index
    %get3A_33 = arith.constant 0 : index
    %get3A_34 = vector.load %arg6[%get3A_32, %get3A_33] : memref<1x128xf32, #tpu.memory_space<vmem>>, vector<1x128xf32>
    %add3A_35 = vector.broadcast %get3A_34 : vector<1x128xf32> to vector<1000x128xf32>
    %add3A_36 = arith.addf %add3A_31, %add3A_35 : vector<1000x128xf32>
    %swap3A = arith.constant 0 : index
    %swap3A_37 = arith.constant 0 : index
    %swap3A_38 = vector.load %arg7[%swap3A, %swap3A_37] : memref<1000x128xf32, #tpu.memory_space<vmem>>, vector<1000x128xf32>
    tpu.vector_store %arg7[%swap3A, %swap3A_37], %add3A_36 {strides = array<i32>} : memref<1000x128xf32, #tpu.memory_space<vmem>>, vector<1000x128xf32>,
    return
  }
  func.func @transform_0(%arg0: i32) -> (i32, i32) {
    %c0_i32 = arith.constant 0 : i32
    %c0_i32_0 = arith.constant 0 : i32
    return %arg0, %c0_i32 : i32, i32
  }
  func.func @transform_1(%arg0: i32) -> (i32, i32, i32) {
    %c0_i32 = arith.constant 0 : i32
    %c0_i32_0 = arith.constant 0 : i32
    %c0_i32_1 = arith.constant 0 : i32
    return %c0_i32, %arg0, %c0_i32_0 : i32, i32, i32
  }
  func.func @transform_2(%arg0: i32) -> (i32, i32, i32) {
    %c0_i32 = arith.constant 0 : i32
    %c0_i32_0 = arith.constant 0 : i32
    %c0_i32_1 = arith.constant 0 : i32
    return %arg0, %c0_i32, %c0_i32_0 : i32, i32, i32
  }
  func.func @transform_3(%arg0: i32) -> (i32, i32) {
    %c0_i32 = arith.constant 0 : i32
    %c0_i32_0 = arith.constant 0 : i32
    %c0_i32_1 = arith.constant 0 : i32
    return %c0_i32, %c0_i32_0 : i32, i32
  }
  func.func @transform_4(%arg0: i32) -> (i32, i32) {
    %c0_i32 = arith.constant 0 : i32
    %c0_i32_0 = arith.constant 0 : i32
    %c0_i32_1 = arith.constant 0 : i32
    return %c0_i32, %c0_i32_0 : i32, i32
  }
  func.func @transform_5(%arg0: i32) -> (i32, i32) {
    %c0_i32 = arith.constant 0 : i32
    %c0_i32_0 = arith.constant 0 : i32
    %c0_i32_1 = arith.constant 0 : i32
    return %c0_i32, %c0_i32_0 : i32, i32
  }
  func.func @transform_6(%arg0: i32) -> (i32, i32) {
    %c0_i32 = arith.constant 0 : i32
    %c0_i32_0 = arith.constant 0 : i32
    return %arg0, %c0_i32 : i32, i32
  }
}

</mosaic_0001>

<sc_bundles>
// kernel: kernel.11.cloned.1.call-start
scs
__scs_entry_jumppad:
0x0: {  	(pc) =	sbr.rel $0x88, $3  }
0x1: {  	(tag) =	ssettag $0x0;
	lr =	simm.s32 $0x1  }
0x2: {  	[smem:$0x3F96] =	sst lr;
	_ =	strace $0xD0000000  }
0x3: {  	_ = 	snop  }
0x4: {  	_ = 	snop  }
0x5: {  	_ = 	snop  }
0x6: {  	_ = 	snop  }
0x7: {  	_ = 	snop  }
__scs_overlays_trampoline_lowered:
0x8: {  	[smem:$0x3FA5] =	sst s0  }
0x9: {  	[smem:$0x3FA6] =	sst s1  }
0xa: {  	[smem:$0x3FA7] =	sst s2  }
0xb: {  	[smem:$0x3FA8] =	sst s3  }
0xc: {  	[smem:$0x3FA9] =	sst s4  }
0xd: {  	[smem:$0x3FAA] =	sst s5  }
0xe: {  	[smem:$0x3FAB] =	sst s6  }
0xf: {  	[smem:$0x3FAC] =	sst s7  }
0x10: {  	[smem:$0x3FAD] =	sst s8  }
0x11: {  	[smem:$0x3FAE] =	sst s9;
	s0 =	simm.s32 @!p0 $0x0  }
0x12: {  	s1 =	sld [smem:$0x3F94];
	s0 =	simm.s32 @p0 $0x1  }
0x13: {  	[smem:$0x3FAF] =	sst s0;
	s0 =	simm.s32 @!p1 $0x0  }
0x14: {  	s2 =	sld [smem:$0x3F93];
	s0 =	simm.s32 @p1 $0x1  }
0x15: {  	[smem:$0x3FB0] =	sst s0;
	s0 =	simm.s32 @!p2 $0x0  }
0x16: {  	s3 =	sld [smem:$0x3FDB];
	s0 =	simm.s32 @p2 $0x1  }
0x17: {  	s4 =	simm.s32 $0x1BF5;
	[smem:$0x3FB2] =	sst s0  }
0x18: {  	s0 =	sld [smem:$0x3F95];
	_ =	swait.ge [sflag:s4], $0x0  }
0x19: {  	s7 =	sld [smem:$0x3F96]  }
0x1a: {  	s8 =	sadd.s32 $0xFFFFE003, lr  }
0x1b: {  	s9 =	sadd.s32 $0xFFFFFEF7, lr;
	s5 =	simm.s32 $0xFFFFFFFF;
	p2 =	slt.u32 s8, $0xFFFFF086  }
0x1c: {  	p1 =	slt.u32 s9, $0xF7A;
	s5 =	simm.s32 @!p2 $0x0  }
0x1d: {  	s5 =	simm.s32 @p1 $0x1;
	p0 =	seq.s32 s7, s2  }
0x1e: {  	s7 =	smul.u32 @!p0 $0xF7A, s2;
	p2 =	seq.s32 @!p0 s5, $0x0  }
0x1f: {  	s9 =	smul.u32 $0xF7A, s1;
	s8 =	simm.s32 @!p0 $0x1BF5;
	p2 =	por !p2, p0  }
0x20: {  	[sflag:s8] =	ssyncset.s32 @!p0 $0xFFFFF086;
	s6 =	sadd.s32 @!p0 s3, s7;
	s7 =	simm.s32 @!p0 $0x108  }
0x21: {  	s3 =	sadd.s32 s3, s9;
	s6 =	sadd.s32 @!p0 $0x88, s6;
	s7 =	simm.s32 @p2 $0x1082  }
0x22: {  	[simem:s7], [sflag:s8] =	dma.local @!p0 [hbm:s6], $0xF7A  }
0x23: {  	s9 =	sor.u32 $0xD0000000, s2;
	s6 =	simm.s32 $0x108;
	_ =	swait.ge @!p0 [sflag:s8], $0x0  }
0x24: {  	s3 =	sadd.s32 $0x88, s3;
	s6 =	simm.s32 @!p1 $0x1082;
	[sflag:s4] =	ssyncset.s32 $0xFFFFF086  }
0x25: {  	[simem:s6], [sflag:s4] =	dma.local [hbm:s3], $0xF7A  }
0x26: {  	[smem:$0x3F96] =	sst s1;
	(tag) =	ssettag s2;
	_ =	strace s9  }
0x27: {  	s1 =	sld [smem:$0x3FA6]  }
0x28: {  	s2 =	sld [smem:$0x3FA7]  }
0x29: {  	s4 =	sld [smem:$0x3FA9]  }
0x2a: {  	p0 =	seq.s32 s5, $0x0;
	s5 =	sld [smem:$0x3FAA]  }
0x2b: {  	s6 =	sld [smem:$0x3FAB]  }
0x2c: {  	s7 =	sld [smem:$0x3FAC]  }
0x2d: {  	s3 =	simm.s32 $0x108;
	s8 =	sld [smem:$0x3FAD]  }
0x2e: {  	s3 =	simm.s32 @!p0 $0x1082;
	s9 =	sld [smem:$0x3FAE]  }
0x2f: {  	lr =	sadd.s32 s0, s3;
	s0 =	sld [smem:$0x3FA5]  }
0x30: {  	s3 =	sld [smem:$0x3FA8]  }
0x31: {  	[smem:$0x3FB1] =	sst s10  }
0x32: {  	s10 =	sld [smem:$0x3FAF];
	_ =	sdelay $0x3  }
0x33: {  	p0 =	seq.s32 s10, $0x1;
	s10 =	sld [smem:$0x3FB1];
	_ =	sdelay $0x3  }
0x34: {  	[smem:$0x3FB1] =	sst s10  }
0x35: {  	s10 =	sld [smem:$0x3FB0];
	_ =	sdelay $0x3  }
0x36: {  	p1 =	seq.s32 s10, $0x1;
	s10 =	sld [smem:$0x3FB1];
	_ =	sdelay $0x3  }
0x37: {  	[smem:$0x3FB1] =	sst s10  }
0x38: {  	s10 =	sld [smem:$0x3FB2]  }
0x39: {  	_ = 	snop;
	(pc) =	sbr.ind lr, $3  }
0x3a: {  	_ = 	snop  }
0x3b: {  	_ = 	snop  }
0x3c: {  	p2 =	seq.s32 s10, $0x1;
	s10 =	sld [smem:$0x3FB1]  }
0x3d: {  	_ =	shalt  }
0x3e: {  	_ =	shalt  }
0x3f: {  	_ =	shalt  }
0x40: {  	_ =	shalt  }
0x41: {  	_ =	shalt  }
0x42: {  	_ =	shalt  }
0x43: {  	_ =	shalt  }
0x44: {  	_ =	shalt  }
0x45: {  	_ =	shalt  }
0x46: {  	_ =	shalt  }
0x47: {  	_ =	shalt  }
0x48: {  	_ =	shalt  }
0x49: {  	_ =	shalt  }
0x4a: {  	_ =	shalt  }
0x4b: {  	_ =	shalt  }
0x4c: {  	_ =	shalt  }
0x4d: {  	_ =	shalt  }
0x4e: {  	_ =	shalt  }
0x4f: {  	_ =	shalt  }
0x50: {  	_ =	shalt  }
0x51: {  	_ =	shalt  }
0x52: {  	_ =	shalt  }
0x53: {  	_ =	shalt  }
0x54: {  	_ =	shalt  }
0x55: {  	_ =	shalt  }
0x56: {  	_ =	shalt  }
0x57: {  	_ =	shalt  }
0x58: {  	_ =	shalt  }
0x59: {  	_ =	shalt  }
0x5a: {  	_ =	shalt  }
0x5b: {  	_ =	shalt  }
0x5c: {  	_ =	shalt  }
0x5d: {  	_ =	shalt  }
0x5e: {  	_ =	shalt  }
0x5f: {  	_ =	shalt  }
0x60: {  	_ =	shalt  }
0x61: {  	_ =	shalt  }
0x62: {  	_ =	shalt  }
0x63: {  	_ =	shalt  }
0x64: {  	_ =	shalt  }
0x65: {  	_ =	shalt  }
0x66: {  	_ =	shalt  }
0x67: {  	_ =	shalt  }
0x68: {  	_ =	shalt  }
0x69: {  	_ =	shalt  }
0x6a: {  	_ =	shalt  }
0x6b: {  	_ =	shalt  }
0x6c: {  	_ =	shalt  }
0x6d: {  	_ =	shalt  }
0x6e: {  	_ =	shalt  }
0x6f: {  	_ =	shalt  }
0x70: {  	_ =	shalt  }
0x71: {  	_ =	shalt  }
0x72: {  	_ =	shalt  }
0x73: {  	_ =	shalt  }
0x74: {  	_ =	shalt  }
0x75: {  	_ =	shalt  }
0x76: {  	_ =	shalt  }
0x77: {  	_ =	shalt  }
0x78: {  	_ =	shalt  }
0x79: {  	_ =	shalt  }
0x7a: {  	_ =	shalt  }
0x7b: {  	_ =	shalt  }
0x7c: {  	_ =	shalt  }
0x7d: {  	_ =	shalt  }
0x7e: {  	_ =	shalt  }
0x7f: {  	_ =	shalt  }
0x80: {  	_ =	shalt  }
0x81: {  	_ =	shalt  }
0x82: {  	_ =	shalt  }
0x83: {  	_ =	shalt  }
0x84: {  	_ =	shalt  }
0x85: {  	_ =	shalt  }
0x86: {  	_ =	shalt  }
0x87: {  	_ =	shalt  }
.Lfunc_end0:
.L_simem_size_0:
called_computation.1_lowered:
.L_overlay_start_0:
0x88: {  	s2 =	sld [smem:$0x3FD9]  }
0x89: {  	s3 =	sld [smem:$0x3FFE];
	_ =	sdelay $0x1  }
0x8a: {  	s1 =	srdreg.scid  }
0x8b: {  	s0 =	sand.u32 $0x1, s1  }
0x8c: {  	s17 =	sshll.u32 s0, $0xA;
	s2 =	sadd.s32 s3, s2  }
0x8d: {  	s2 =	sadd.s32 s2, s17  }
0x8e: {  	[smem:$0x3FBD] =	sst s2  }
0x8f: {  	_ = 	snop  }
0x90: {  	s2 =	sld [smem:$0x3FD0];
	(tm) =	ssettm $0x1  }
0x91: {  	s18 =	sld [smem:$0x3FFB];
	_ =	sdelay $0x3  }
0x92: {  	_ =	strace s18  }
0x93: {  	s3 =	sld [smem:$0x3FFC];
	_ =	sdelay $0x3  }
0x94: {  	_ =	strace s3  }
0x95: {  	s3 =	sld [smem:$0x3FFD];
	_ =	sdelay $0x3  }
0x96: {  	_ =	strace s3  }
0x97: {  	_ =	strace $0x8FFFFFFF  }
0x98: {  	s19 =	sld [smem:$0x3FDB];
	_ =	sdelay $0x1  }
0x99: {  	s4 =	simm.s32 $_scs_section_size  }
0x9a: {  	s5 =	simm.s32 $_size__tile_overlayer_lowered;
	s6 =	simm.s32 $_tile_overlayer_lowered  }
0x9b: {  	s22 =	simm.s32 $0x1BFF;
	s21 =	sshll.u32 s6, $0x1;
	s3 =	sadd.s32 s4, s19  }
0x9c: {  	s7 =	simm.s32 $0x0;
	s20 =	sshll.u32 s5, $0x1;
	s5 =	sadd.s32 s21, s3  }
0x9d: {  	[timem:s7], [sflag:s22] =	dma.local [hbm:s5], s20  }
0x9e: {  	_ =	swait.ge [sflag:s22], s20  }
0x9f: {  	s4 =	ssub.s32 $0x0, s20;
	[sflag:s22] =	ssyncset.done $0x0  }
0xa0: {  	[sflag:s22] =	ssyncadd.s32 s4;
	_ =	sdelay $0x1  }
0xa1: {  	s23 =	simm.s32 $0x1B8B  }
0xa2: {  	_ =	swait.ge [sflag:s23], $0x1  }
0xa3: {  	[sflag:s23] =	ssyncset.done $0x0  }
0xa4: {  	s25 =	simm.s32 $0x1B8E;
	s24 =	sld [smem:$0x3FFE];
	[sflag:s23] =	ssyncadd.s32 $0xFFFFFFFF  }
0xa5: {  	s26 =	simm.s32 $execute0_lowered;
	[smem:$0x3FD2] =	sst s25  }
0xa6: {  	s5 =	sshll.u32 s26, $0x1;
	_ =	strace $0x80000049;
	[dreg:$0x1] =	wrdreg $0xFFFFFFFF  }
0xa7: {  	s28 =	simm.s32 $_size_execute0_lowered;
	s3 =	sadd.s32 s3, s5;
	[dreg:$0x0] =	wrdreg $0x0  }
0xa8: {  	s5 =	sshll.u32 s28, $0x1;
	[dreg:$0x2] =	wrdreg s3  }
0xa9: {  	[dreg:$0x3] =	wrdreg s5  }
0xaa: {  	[dreg:$0x4] =	wrdreg $0xC0  }
0xab: {  	_ =	task [dreg:s7], $0x5FFFF  }
0xac: {  	[dreg:$0x1] =	wrdreg $0xFFFFFFFF  }
0xad: {  	[dreg:$0x0] =	wrdreg $0x60  }
0xae: {  	[dreg:$0x2] =	wrdreg s2  }
0xaf: {  	[dreg:$0x3] =	wrdreg s24  }
0xb0: {  	[dreg:$0x4] =	wrdreg $0x84000  }
0xb1: {  	[dreg:$0x5] =	wrdreg $0x9  }
0xb2: {  	_ =	task.clear_ibuf [dreg:s7], $0x6FFFF;
	_ =	strace $0x90000049  }
0xb3: {  	s29 =	simm.s32 $0x9;
	_ =	strace $0x8000004B  }
0xb4: {  	_ =	swait.ge [sflag:s29], $0x1  }
0xb5: {  	[sflag:s29] =	ssyncadd.s32 $0xFFFFFFFF  }
0xb6: {  	_ =	strace $0x9000004B  }
0xb7: {  	_ =	sfence  }
0xb8: {  	s30 =	sld [smem:$0x0];
	_ =	sdelay $0x2  }
0xb9: {  	s31 =	sshll.u32 s1, $0xD;
	s1 =	sshrl.u32 s1, $0x2  }
0xba: {  	s3 =	sand.u32 $0x4000, s31;
	s1 =	sadd.s32 s1, s30  }
0xbb: {  	s0 =	sor.u32 s3, s0;
	s1 =	sshll.u32 s1, $0x11  }
0xbc: {  	s0 =	sor.u32 s1, s0  }
0xbd: {  	s0 =	sadd.s32 $0x8F2B, s0  }
0xbe: {  	[sflag:s0] =	ssyncadd.remote.s32 $0x1  }
0xbf: {  	_ =	sfence.sel $0xFFFF  }
0xc0: {  	[dreg:$0x0] =	wrdreg $0xFFFFFFFF;
	(pc) =	sbr.abs _section_cstart, $3  }
0xc1: {  	[dreg:$0x1] =	wrdreg $0xFFFFFFFF  }
0xc2: {  	_ =	task.clear_ibuf [dreg:s7], $0x2FFFF;
	_ =	strace $0x9FFFFFFF  }
0xc3: {  	(tm) =	ssettm $0x7FFFFFFF  }
tec
execute0_lowered:
.L_overlay_start_1:
0x0: {  	(tag) =	ssettag $0x1  }
0x1: {  	s1 =	rddreg [dreg:$0x0]  }
0x2: {  	s0 =	rddreg [dreg:$0x1]  }
0x3: {  	s3 =	rddreg [dreg:$0x2];
	s4 =	simm.s32 $0x0;
	s2 =	srdreg.scid  }
0x4: {  	s13 =	stileid.u32;
	s30 =	simm.s32 $0x8080;
	s31 =	simm.s32 $0x8100  }
0x5: {  	[smem:$0x7FF] =	sst s4;
	s2 =	sand.u32 $0x1, s2;
	s11 =	smul.u32 $0x4F000, s13  }
0x6: {  	s7 =	sadd.s32 $0x2C00, s0;
	s9 =	sadd.s32 $0xCC00, s0;
	s19 =	smul.u32 $0x13C00, s13  }
0x7: {  	s0 =	sadd.s32 $0x16C00, s0;
	s20 =	smul.u32 $0xA0, s13;
	p0 =	seq.s32 s13, $0xF  }
0x8: {  	s5 =	sshll.u32 s13, $0x1;
	_ =	strace $0x8000004A;
	s18 =	smul.u32 $0x138800, s2  }
0x9: {  	s6 =	ssub.s32 $0x2, s2;
	s5 =	sor.u32 s2, s5;
	s2 =	smul.u32 $0x50, s2  }
0xa: {  	s8 =	sshrl.u32 s6, $0x1;
	s5 =	smul.u32 $0x500, s5;
	s11 =	sshrl.u32 s11, $0x2  }
0xb: {  	s6 =	ssub.s32 s6, s8;
	s25 =	sadd.s32 s11, s3;
	s23 =	sadd.s32 s19, s18  }
0xc: {  	s2 =	sadd.s32 s2, s20;
	s12 =	sadd.s32 s7, s5;
	[dreg:$0xc] =	wrdreg s25  }
0xd: {  	s11 =	simm.s32 $0x4000;
	s14 =	sadd.s32 s9, s5;
	[dreg:$0x4] =	wrdreg s12  }
0xe: {  	s15 =	sor.u32 $0x10, s5;
	s21 =	sadd.s32 $0x4000, s25;
	[dreg:$0x5] =	wrdreg s14  }
0xf: {  	s16 =	sor.u32 $0x20, s5;
	s22 =	sadd.s32 $0x8000, s25;
	[dreg:$0xd] =	wrdreg s21  }
0x10: {  	s5 =	sor.u32 $0x30, s5;
	s26 =	smax.u32 s6, $0x1;
	[dreg:$0xe] =	wrdreg s22  }
0x11: {  	s2 =	sshll.u32 s2, $0x4;
	s28 =	sadd.s32 $0xC000, s25;
	[dreg:$0x11] =	wrdreg s26  }
0x12: {  	s29 =	sadd.s32 $0x10000, s25;
	s6 =	simm.s32 $0x8380;
	[dreg:$0x13] =	wrdreg s28  }
0x13: {  	s10 =	sadd.s32 s7, s15;
	s8 =	sadd.s32 s9, s15;
	[dreg:$0x14] =	wrdreg s29  }
0x14: {  	s17 =	sadd.s32 s7, s16;
	s12 =	sadd.s32 s7, s5;
	[dreg:$0x6] =	wrdreg s10  }
0x15: {  	s5 =	sadd.s32 s9, s5;
	s24 =	sor.u32 $0x60, s2;
	[dreg:$0x7] =	wrdreg s8  }
0x16: {  	s19 =	sadd.s32 s2, s9;
	s26 =	simm.s32 $0x8000;
	[dreg:$0x8] =	wrdreg s17  }
0x17: {  	s14 =	simm.s32 $0x5;
	s15 =	simm.s32 $0x2;
	[dreg:$0xa] =	wrdreg s12  }
0x18: {  	s10 =	sadd.s32 s9, s16;
	[dreg:$0xb] =	wrdreg s5;
	s5 =	sshrl.u32 s23, $0x3  }
0x19: {  	s8 =	sshrl.u32 s18, $0x3;
	s18 =	sadd.s32 s2, s7;
	s20 =	sadd.s32 s24, s7  }
0x1a: {  	s2 =	sor.u32 $0x40, s2;
	s21 =	sadd.s32 s24, s9;
	s12 =	simm.s32 $0x1  }
0x1b: {  	s16 =	simm.s32 $0x6;
	s17 =	simm.s32 $0x0;
	[dreg:$0x9] =	wrdreg s10  }
0x1c: {  	s5 =	sadd.s32 s0, s5;
	s0 =	sadd.s32 s0, s8;
	s22 =	sadd.s32 s2, s7  }
.Ltmp0:
0x1d: {  	s23 =	sadd.s32 s2, s9;
	s2 =	simm.s32 $0x8200;
	(pc) =	sbr.rel .LBB2_1-.Ltmp0, $4  }
0x1e: {  	s7 =	simm.s32 $0x7;
	s8 =	simm.s32 $0x3;
	s0 =	sadd.s32 $0x25080, s0  }
0x1f: {  	s9 =	simm.s32 $0x80;
	[dreg:$0x10] =	wrdreg s0;
	s0 =	sadd.s32 $0x128400, s3  }
0x20: {  	s10 =	simm.s32 $0x4;
	[dreg:$0xf] =	wrdreg s5;
	s0 =	sshrl.u32 @p0 s0, $0x3  }
0x21: {  	v0 =	vimm.f32 $0.0e+00;
	s5 =	simm.s32 $0x8300;
	[dreg:$0x12] =	wrdreg s0;
	s0 =	simm.s32 $0x8180  }
.LBB2_6:
0x22: {  	[bflag:$0x0] =	sbarrier.arrive $0xFFFF  }
0x23: {  	s24 =	rddreg [dreg:$0x10]  }
0x24: {  	s13 =	simm.s32 @p0 $0x1FC7;
	s25 =	rddreg [dreg:$0x12]  }
0x25: {  	[hbm:s24], [sflag:s13] =	dma.local @p0 [spmem:s25], $0x2080  }
0x26: {  	s13 =	simm.s32 @p0 $0x7  }
0x27: {  	_ =	swait.ge @p0 [sflag:s13], $0x2080  }
0x28: {  	s24 =	stileid.u32;
	s25 =	rddreg [dreg:$0xc]  }
0x29: {  	s24 =	sshll.u32 @!p0 s24, $0x6;
	[sflag:s13] =	ssyncset.done @p0 $0x0;
	s26 =	rddreg [dreg:$0xf]  }
0x2a: {  	[sflag:s13] =	ssyncadd.s32 @p0 $0xFFFFDF80;
	s13 =	sor.u32 @!p0 $0x1C07, s24;
	s24 =	sshrl.u32 @!p0 s25, $0x3  }
0x2b: {  	[hbm:s26], [sflag:s13] =	dma.local @!p0 [spmem:s24], $0x2780  }
0x2c: {  	s13 =	simm.s32 @!p0 $0x7  }
0x2d: {  	_ =	swait.ge @!p0 [sflag:s13], $0x2780  }
0x2e: {  	s17 =	sadd.s32 $0x1, s17;
	s29 =	rddreg [dreg:$0x11]  }
0x2f: {  	p1 =	sne.s32 s17, s29  }
.Ltmp1:
0x30: {  	_ = 	snop;
	(pc) =	sbr.rel @!p1 .LBB2_7-.Ltmp1, $3  }
0x31: {  	_ =	sdelay $0x1  }
0x32: {  	[sflag:s13] =	ssyncset.done @!p0 $0x0  }
0x33: {  	s26 =	simm.s32 $0x8000;
	[sflag:s13] =	ssyncadd.s32 @!p0 $0xFFFFD880  }
.LBB2_1:
0x34: {  	s13 =	rddreg [dreg:$0x4]  }
0x35: {  	[tilespmem:s26], [sflag:$0x3] =	stream.linear.gather [hbm4b:s13+s4], $0x80, $0x38;
	[tilespmem:$0x1C000] =	vst v63  }
0x36: {  	s28 =	rddreg [dreg:$0x5]  }
0x37: {  	[tilespmem:s30], [sflag:$0x3] =	stream.linear.gather [hbm4b:s28+s4], $0x80, $0x38;
	[tilespmem:$0x1C000] =	vst v63  }
0x38: {  	s24 =	rddreg [dreg:$0x6]  }
0x39: {  	[tilespmem:s31], [sflag:$0x4] =	stream.linear.gather [hbm4b:s24+s4], $0x80, $0x38;
	[tilespmem:$0x1C000] =	vst v63  }
0x3a: {  	s28 =	rddreg [dreg:$0x7]  }
0x3b: {  	[tilespmem:s0], [sflag:$0x4] =	stream.linear.gather [hbm4b:s28+s4], $0x80, $0x38;
	[tilespmem:$0x1C000] =	vst v63  }
0x3c: {  	s24 =	rddreg [dreg:$0x8]  }
0x3d: {  	[tilespmem:s2], [sflag:$0x5] =	stream.linear.gather [hbm4b:s24+s4], $0x80, $0x38;
	[tilespmem:$0x1C000] =	vst v63  }
0x3e: {  	s28 =	rddreg [dreg:$0x9];
	s24 =	simm.s32 $0x8280  }
0x3f: {  	[tilespmem:s24], [sflag:$0x5] =	stream.linear.gather [hbm4b:s28+s4], $0x80, $0x38;
	[tilespmem:$0x1C000] =	vst v63  }
0x40: {  	s24 =	rddreg [dreg:$0xa]  }
0x41: {  	[tilespmem:s5], [sflag:$0x6] =	stream.linear.gather [hbm4b:s24+s4], $0x80, $0x38;
	[tilespmem:$0x1C000] =	vst v63  }
0x42: {  	s29 =	simm.s32 $0x200;
	s28 =	rddreg [dreg:$0xb];
	s24 =	simm.s32 $0x0  }
0x43: {  	[tilespmem:s6], [sflag:$0x6] =	stream.linear.gather [hbm4b:s28+s4], $0x80, $0x38;
	[tilespmem:$0x1C000] =	vst v63  }
.LBB2_2:
0x44: {  	p1 =	sne.s32 s29, $0xFE00;
	[tilespmem:s24+$0x70] =	vst v0  }
0x45: {  	[tilespmem:s24+$0x0] =	vst v0  }
0x46: {  	[tilespmem:s24+$0x10] =	vst v0  }
.Ltmp2:
0x47: {  	[tilespmem:s24+$0x20] =	vst v0;
	(pc) =	sbr.rel @p1 .LBB2_2-.Ltmp2, $4  }
0x48: {  	[tilespmem:s24+$0x30] =	vst v0  }
0x49: {  	[tilespmem:s24+$0x40] =	vst v0  }
0x4a: {  	[tilespmem:s24+$0x50] =	vst v0  }
0x4b: {  	[tilespmem:s24+$0x60] =	vst v0;
	s24 =	sshra.s32 s29, $0x2;
	s29 =	sadd.s32 $0x200, s29  }
0x4c: {  	[tilespmem:s24+$0x70] =	vst v0  }
0x4d: {  	[tilespmem:s24+$0x0] =	vst v0  }
0x4e: {  	[tilespmem:s24+$0x10] =	vst v0  }
0x4f: {  	[tilespmem:s24+$0x20] =	vst v0  }
0x50: {  	[tilespmem:s24+$0x30] =	vst v0  }
0x51: {  	[tilespmem:s24+$0x40] =	vst v0  }
0x52: {  	[tilespmem:s24+$0x50] =	vst v0  }
0x53: {  	[tilespmem:s24+$0x60] =	vst v0;
	s24 =	simm.s32 $0x0  }
0x54: {  	[spmem:s25] =	stream.linear.scatter [tilespmem:s24], [sflag:$0x7], $0x4000, $0x38;
	[tilespmem:$0x1C000] =	vst v63  }
0x55: {  	_ =	swait.ge [sflag:s7], $0x4000  }
0x56: {  	[sflag:s7] =	ssyncset.done $0x0  }
0x57: {  	s13 =	rddreg [dreg:$0xd];
	[sflag:s7] =	ssyncadd.s32 $0xFFFFC000  }
0x58: {  	[spmem:s13] =	stream.linear.scatter [tilespmem:s24], [sflag:$0x7], $0x4000, $0x38;
	[tilespmem:$0x1C000] =	vst v63  }
0x59: {  	_ =	swait.ge [sflag:s7], $0x4000  }
0x5a: {  	[sflag:s7] =	ssyncset.done $0x0  }
0x5b: {  	s25 =	rddreg [dreg:$0xe];
	[sflag:s7] =	ssyncadd.s32 $0xFFFFC000  }
0x5c: {  	[spmem:s25] =	stream.linear.scatter [tilespmem:s24], [sflag:$0x7], $0x4000, $0x38;
	[tilespmem:$0x1C000] =	vst v63  }
0x5d: {  	_ =	swait.ge [sflag:s7], $0x4000  }
0x5e: {  	[sflag:s7] =	ssyncset.done $0x0  }
0x5f: {  	s28 =	rddreg [dreg:$0x13];
	[sflag:s7] =	ssyncadd.s32 $0xFFFFC000  }
0x60: {  	[spmem:s28] =	stream.linear.scatter [tilespmem:s24], [sflag:$0x7], $0x4000, $0x38;
	[tilespmem:$0x1C000] =	vst v63  }
0x61: {  	_ =	swait.ge [sflag:s7], $0x4000  }
0x62: {  	[sflag:s7] =	ssyncset.done $0x0  }
0x63: {  	s29 =	rddreg [dreg:$0x14];
	[sflag:s7] =	ssyncadd.s32 $0xFFFFC000  }
0x64: {  	[spmem:s29] =	stream.linear.scatter [tilespmem:s24], [sflag:$0x7], $0x3C00, $0x38;
	[tilespmem:$0x1C000] =	vst v63  }
0x65: {  	_ =	swait.ge [sflag:s7], $0x3C00  }
0x66: {  	[sflag:s7] =	ssyncset.done $0x0  }
0x67: {  	[sflag:s7] =	ssyncadd.s32 $0xFFFFC400  }
0x68: {  	_ =	swait.ge [sflag:s8], $0x80  }
0x69: {  	[sflag:s8] =	ssyncset.done $0x0  }
0x6a: {  	[sflag:s8] =	ssyncadd.s32 $0xFFFFFF80  }
0x6b: {  	_ =	swait.ge [sflag:s8], $0x80  }
0x6c: {  	[sflag:s8] =	ssyncset.done $0x0  }
0x6d: {  	[sflag:s8] =	ssyncadd.s32 $0xFFFFFF80  }
0x6e: {  	[tilespmem:s24], [sflag:$0x1] =	stream.indirect.gather [hbm4b:s1+s9], $0x80, s26, s9, $0xb8;
	[tilespmem:$0x1C000] =	vst v63  }
0x6f: {  	_ =	swait.ge [sflag:s10], $0x80  }
0x70: {  	[sflag:s10] =	ssyncset.done $0x0  }
0x71: {  	[sflag:s10] =	ssyncadd.s32 $0xFFFFFF80  }
0x72: {  	_ =	swait.ge [sflag:s10], $0x80  }
0x73: {  	[sflag:s10] =	ssyncset.done $0x0  }
0x74: {  	[sflag:s10] =	ssyncadd.s32 $0xFFFFFF80  }
0x75: {  	[tilespmem:s11], [sflag:$0x2] =	stream.indirect.gather [hbm4b:s1+s9], $0x80, s31, s9, $0xb8;
	[tilespmem:$0x1C000] =	vst v63  }
0x76: {  	[bflag:$0x0] =	sbarrier.arrive $0xFFFF  }
.LBB2_4:
0x77: {  	_ =	swait.ge [sflag:s12], $0x4000  }
0x78: {  	[sflag:s12] =	ssyncset.done $0x0  }
0x79: {  	[sflag:s12] =	ssyncadd.s32 $0xFFFFC000  }
0x7a: {  	[spmem:s3] =	stream.indirect.scatter.add.f32 [tilespmem:s4], [sflag:$0x7], $0x80, s30, s9, $0xb8;
	[tilespmem:$0x1C000] =	vst v63  }
0x7b: {  	_ =	swait.ge [sflag:s7], $0x4000  }
0x7c: {  	[sflag:s7] =	ssyncset.done $0x0  }
0x7d: {  	[sflag:s7] =	ssyncadd.s32 $0xFFFFC000  }
0x7e: {  	_ =	swait.ge [sflag:s14], $0x80  }
0x7f: {  	[sflag:s14] =	ssyncset.done $0x0  }
0x80: {  	[sflag:s14] =	ssyncadd.s32 $0xFFFFFF80  }
0x81: {  	_ =	swait.ge [sflag:s14], $0x80  }
0x82: {  	[sflag:s14] =	ssyncset.done $0x0  }
0x83: {  	p1 =	seq.s32 s24, $0x4C0;
	[sflag:s14] =	ssyncadd.s32 $0xFFFFFF80  }
0x84: {  	[tilespmem:s4], [sflag:$0x1] =	stream.indirect.gather [hbm4b:s1+s9], $0x80, s2, s9, $0xb8;
	[tilespmem:$0x1C000] =	vst v63  }
0x85: {  	s25 =	sadd.s32 @!p1 s24, s22;
	s29 =	simm.s32 @!p1 $0x0;
	s26 =	simm.s32 @!p1 $0x8000  }
0x86: {  	[tilespmem:s26], [sflag:$0x3] =	stream.linear.gather @!p1 [hbm4b:s25+s29], $0x80, $0x38;
	[tilespmem:$0x1C000] =	vst v63  }
0x87: {  	s28 =	simm.s32 @!p1 $0x8080;
	s25 =	sadd.s32 @!p1 s24, s23  }
0x88: {  	[tilespmem:s28], [sflag:$0x3] =	stream.linear.gather @!p1 [hbm4b:s25+s29], $0x80, $0x38;
	[tilespmem:$0x1C000] =	vst v63  }
0x89: {  	_ =	swait.ge [sflag:s15], $0x4000  }
0x8a: {  	[sflag:s15] =	ssyncset.done $0x0  }
0x8b: {  	[sflag:s15] =	ssyncadd.s32 $0xFFFFC000  }
0x8c: {  	[spmem:s3] =	stream.indirect.scatter.add.f32 [tilespmem:s11], [sflag:$0x7], $0x80, s0, s9, $0xb8;
	[tilespmem:$0x1C000] =	vst v63  }
0x8d: {  	_ =	swait.ge [sflag:s7], $0x4000  }
0x8e: {  	[sflag:s7] =	ssyncset.done $0x0  }
0x8f: {  	[sflag:s7] =	ssyncadd.s32 $0xFFFFC000  }
0x90: {  	_ =	swait.ge [sflag:s16], $0x80  }
0x91: {  	[sflag:s16] =	ssyncset.done $0x0  }
0x92: {  	[sflag:s16] =	ssyncadd.s32 $0xFFFFFF80  }
0x93: {  	_ =	swait.ge [sflag:s16], $0x80  }
0x94: {  	[sflag:s16] =	ssyncset.done $0x0  }
0x95: {  	s25 =	simm.s32 @p1 $0x1;
	[sflag:s16] =	ssyncadd.s32 $0xFFFFFF80  }
0x96: {  	[tilespmem:s11], [sflag:$0x2] =	stream.indirect.gather [hbm4b:s1+s9], $0x80, s5, s9, $0xb8;
	[tilespmem:$0x1C000] =	vst v63  }
0x97: {  	_ =	swait.ge @p1 [sflag:s25], $0x4000  }
0x98: {  	s13 =	simm.s32 @p1 $0x0;
	[sflag:s25] =	ssyncset.done @p1 $0x0  }
0x99: {  	s28 =	simm.s32 @p1 $0x8280;
	[sflag:s25] =	ssyncadd.s32 @p1 $0xFFFFC000;
	s25 =	simm.s32 @p1 $0x80  }
0x9a: {  	[spmem:s3] =	stream.indirect.scatter.add.f32 @p1 [tilespmem:s13], [sflag:$0x7], $0x80, s28, s25, $0xb8;
	[tilespmem:$0x1C000] =	vst v63  }
0x9b: {  	s13 =	simm.s32 @p1 $0x7  }
0x9c: {  	_ =	swait.ge @p1 [sflag:s13], $0x4000  }
0x9d: {  	s25 =	sadd.s32 @!p1 s24, s18;
	[sflag:s13] =	ssyncset.done @p1 $0x0  }
0x9e: {  	[sflag:s13] =	ssyncadd.s32 @p1 $0xFFFFC000;
	s13 =	sadd.s32 @!p1 $0x50, s25;
	s25 =	simm.s32 @!p1 $0x8100  }
0x9f: {  	[tilespmem:s25], [sflag:$0x4] =	stream.linear.gather @!p1 [hbm4b:s13+s29], $0x80, $0x38;
	[tilespmem:$0x1C000] =	vst v63  }
0xa0: {  	s13 =	sadd.s32 @!p1 s24, s19  }
0xa1: {  	s25 =	simm.s32 @!p1 $0x8180;
	s13 =	sadd.s32 @!p1 $0x50, s13  }
0xa2: {  	[tilespmem:s25], [sflag:$0x4] =	stream.linear.gather @!p1 [hbm4b:s13+s29], $0x80, $0x38;
	[tilespmem:$0x1C000] =	vst v63  }
0xa3: {  	s13 =	simm.s32 @!p1 $0x1  }
0xa4: {  	_ =	swait.ge @!p1 [sflag:s13], $0x4000  }
0xa5: {  	s28 =	simm.s32 @!p1 $0x7;
	[sflag:s13] =	ssyncset.done @!p1 $0x0  }
0xa6: {  	s25 =	simm.s32 @!p1 $0x8280;
	[sflag:s13] =	ssyncadd.s32 @!p1 $0xFFFFC000;
	s13 =	simm.s32 @!p1 $0x80  }
0xa7: {  	[spmem:s3] =	stream.indirect.scatter.add.f32 @!p1 [tilespmem:s29], [sflag:$0x7], $0x80, s25, s13, $0xb8;
	[tilespmem:$0x1C000] =	vst v63  }
0xa8: {  	_ =	swait.ge @!p1 [sflag:s28], $0x4000  }
0xa9: {  	[sflag:s28] =	ssyncset.done @!p1 $0x0  }
0xaa: {  	[sflag:s28] =	ssyncadd.s32 @!p1 $0xFFFFC000;
	s28 =	simm.s32 @!p1 $0x3  }
0xab: {  	_ =	swait.ge @!p1 [sflag:s28], $0x80  }
0xac: {  	[sflag:s28] =	ssyncset.done @!p1 $0x0  }
0xad: {  	[sflag:s28] =	ssyncadd.s32 @!p1 $0xFFFFFF80  }
0xae: {  	_ =	swait.ge @!p1 [sflag:s28], $0x80  }
0xaf: {  	[sflag:s28] =	ssyncset.done @!p1 $0x0  }
0xb0: {  	[sflag:s28] =	ssyncadd.s32 @!p1 $0xFFFFFF80  }
0xb1: {  	[tilespmem:s29], [sflag:$0x1] =	stream.indirect.gather @!p1 [hbm4b:s1+s13], $0x80, s26, s13, $0xb8;
	[tilespmem:$0x1C000] =	vst v63  }
0xb2: {  	s13 =	sadd.s32 @!p1 s24, s20;
	s26 =	simm.s32 @!p1 $0x8200  }
0xb3: {  	[tilespmem:s26], [sflag:$0x5] =	stream.linear.gather @!p1 [hbm4b:s13+s29], $0x80, $0x38;
	[tilespmem:$0x1C000] =	vst v63  }
0xb4: {  	s13 =	sadd.s32 @!p1 s24, s21  }
0xb5: {  	[tilespmem:s25], [sflag:$0x5] =	stream.linear.gather @!p1 [hbm4b:s13+s29], $0x80, $0x38;
	[tilespmem:$0x1C000] =	vst v63  }
0xb6: {  	_ =	swait.ge [sflag:s15], $0x4000  }
0xb7: {  	[sflag:s15] =	ssyncset.done $0x0  }
.Ltmp3:
0xb8: {  	[sflag:s15] =	ssyncadd.s32 $0xFFFFC000;
	(pc) =	sbr.rel @p1 .LBB2_6-.Ltmp3, $4  }
0xb9: {  	[spmem:s3] =	stream.indirect.scatter.add.f32 [tilespmem:s11], [sflag:$0x7], $0x80, s6, s9, $0xb8;
	[tilespmem:$0x1C000] =	vst v63  }
0xba: {  	_ =	swait.ge [sflag:s7], $0x4000  }
0xbb: {  	[sflag:s7] =	ssyncset.done $0x0  }
0xbc: {  	[sflag:s7] =	ssyncadd.s32 $0xFFFFC000  }
0xbd: {  	_ =	swait.ge [sflag:s10], $0x80  }
0xbe: {  	[sflag:s10] =	ssyncset.done $0x0  }
0xbf: {  	[sflag:s10] =	ssyncadd.s32 $0xFFFFFF80  }
0xc0: {  	_ =	swait.ge [sflag:s10], $0x80  }
0xc1: {  	[sflag:s10] =	ssyncset.done $0x0  }
0xc2: {  	[sflag:s10] =	ssyncadd.s32 $0xFFFFFF80  }
0xc3: {  	[tilespmem:s11], [sflag:$0x2] =	stream.indirect.gather [hbm4b:s1+s9], $0x80, s31, s9, $0xb8;
	[tilespmem:$0x1C000] =	vst v63  }
.Ltmp4:
0xc4: {  	s13 =	sadd.s32 s24, s18;
	(pc) =	sbr.rel .LBB2_4-.Ltmp4, $4  }
0xc5: {  	s29 =	sadd.s32 s24, s19;
	s13 =	sadd.s32 $0x70, s13  }
0xc6: {  	[tilespmem:s5], [sflag:$0x6] =	stream.linear.gather [hbm4b:s13+s4], $0x80, $0x38;
	[tilespmem:$0x1C000] =	vst v63  }
0xc7: {  	s24 =	sadd.s32 $0x40, s24;
	s13 =	sadd.s32 $0x70, s29  }
0xc8: {  	[tilespmem:s6], [sflag:$0x6] =	stream.linear.gather [hbm4b:s13+s4], $0x80, $0x38;
	[tilespmem:$0x1C000] =	vst v63  }
.LBB2_7:
0xc9: {  	_ =	sfence.sel $0x180000  }
0xca: {  	[bflag:$0x0] =	sbarrier.arrive $0xFFFF  }
0xcb: {  	_ =	strace $0x9000004A  }
0xcc: {  	s0 =	stileid.u32;
	[bflag:$0x2] =	sbarrier.arrive $0xFFFF  }
0xcd: {  	p0 =	sne.s32 s0, $0x0;
	s0 =	rddreg [dreg:$0x3]  }
0xce: {  	s0 =	sadd.s32 @!p0 $0x100000, s0  }
0xcf: {  	[sflag:s0] =	ssyncadd.tile.s32 @!p0 $0x1;
	_ =	shalt  }
.Lfunc_end2:
_tile_overlayer_lowered:
.L_overlay_start_2:
0xd0: {  	(tag) =	ssettag $0x2  }
0xd1: {  	s0 =	rddreg [dreg:$0x0];
	s2 =	stileid.u32  }
0xd2: {  	s1 =	rddreg [dreg:$0x1];
	p0 =	sne.s32 s2, $0x0  }
0xd3: {  	s3 =	rddreg [dreg:$0x2];
	[bflag:$0x3] =	sbarrier.arrive $0xFFFF;
	s2 =	simm.s32 @!p0 $0x1C07  }
0xd4: {  	[timem:s3], [sflag:s2] =	dma.local @!p0 [hbm:s0], s1  }
0xd5: {  	s0 =	simm.s32 @!p0 $0x7  }
0xd6: {  	_ =	swait.ge @!p0 [sflag:s0], s1  }
0xd7: {  	s1 =	ssub.s32 @!p0 $0x0, s1;
	[sflag:s0] =	ssyncset.done @!p0 $0x0  }
0xd8: {  	[sflag:s0] =	ssyncadd.s32 @!p0 s1  }
0xd9: {  	[bflag:$0x3] =	sbarrier.arrive $0xFFFF  }
0xda: {  	_ =	shalt  }

// kernel: kernel.14.cloned.1.call-start
scs
__scs_entry_jumppad:
0x0: {  	(pc) =	sbr.rel $0x88, $3  }
0x1: {  	(tag) =	ssettag $0x0;
	lr =	simm.s32 $0x1  }
0x2: {  	[smem:$0x3F96] =	sst lr;
	_ =	strace $0xD0000000  }
0x3: {  	_ = 	snop  }
0x4: {  	_ = 	snop  }
0x5: {  	_ = 	snop  }
0x6: {  	_ = 	snop  }
0x7: {  	_ = 	snop  }
__scs_overlays_trampoline_lowered:
0x8: {  	[smem:$0x3FA5] =	sst s0  }
0x9: {  	[smem:$0x3FA6] =	sst s1  }
0xa: {  	[smem:$0x3FA7] =	sst s2  }
0xb: {  	[smem:$0x3FA8] =	sst s3  }
0xc: {  	[smem:$0x3FA9] =	sst s4  }
0xd: {  	[smem:$0x3FAA] =	sst s5  }
0xe: {  	[smem:$0x3FAB] =	sst s6  }
0xf: {  	[smem:$0x3FAC] =	sst s7  }
0x10: {  	[smem:$0x3FAD] =	sst s8  }
0x11: {  	[smem:$0x3FAE] =	sst s9;
	s0 =	simm.s32 @!p0 $0x0  }
0x12: {  	s1 =	sld [smem:$0x3F94];
	s0 =	simm.s32 @p0 $0x1  }
0x13: {  	[smem:$0x3FAF] =	sst s0;
	s0 =	simm.s32 @!p1 $0x0  }
0x14: {  	s2 =	sld [smem:$0x3F93];
	s0 =	simm.s32 @p1 $0x1  }
0x15: {  	[smem:$0x3FB0] =	sst s0;
	s0 =	simm.s32 @!p2 $0x0  }
0x16: {  	s3 =	sld [smem:$0x3FDB];
	s0 =	simm.s32 @p2 $0x1  }
0x17: {  	s4 =	simm.s32 $0x1BF5;
	[smem:$0x3FB2] =	sst s0  }
0x18: {  	s0 =	sld [smem:$0x3F95];
	_ =	swait.ge [sflag:s4], $0x0  }
0x19: {  	s7 =	sld [smem:$0x3F96]  }
0x1a: {  	s8 =	sadd.s32 $0xFFFFE003, lr  }
0x1b: {  	s9 =	sadd.s32 $0xFFFFFEF7, lr;
	s5 =	simm.s32 $0xFFFFFFFF;
	p2 =	slt.u32 s8, $0xFFFFF086  }
0x1c: {  	p1 =	slt.u32 s9, $0xF7A;
	s5 =	simm.s32 @!p2 $0x0  }
0x1d: {  	s5 =	simm.s32 @p1 $0x1;
	p0 =	seq.s32 s7, s2  }
0x1e: {  	s7 =	smul.u32 @!p0 $0xF7A, s2;
	p2 =	seq.s32 @!p0 s5, $0x0  }
0x1f: {  	s9 =	smul.u32 $0xF7A, s1;
	s8 =	simm.s32 @!p0 $0x1BF5;
	p2 =	por !p2, p0  }
0x20: {  	[sflag:s8] =	ssyncset.s32 @!p0 $0xFFFFF086;
	s6 =	sadd.s32 @!p0 s3, s7;
	s7 =	simm.s32 @!p0 $0x108  }
0x21: {  	s3 =	sadd.s32 s3, s9;
	s6 =	sadd.s32 @!p0 $0x88, s6;
	s7 =	simm.s32 @p2 $0x1082  }
0x22: {  	[simem:s7], [sflag:s8] =	dma.local @!p0 [hbm:s6], $0xF7A  }
0x23: {  	s9 =	sor.u32 $0xD0000000, s2;
	s6 =	simm.s32 $0x108;
	_ =	swait.ge @!p0 [sflag:s8], $0x0  }
0x24: {  	s3 =	sadd.s32 $0x88, s3;
	s6 =	simm.s32 @!p1 $0x1082;
	[sflag:s4] =	ssyncset.s32 $0xFFFFF086  }
0x25: {  	[simem:s6], [sflag:s4] =	dma.local [hbm:s3], $0xF7A  }
0x26: {  	[smem:$0x3F96] =	sst s1;
	(tag) =	ssettag s2;
	_ =	strace s9  }
0x27: {  	s1 =	sld [smem:$0x3FA6]  }
0x28: {  	s2 =	sld [smem:$0x3FA7]  }
0x29: {  	s4 =	sld [smem:$0x3FA9]  }
0x2a: {  	p0 =	seq.s32 s5, $0x0;
	s5 =	sld [smem:$0x3FAA]  }
0x2b: {  	s6 =	sld [smem:$0x3FAB]  }
0x2c: {  	s7 =	sld [smem:$0x3FAC]  }
0x2d: {  	s3 =	simm.s32 $0x108;
	s8 =	sld [smem:$0x3FAD]  }
0x2e: {  	s3 =	simm.s32 @!p0 $0x1082;
	s9 =	sld [smem:$0x3FAE]  }
0x2f: {  	lr =	sadd.s32 s0, s3;
	s0 =	sld [smem:$0x3FA5]  }
0x30: {  	s3 =	sld [smem:$0x3FA8]  }
0x31: {  	[smem:$0x3FB1] =	sst s10  }
0x32: {  	s10 =	sld [smem:$0x3FAF];
	_ =	sdelay $0x3  }
0x33: {  	p0 =	seq.s32 s10, $0x1;
	s10 =	sld [smem:$0x3FB1];
	_ =	sdelay $0x3  }
0x34: {  	[smem:$0x3FB1] =	sst s10  }
0x35: {  	s10 =	sld [smem:$0x3FB0];
	_ =	sdelay $0x3  }
0x36: {  	p1 =	seq.s32 s10, $0x1;
	s10 =	sld [smem:$0x3FB1];
	_ =	sdelay $0x3  }
0x37: {  	[smem:$0x3FB1] =	sst s10  }
0x38: {  	s10 =	sld [smem:$0x3FB2]  }
0x39: {  	_ = 	snop;
	(pc) =	sbr.ind lr, $3  }
0x3a: {  	_ = 	snop  }
0x3b: {  	_ = 	snop  }
0x3c: {  	p2 =	seq.s32 s10, $0x1;
	s10 =	sld [smem:$0x3FB1]  }
0x3d: {  	_ =	shalt  }
0x3e: {  	_ =	shalt  }
0x3f: {  	_ =	shalt  }
0x40: {  	_ =	shalt  }
0x41: {  	_ =	shalt  }
0x42: {  	_ =	shalt  }
0x43: {  	_ =	shalt  }
0x44: {  	_ =	shalt  }
0x45: {  	_ =	shalt  }
0x46: {  	_ =	shalt  }
0x47: {  	_ =	shalt  }
0x48: {  	_ =	shalt  }
0x49: {  	_ =	shalt  }
0x4a: {  	_ =	shalt  }
0x4b: {  	_ =	shalt  }
0x4c: {  	_ =	shalt  }
0x4d: {  	_ =	shalt  }
0x4e: {  	_ =	shalt  }
0x4f: {  	_ =	shalt  }
0x50: {  	_ =	shalt  }
0x51: {  	_ =	shalt  }
0x52: {  	_ =	shalt  }
0x53: {  	_ =	shalt  }
0x54: {  	_ =	shalt  }
0x55: {  	_ =	shalt  }
0x56: {  	_ =	shalt  }
0x57: {  	_ =	shalt  }
0x58: {  	_ =	shalt  }
0x59: {  	_ =	shalt  }
0x5a: {  	_ =	shalt  }
0x5b: {  	_ =	shalt  }
0x5c: {  	_ =	shalt  }
0x5d: {  	_ =	shalt  }
0x5e: {  	_ =	shalt  }
0x5f: {  	_ =	shalt  }
0x60: {  	_ =	shalt  }
0x61: {  	_ =	shalt  }
0x62: {  	_ =	shalt  }
0x63: {  	_ =	shalt  }
0x64: {  	_ =	shalt  }
0x65: {  	_ =	shalt  }
0x66: {  	_ =	shalt  }
0x67: {  	_ =	shalt  }
0x68: {  	_ =	shalt  }
0x69: {  	_ =	shalt  }
0x6a: {  	_ =	shalt  }
0x6b: {  	_ =	shalt  }
0x6c: {  	_ =	shalt  }
0x6d: {  	_ =	shalt  }
0x6e: {  	_ =	shalt  }
0x6f: {  	_ =	shalt  }
0x70: {  	_ =	shalt  }
0x71: {  	_ =	shalt  }
0x72: {  	_ =	shalt  }
0x73: {  	_ =	shalt  }
0x74: {  	_ =	shalt  }
0x75: {  	_ =	shalt  }
0x76: {  	_ =	shalt  }
0x77: {  	_ =	shalt  }
0x78: {  	_ =	shalt  }
0x79: {  	_ =	shalt  }
0x7a: {  	_ =	shalt  }
0x7b: {  	_ =	shalt  }
0x7c: {  	_ =	shalt  }
0x7d: {  	_ =	shalt  }
0x7e: {  	_ =	shalt  }
0x7f: {  	_ =	shalt  }
0x80: {  	_ =	shalt  }
0x81: {  	_ =	shalt  }
0x82: {  	_ =	shalt  }
0x83: {  	_ =	shalt  }
0x84: {  	_ =	shalt  }
0x85: {  	_ =	shalt  }
0x86: {  	_ =	shalt  }
0x87: {  	_ =	shalt  }
.Lfunc_end0:
.L_simem_size_0:
called_computation.2_lowered:
.L_overlay_start_0:
0x88: {  	s2 =	sld [smem:$0x3FD9]  }
0x89: {  	s3 =	sld [smem:$0x3FFE];
	_ =	sdelay $0x1  }
0x8a: {  	s1 =	srdreg.scid  }
0x8b: {  	s0 =	sand.u32 $0x1, s1  }
0x8c: {  	s17 =	sshll.u32 s0, $0xA;
	s2 =	sadd.s32 s3, s2  }
0x8d: {  	s2 =	sadd.s32 s2, s17  }
0x8e: {  	[smem:$0x3FBD] =	sst s2  }
0x8f: {  	_ = 	snop  }
0x90: {  	s2 =	sld [smem:$0x3FD0];
	(tm) =	ssettm $0x1  }
0x91: {  	s18 =	sld [smem:$0x3FFB];
	_ =	sdelay $0x3  }
0x92: {  	_ =	strace s18  }
0x93: {  	s3 =	sld [smem:$0x3FFC];
	_ =	sdelay $0x3  }
0x94: {  	_ =	strace s3  }
0x95: {  	s3 =	sld [smem:$0x3FFD];
	_ =	sdelay $0x3  }
0x96: {  	_ =	strace s3  }
0x97: {  	_ =	strace $0x8FFFFFFF  }
0x98: {  	s19 =	sld [smem:$0x3FDB];
	_ =	sdelay $0x1  }
0x99: {  	s4 =	simm.s32 $_scs_section_size  }
0x9a: {  	s5 =	simm.s32 $_size__tile_overlayer_lowered;
	s6 =	simm.s32 $_tile_overlayer_lowered  }
0x9b: {  	s22 =	simm.s32 $0x1BFF;
	s21 =	sshll.u32 s6, $0x1;
	s3 =	sadd.s32 s4, s19  }
0x9c: {  	s7 =	simm.s32 $0x0;
	s20 =	sshll.u32 s5, $0x1;
	s5 =	sadd.s32 s21, s3  }
0x9d: {  	[timem:s7], [sflag:s22] =	dma.local [hbm:s5], s20  }
0x9e: {  	_ =	swait.ge [sflag:s22], s20  }
0x9f: {  	s4 =	ssub.s32 $0x0, s20;
	[sflag:s22] =	ssyncset.done $0x0  }
0xa0: {  	[sflag:s22] =	ssyncadd.s32 s4;
	_ =	sdelay $0x1  }
0xa1: {  	s23 =	simm.s32 $0x1B8B  }
0xa2: {  	_ =	swait.ge [sflag:s23], $0x1  }
0xa3: {  	[sflag:s23] =	ssyncset.done $0x0  }
0xa4: {  	s25 =	simm.s32 $0x1B8E;
	s24 =	sld [smem:$0x3FFE];
	[sflag:s23] =	ssyncadd.s32 $0xFFFFFFFF  }
0xa5: {  	s26 =	simm.s32 $execute0_lowered;
	[smem:$0x3FD2] =	sst s25  }
0xa6: {  	s5 =	sshll.u32 s26, $0x1;
	_ =	strace $0x8000004C;
	[dreg:$0x1] =	wrdreg $0xFFFFFFFF  }
0xa7: {  	s28 =	simm.s32 $_size_execute0_lowered;
	s3 =	sadd.s32 s3, s5;
	[dreg:$0x0] =	wrdreg $0x0  }
0xa8: {  	s5 =	sshll.u32 s28, $0x1;
	[dreg:$0x2] =	wrdreg s3  }
0xa9: {  	[dreg:$0x3] =	wrdreg s5  }
0xaa: {  	[dreg:$0x4] =	wrdreg $0xC0  }
0xab: {  	_ =	task [dreg:s7], $0x5FFFF  }
0xac: {  	[dreg:$0x1] =	wrdreg $0xFFFFFFFF  }
0xad: {  	[dreg:$0x0] =	wrdreg $0x60  }
0xae: {  	[dreg:$0x2] =	wrdreg s2  }
0xaf: {  	[dreg:$0x3] =	wrdreg s24  }
0xb0: {  	[dreg:$0x4] =	wrdreg $0x84000  }
0xb1: {  	[dreg:$0x5] =	wrdreg $0x9  }
0xb2: {  	_ =	task.clear_ibuf [dreg:s7], $0x6FFFF;
	_ =	strace $0x9000004C  }
0xb3: {  	s29 =	simm.s32 $0x9;
	_ =	strace $0x8000004E  }
0xb4: {  	_ =	swait.ge [sflag:s29], $0x1  }
0xb5: {  	[sflag:s29] =	ssyncadd.s32 $0xFFFFFFFF  }
0xb6: {  	_ =	strace $0x9000004E  }
0xb7: {  	_ =	sfence  }
0xb8: {  	s30 =	sld [smem:$0x0];
	_ =	sdelay $0x2  }
0xb9: {  	s31 =	sshll.u32 s1, $0xD;
	s1 =	sshrl.u32 s1, $0x2  }
0xba: {  	s3 =	sand.u32 $0x4000, s31;
	s1 =	sadd.s32 s1, s30  }
0xbb: {  	s0 =	sor.u32 s3, s0;
	s1 =	sshll.u32 s1, $0x11  }
0xbc: {  	s0 =	sor.u32 s1, s0  }
0xbd: {  	s0 =	sadd.s32 $0x8F2B, s0  }
0xbe: {  	[sflag:s0] =	ssyncadd.remote.s32 $0x1  }
0xbf: {  	_ =	sfence.sel $0xFFFF  }
0xc0: {  	[dreg:$0x0] =	wrdreg $0xFFFFFFFF;
	(pc) =	sbr.abs _section_cstart, $3  }
0xc1: {  	[dreg:$0x1] =	wrdreg $0xFFFFFFFF  }
0xc2: {  	_ =	task.clear_ibuf [dreg:s7], $0x2FFFF;
	_ =	strace $0x9FFFFFFF  }
0xc3: {  	(tm) =	ssettm $0x7FFFFFFF  }
tec
execute0_lowered:
.L_overlay_start_1:
0x0: {  	(tag) =	ssettag $0x1  }
0x1: {  	s1 =	rddreg [dreg:$0x0]  }
0x2: {  	s0 =	rddreg [dreg:$0x1]  }
0x3: {  	s3 =	rddreg [dreg:$0x2];
	s4 =	simm.s32 $0x0;
	s2 =	srdreg.scid  }
0x4: {  	s13 =	stileid.u32;
	s30 =	simm.s32 $0x8080;
	s31 =	simm.s32 $0x8100  }
0x5: {  	[smem:$0x7FF] =	sst s4;
	s2 =	sand.u32 $0x1, s2;
	s11 =	smul.u32 $0x4F000, s13  }
0x6: {  	s7 =	sadd.s32 $0x2C00, s0;
	s9 =	sadd.s32 $0xCC00, s0;
	s19 =	smul.u32 $0x13C00, s13  }
0x7: {  	s0 =	sadd.s32 $0x16C00, s0;
	s20 =	smul.u32 $0xA0, s13;
	p0 =	seq.s32 s13, $0xF  }
0x8: {  	s5 =	sshll.u32 s13, $0x1;
	_ =	strace $0x8000004D;
	s18 =	smul.u32 $0x138800, s2  }
0x9: {  	s6 =	ssub.s32 $0x2, s2;
	s5 =	sor.u32 s2, s5;
	s2 =	smul.u32 $0x50, s2  }
0xa: {  	s8 =	sshrl.u32 s6, $0x1;
	s5 =	smul.u32 $0x500, s5;
	s11 =	sshrl.u32 s11, $0x2  }
0xb: {  	s6 =	ssub.s32 s6, s8;
	s25 =	sadd.s32 s11, s3;
	s23 =	sadd.s32 s19, s18  }
0xc: {  	s2 =	sadd.s32 s2, s20;
	s12 =	sadd.s32 s7, s5;
	[dreg:$0xc] =	wrdreg s25  }
0xd: {  	s11 =	simm.s32 $0x4000;
	s14 =	sadd.s32 s9, s5;
	[dreg:$0x4] =	wrdreg s12  }
0xe: {  	s15 =	sor.u32 $0x10, s5;
	s21 =	sadd.s32 $0x4000, s25;
	[dreg:$0x5] =	wrdreg s14  }
0xf: {  	s16 =	sor.u32 $0x20, s5;
	s22 =	sadd.s32 $0x8000, s25;
	[dreg:$0xd] =	wrdreg s21  }
0x10: {  	s5 =	sor.u32 $0x30, s5;
	s26 =	smax.u32 s6, $0x1;
	[dreg:$0xe] =	wrdreg s22  }
0x11: {  	s2 =	sshll.u32 s2, $0x4;
	s28 =	sadd.s32 $0xC000, s25;
	[dreg:$0x11] =	wrdreg s26  }
0x12: {  	s29 =	sadd.s32 $0x10000, s25;
	s6 =	simm.s32 $0x8380;
	[dreg:$0x13] =	wrdreg s28  }
0x13: {  	s10 =	sadd.s32 s7, s15;
	s8 =	sadd.s32 s9, s15;
	[dreg:$0x14] =	wrdreg s29  }
0x14: {  	s17 =	sadd.s32 s7, s16;
	s12 =	sadd.s32 s7, s5;
	[dreg:$0x6] =	wrdreg s10  }
0x15: {  	s5 =	sadd.s32 s9, s5;
	s24 =	sor.u32 $0x60, s2;
	[dreg:$0x7] =	wrdreg s8  }
0x16: {  	s19 =	sadd.s32 s2, s9;
	s26 =	simm.s32 $0x8000;
	[dreg:$0x8] =	wrdreg s17  }
0x17: {  	s14 =	simm.s32 $0x5;
	s15 =	simm.s32 $0x2;
	[dreg:$0xa] =	wrdreg s12  }
0x18: {  	s10 =	sadd.s32 s9, s16;
	[dreg:$0xb] =	wrdreg s5;
	s5 =	sshrl.u32 s23, $0x3  }
0x19: {  	s8 =	sshrl.u32 s18, $0x3;
	s18 =	sadd.s32 s2, s7;
	s20 =	sadd.s32 s24, s7  }
0x1a: {  	s2 =	sor.u32 $0x40, s2;
	s21 =	sadd.s32 s24, s9;
	s12 =	simm.s32 $0x1  }
0x1b: {  	s16 =	simm.s32 $0x6;
	s17 =	simm.s32 $0x0;
	[dreg:$0x9] =	wrdreg s10  }
0x1c: {  	s5 =	sadd.s32 s0, s5;
	s0 =	sadd.s32 s0, s8;
	s22 =	sadd.s32 s2, s7  }
.Ltmp0:
0x1d: {  	s23 =	sadd.s32 s2, s9;
	s2 =	simm.s32 $0x8200;
	(pc) =	sbr.rel .LBB2_1-.Ltmp0, $4  }
0x1e: {  	s7 =	simm.s32 $0x7;
	s8 =	simm.s32 $0x3;
	s0 =	sadd.s32 $0x25080, s0  }
0x1f: {  	s9 =	simm.s32 $0x80;
	[dreg:$0x10] =	wrdreg s0;
	s0 =	sadd.s32 $0x128400, s3  }
0x20: {  	s10 =	simm.s32 $0x4;
	[dreg:$0xf] =	wrdreg s5;
	s0 =	sshrl.u32 @p0 s0, $0x3  }
0x21: {  	v0 =	vimm.f32 $0.0e+00;
	s5 =	simm.s32 $0x8300;
	[dreg:$0x12] =	wrdreg s0;
	s0 =	simm.s32 $0x8180  }
.LBB2_6:
0x22: {  	[bflag:$0x0] =	sbarrier.arrive $0xFFFF  }
0x23: {  	s24 =	rddreg [dreg:$0x10]  }
0x24: {  	s13 =	simm.s32 @p0 $0x1FC7;
	s25 =	rddreg [dreg:$0x12]  }
0x25: {  	[hbm:s24], [sflag:s13] =	dma.local @p0 [spmem:s25], $0x2080  }
0x26: {  	s13 =	simm.s32 @p0 $0x7  }
0x27: {  	_ =	swait.ge @p0 [sflag:s13], $0x2080  }
0x28: {  	s24 =	stileid.u32;
	s25 =	rddreg [dreg:$0xc]  }
0x29: {  	s24 =	sshll.u32 @!p0 s24, $0x6;
	[sflag:s13] =	ssyncset.done @p0 $0x0;
	s26 =	rddreg [dreg:$0xf]  }
0x2a: {  	[sflag:s13] =	ssyncadd.s32 @p0 $0xFFFFDF80;
	s13 =	sor.u32 @!p0 $0x1C07, s24;
	s24 =	sshrl.u32 @!p0 s25, $0x3  }
0x2b: {  	[hbm:s26], [sflag:s13] =	dma.local @!p0 [spmem:s24], $0x2780  }
0x2c: {  	s13 =	simm.s32 @!p0 $0x7  }
0x2d: {  	_ =	swait.ge @!p0 [sflag:s13], $0x2780  }
0x2e: {  	s17 =	sadd.s32 $0x1, s17;
	s29 =	rddreg [dreg:$0x11]  }
0x2f: {  	p1 =	sne.s32 s17, s29  }
.Ltmp1:
0x30: {  	_ = 	snop;
	(pc) =	sbr.rel @!p1 .LBB2_7-.Ltmp1, $3  }
0x31: {  	_ =	sdelay $0x1  }
0x32: {  	[sflag:s13] =	ssyncset.done @!p0 $0x0  }
0x33: {  	s26 =	simm.s32 $0x8000;
	[sflag:s13] =	ssyncadd.s32 @!p0 $0xFFFFD880  }
.LBB2_1:
0x34: {  	s13 =	rddreg [dreg:$0x4]  }
0x35: {  	[tilespmem:s26], [sflag:$0x3] =	stream.linear.gather [hbm4b:s13+s4], $0x80, $0x38;
	[tilespmem:$0x1C000] =	vst v63  }
0x36: {  	s28 =	rddreg [dreg:$0x5]  }
0x37: {  	[tilespmem:s30], [sflag:$0x3] =	stream.linear.gather [hbm4b:s28+s4], $0x80, $0x38;
	[tilespmem:$0x1C000] =	vst v63  }
0x38: {  	s24 =	rddreg [dreg:$0x6]  }
0x39: {  	[tilespmem:s31], [sflag:$0x4] =	stream.linear.gather [hbm4b:s24+s4], $0x80, $0x38;
	[tilespmem:$0x1C000] =	vst v63  }
0x3a: {  	s28 =	rddreg [dreg:$0x7]  }
0x3b: {  	[tilespmem:s0], [sflag:$0x4] =	stream.linear.gather [hbm4b:s28+s4], $0x80, $0x38;
	[tilespmem:$0x1C000] =	vst v63  }
0x3c: {  	s24 =	rddreg [dreg:$0x8]  }
0x3d: {  	[tilespmem:s2], [sflag:$0x5] =	stream.linear.gather [hbm4b:s24+s4], $0x80, $0x38;
	[tilespmem:$0x1C000] =	vst v63  }
0x3e: {  	s28 =	rddreg [dreg:$0x9];
	s24 =	simm.s32 $0x8280  }
0x3f: {  	[tilespmem:s24], [sflag:$0x5] =	stream.linear.gather [hbm4b:s28+s4], $0x80, $0x38;
	[tilespmem:$0x1C000] =	vst v63  }
0x40: {  	s24 =	rddreg [dreg:$0xa]  }
0x41: {  	[tilespmem:s5], [sflag:$0x6] =	stream.linear.gather [hbm4b:s24+s4], $0x80, $0x38;
	[tilespmem:$0x1C000] =	vst v63  }
0x42: {  	s29 =	simm.s32 $0x200;
	s28 =	rddreg [dreg:$0xb];
	s24 =	simm.s32 $0x0  }
0x43: {  	[tilespmem:s6], [sflag:$0x6] =	stream.linear.gather [hbm4b:s28+s4], $0x80, $0x38;
	[tilespmem:$0x1C000] =	vst v63  }
.LBB2_2:
0x44: {  	p1 =	sne.s32 s29, $0xFE00;
	[tilespmem:s24+$0x70] =	vst v0  }
0x45: {  	[tilespmem:s24+$0x0] =	vst v0  }
0x46: {  	[tilespmem:s24+$0x10] =	vst v0  }
.Ltmp2:
0x47: {  	[tilespmem:s24+$0x20] =	vst v0;
	(pc) =	sbr.rel @p1 .LBB2_2-.Ltmp2, $4  }
0x48: {  	[tilespmem:s24+$0x30] =	vst v0  }
0x49: {  	[tilespmem:s24+$0x40] =	vst v0  }
0x4a: {  	[tilespmem:s24+$0x50] =	vst v0  }
0x4b: {  	[tilespmem:s24+$0x60] =	vst v0;
	s24 =	sshra.s32 s29, $0x2;
	s29 =	sadd.s32 $0x200, s29  }
0x4c: {  	[tilespmem:s24+$0x70] =	vst v0  }
0x4d: {  	[tilespmem:s24+$0x0] =	vst v0  }
0x4e: {  	[tilespmem:s24+$0x10] =	vst v0  }
0x4f: {  	[tilespmem:s24+$0x20] =	vst v0  }
0x50: {  	[tilespmem:s24+$0x30] =	vst v0  }
0x51: {  	[tilespmem:s24+$0x40] =	vst v0  }
0x52: {  	[tilespmem:s24+$0x50] =	vst v0  }
0x53: {  	[tilespmem:s24+$0x60] =	vst v0;
	s24 =	simm.s32 $0x0  }
0x54: {  	[spmem:s25] =	stream.linear.scatter [tilespmem:s24], [sflag:$0x7], $0x4000, $0x38;
	[tilespmem:$0x1C000] =	vst v63  }
0x55: {  	_ =	swait.ge [sflag:s7], $0x4000  }
0x56: {  	[sflag:s7] =	ssyncset.done $0x0  }
0x57: {  	s13 =	rddreg [dreg:$0xd];
	[sflag:s7] =	ssyncadd.s32 $0xFFFFC000  }
0x58: {  	[spmem:s13] =	stream.linear.scatter [tilespmem:s24], [sflag:$0x7], $0x4000, $0x38;
	[tilespmem:$0x1C000] =	vst v63  }
0x59: {  	_ =	swait.ge [sflag:s7], $0x4000  }
0x5a: {  	[sflag:s7] =	ssyncset.done $0x0  }
0x5b: {  	s25 =	rddreg [dreg:$0xe];
	[sflag:s7] =	ssyncadd.s32 $0xFFFFC000  }
0x5c: {  	[spmem:s25] =	stream.linear.scatter [tilespmem:s24], [sflag:$0x7], $0x4000, $0x38;
	[tilespmem:$0x1C000] =	vst v63  }
0x5d: {  	_ =	swait.ge [sflag:s7], $0x4000  }
0x5e: {  	[sflag:s7] =	ssyncset.done $0x0  }
0x5f: {  	s28 =	rddreg [dreg:$0x13];
	[sflag:s7] =	ssyncadd.s32 $0xFFFFC000  }
0x60: {  	[spmem:s28] =	stream.linear.scatter [tilespmem:s24], [sflag:$0x7], $0x4000, $0x38;
	[tilespmem:$0x1C000] =	vst v63  }
0x61: {  	_ =	swait.ge [sflag:s7], $0x4000  }
0x62: {  	[sflag:s7] =	ssyncset.done $0x0  }
0x63: {  	s29 =	rddreg [dreg:$0x14];
	[sflag:s7] =	ssyncadd.s32 $0xFFFFC000  }
0x64: {  	[spmem:s29] =	stream.linear.scatter [tilespmem:s24], [sflag:$0x7], $0x3C00, $0x38;
	[tilespmem:$0x1C000] =	vst v63  }
0x65: {  	_ =	swait.ge [sflag:s7], $0x3C00  }
0x66: {  	[sflag:s7] =	ssyncset.done $0x0  }
0x67: {  	[sflag:s7] =	ssyncadd.s32 $0xFFFFC400  }
0x68: {  	_ =	swait.ge [sflag:s8], $0x80  }
0x69: {  	[sflag:s8] =	ssyncset.done $0x0  }
0x6a: {  	[sflag:s8] =	ssyncadd.s32 $0xFFFFFF80  }
0x6b: {  	_ =	swait.ge [sflag:s8], $0x80  }
0x6c: {  	[sflag:s8] =	ssyncset.done $0x0  }
0x6d: {  	[sflag:s8] =	ssyncadd.s32 $0xFFFFFF80  }
0x6e: {  	[tilespmem:s24], [sflag:$0x1] =	stream.indirect.gather [hbm4b:s1+s9], $0x80, s26, s9, $0xb8;
	[tilespmem:$0x1C000] =	vst v63  }
0x6f: {  	_ =	swait.ge [sflag:s10], $0x80  }
0x70: {  	[sflag:s10] =	ssyncset.done $0x0  }
0x71: {  	[sflag:s10] =	ssyncadd.s32 $0xFFFFFF80  }
0x72: {  	_ =	swait.ge [sflag:s10], $0x80  }
0x73: {  	[sflag:s10] =	ssyncset.done $0x0  }
0x74: {  	[sflag:s10] =	ssyncadd.s32 $0xFFFFFF80  }
0x75: {  	[tilespmem:s11], [sflag:$0x2] =	stream.indirect.gather [hbm4b:s1+s9], $0x80, s31, s9, $0xb8;
	[tilespmem:$0x1C000] =	vst v63  }
0x76: {  	[bflag:$0x0] =	sbarrier.arrive $0xFFFF  }
.LBB2_4:
0x77: {  	_ =	swait.ge [sflag:s12], $0x4000  }
0x78: {  	[sflag:s12] =	ssyncset.done $0x0  }
0x79: {  	[sflag:s12] =	ssyncadd.s32 $0xFFFFC000  }
0x7a: {  	[spmem:s3] =	stream.indirect.scatter.add.f32 [tilespmem:s4], [sflag:$0x7], $0x80, s30, s9, $0xb8;
	[tilespmem:$0x1C000] =	vst v63  }
0x7b: {  	_ =	swait.ge [sflag:s7], $0x4000  }
0x7c: {  	[sflag:s7] =	ssyncset.done $0x0  }
0x7d: {  	[sflag:s7] =	ssyncadd.s32 $0xFFFFC000  }
0x7e: {  	_ =	swait.ge [sflag:s14], $0x80  }
0x7f: {  	[sflag:s14] =	ssyncset.done $0x0  }
0x80: {  	[sflag:s14] =	ssyncadd.s32 $0xFFFFFF80  }
0x81: {  	_ =	swait.ge [sflag:s14], $0x80  }
0x82: {  	[sflag:s14] =	ssyncset.done $0x0  }
0x83: {  	p1 =	seq.s32 s24, $0x4C0;
	[sflag:s14] =	ssyncadd.s32 $0xFFFFFF80  }
0x84: {  	[tilespmem:s4], [sflag:$0x1] =	stream.indirect.gather [hbm4b:s1+s9], $0x80, s2, s9, $0xb8;
	[tilespmem:$0x1C000] =	vst v63  }
0x85: {  	s25 =	sadd.s32 @!p1 s24, s22;
	s29 =	simm.s32 @!p1 $0x0;
	s26 =	simm.s32 @!p1 $0x8000  }
0x86: {  	[tilespmem:s26], [sflag:$0x3] =	stream.linear.gather @!p1 [hbm4b:s25+s29], $0x80, $0x38;
	[tilespmem:$0x1C000] =	vst v63  }
0x87: {  	s28 =	simm.s32 @!p1 $0x8080;
	s25 =	sadd.s32 @!p1 s24, s23  }
0x88: {  	[tilespmem:s28], [sflag:$0x3] =	stream.linear.gather @!p1 [hbm4b:s25+s29], $0x80, $0x38;
	[tilespmem:$0x1C000] =	vst v63  }
0x89: {  	_ =	swait.ge [sflag:s15], $0x4000  }
0x8a: {  	[sflag:s15] =	ssyncset.done $0x0  }
0x8b: {  	[sflag:s15] =	ssyncadd.s32 $0xFFFFC000  }
0x8c: {  	[spmem:s3] =	stream.indirect.scatter.add.f32 [tilespmem:s11], [sflag:$0x7], $0x80, s0, s9, $0xb8;
	[tilespmem:$0x1C000] =	vst v63  }
0x8d: {  	_ =	swait.ge [sflag:s7], $0x4000  }
0x8e: {  	[sflag:s7] =	ssyncset.done $0x0  }
0x8f: {  	[sflag:s7] =	ssyncadd.s32 $0xFFFFC000  }
0x90: {  	_ =	swait.ge [sflag:s16], $0x80  }
0x91: {  	[sflag:s16] =	ssyncset.done $0x0  }
0x92: {  	[sflag:s16] =	ssyncadd.s32 $0xFFFFFF80  }
0x93: {  	_ =	swait.ge [sflag:s16], $0x80  }
0x94: {  	[sflag:s16] =	ssyncset.done $0x0  }
0x95: {  	s25 =	simm.s32 @p1 $0x1;
	[sflag:s16] =	ssyncadd.s32 $0xFFFFFF80  }
0x96: {  	[tilespmem:s11], [sflag:$0x2] =	stream.indirect.gather [hbm4b:s1+s9], $0x80, s5, s9, $0xb8;
	[tilespmem:$0x1C000] =	vst v63  }
0x97: {  	_ =	swait.ge @p1 [sflag:s25], $0x4000  }
0x98: {  	s13 =	simm.s32 @p1 $0x0;
	[sflag:s25] =	ssyncset.done @p1 $0x0  }
0x99: {  	s28 =	simm.s32 @p1 $0x8280;
	[sflag:s25] =	ssyncadd.s32 @p1 $0xFFFFC000;
	s25 =	simm.s32 @p1 $0x80  }
0x9a: {  	[spmem:s3] =	stream.indirect.scatter.add.f32 @p1 [tilespmem:s13], [sflag:$0x7], $0x80, s28, s25, $0xb8;
	[tilespmem:$0x1C000] =	vst v63  }
0x9b: {  	s13 =	simm.s32 @p1 $0x7  }
0x9c: {  	_ =	swait.ge @p1 [sflag:s13], $0x4000  }
0x9d: {  	s25 =	sadd.s32 @!p1 s24, s18;
	[sflag:s13] =	ssyncset.done @p1 $0x0  }
0x9e: {  	[sflag:s13] =	ssyncadd.s32 @p1 $0xFFFFC000;
	s13 =	sadd.s32 @!p1 $0x50, s25;
	s25 =	simm.s32 @!p1 $0x8100  }
0x9f: {  	[tilespmem:s25], [sflag:$0x4] =	stream.linear.gather @!p1 [hbm4b:s13+s29], $0x80, $0x38;
	[tilespmem:$0x1C000] =	vst v63  }
0xa0: {  	s13 =	sadd.s32 @!p1 s24, s19  }
0xa1: {  	s25 =	simm.s32 @!p1 $0x8180;
	s13 =	sadd.s32 @!p1 $0x50, s13  }
0xa2: {  	[tilespmem:s25], [sflag:$0x4] =	stream.linear.gather @!p1 [hbm4b:s13+s29], $0x80, $0x38;
	[tilespmem:$0x1C000] =	vst v63  }
0xa3: {  	s13 =	simm.s32 @!p1 $0x1  }
0xa4: {  	_ =	swait.ge @!p1 [sflag:s13], $0x4000  }
0xa5: {  	s28 =	simm.s32 @!p1 $0x7;
	[sflag:s13] =	ssyncset.done @!p1 $0x0  }
0xa6: {  	s25 =	simm.s32 @!p1 $0x8280;
	[sflag:s13] =	ssyncadd.s32 @!p1 $0xFFFFC000;
	s13 =	simm.s32 @!p1 $0x80  }
0xa7: {  	[spmem:s3] =	stream.indirect.scatter.add.f32 @!p1 [tilespmem:s29], [sflag:$0x7], $0x80, s25, s13, $0xb8;
	[tilespmem:$0x1C000] =	vst v63  }
0xa8: {  	_ =	swait.ge @!p1 [sflag:s28], $0x4000  }
0xa9: {  	[sflag:s28] =	ssyncset.done @!p1 $0x0  }
0xaa: {  	[sflag:s28] =	ssyncadd.s32 @!p1 $0xFFFFC000;
	s28 =	simm.s32 @!p1 $0x3  }
0xab: {  	_ =	swait.ge @!p1 [sflag:s28], $0x80  }
0xac: {  	[sflag:s28] =	ssyncset.done @!p1 $0x0  }
0xad: {  	[sflag:s28] =	ssyncadd.s32 @!p1 $0xFFFFFF80  }
0xae: {  	_ =	swait.ge @!p1 [sflag:s28], $0x80  }
0xaf: {  	[sflag:s28] =	ssyncset.done @!p1 $0x0  }
0xb0: {  	[sflag:s28] =	ssyncadd.s32 @!p1 $0xFFFFFF80  }
0xb1: {  	[tilespmem:s29], [sflag:$0x1] =	stream.indirect.gather @!p1 [hbm4b:s1+s13], $0x80, s26, s13, $0xb8;
	[tilespmem:$0x1C000] =	vst v63  }
0xb2: {  	s13 =	sadd.s32 @!p1 s24, s20;
	s26 =	simm.s32 @!p1 $0x8200  }
0xb3: {  	[tilespmem:s26], [sflag:$0x5] =	stream.linear.gather @!p1 [hbm4b:s13+s29], $0x80, $0x38;
	[tilespmem:$0x1C000] =	vst v63  }
0xb4: {  	s13 =	sadd.s32 @!p1 s24, s21  }
0xb5: {  	[tilespmem:s25], [sflag:$0x5] =	stream.linear.gather @!p1 [hbm4b:s13+s29], $0x80, $0x38;
	[tilespmem:$0x1C000] =	vst v63  }
0xb6: {  	_ =	swait.ge [sflag:s15], $0x4000  }
0xb7: {  	[sflag:s15] =	ssyncset.done $0x0  }
.Ltmp3:
0xb8: {  	[sflag:s15] =	ssyncadd.s32 $0xFFFFC000;
	(pc) =	sbr.rel @p1 .LBB2_6-.Ltmp3, $4  }
0xb9: {  	[spmem:s3] =	stream.indirect.scatter.add.f32 [tilespmem:s11], [sflag:$0x7], $0x80, s6, s9, $0xb8;
	[tilespmem:$0x1C000] =	vst v63  }
0xba: {  	_ =	swait.ge [sflag:s7], $0x4000  }
0xbb: {  	[sflag:s7] =	ssyncset.done $0x0  }
0xbc: {  	[sflag:s7] =	ssyncadd.s32 $0xFFFFC000  }
0xbd: {  	_ =	swait.ge [sflag:s10], $0x80  }
0xbe: {  	[sflag:s10] =	ssyncset.done $0x0  }
0xbf: {  	[sflag:s10] =	ssyncadd.s32 $0xFFFFFF80  }
0xc0: {  	_ =	swait.ge [sflag:s10], $0x80  }
0xc1: {  	[sflag:s10] =	ssyncset.done $0x0  }
0xc2: {  	[sflag:s10] =	ssyncadd.s32 $0xFFFFFF80  }
0xc3: {  	[tilespmem:s11], [sflag:$0x2] =	stream.indirect.gather [hbm4b:s1+s9], $0x80, s31, s9, $0xb8;
	[tilespmem:$0x1C000] =	vst v63  }
.Ltmp4:
0xc4: {  	s13 =	sadd.s32 s24, s18;
	(pc) =	sbr.rel .LBB2_4-.Ltmp4, $4  }
0xc5: {  	s29 =	sadd.s32 s24, s19;
	s13 =	sadd.s32 $0x70, s13  }
0xc6: {  	[tilespmem:s5], [sflag:$0x6] =	stream.linear.gather [hbm4b:s13+s4], $0x80, $0x38;
	[tilespmem:$0x1C000] =	vst v63  }
0xc7: {  	s24 =	sadd.s32 $0x40, s24;
	s13 =	sadd.s32 $0x70, s29  }
0xc8: {  	[tilespmem:s6], [sflag:$0x6] =	stream.linear.gather [hbm4b:s13+s4], $0x80, $0x38;
	[tilespmem:$0x1C000] =	vst v63  }
.LBB2_7:
0xc9: {  	_ =	sfence.sel $0x180000  }
0xca: {  	[bflag:$0x0] =	sbarrier.arrive $0xFFFF  }
0xcb: {  	_ =	strace $0x9000004D  }
0xcc: {  	s0 =	stileid.u32;
	[bflag:$0x2] =	sbarrier.arrive $0xFFFF  }
0xcd: {  	p0 =	sne.s32 s0, $0x0;
	s0 =	rddreg [dreg:$0x3]  }
0xce: {  	s0 =	sadd.s32 @!p0 $0x100000, s0  }
0xcf: {  	[sflag:s0] =	ssyncadd.tile.s32 @!p0 $0x1;
	_ =	shalt  }
.Lfunc_end2:
_tile_overlayer_lowered:
.L_overlay_start_2:
0xd0: {  	(tag) =	ssettag $0x2  }
0xd1: {  	s0 =	rddreg [dreg:$0x0];
	s2 =	stileid.u32  }
0xd2: {  	s1 =	rddreg [dreg:$0x1];
	p0 =	sne.s32 s2, $0x0  }
0xd3: {  	s3 =	rddreg [dreg:$0x2];
	[bflag:$0x3] =	sbarrier.arrive $0xFFFF;
	s2 =	simm.s32 @!p0 $0x1C07  }
0xd4: {  	[timem:s3], [sflag:s2] =	dma.local @!p0 [hbm:s0], s1  }
0xd5: {  	s0 =	simm.s32 @!p0 $0x7  }
0xd6: {  	_ =	swait.ge @!p0 [sflag:s0], s1  }
0xd7: {  	s1 =	ssub.s32 @!p0 $0x0, s1;
	[sflag:s0] =	ssyncset.done @!p0 $0x0  }
0xd8: {  	[sflag:s0] =	ssyncadd.s32 @!p0 s1  }
0xd9: {  	[bflag:$0x3] =	sbarrier.arrive $0xFFFF  }
0xda: {  	_ =	shalt  }

// kernel: kernel.8.cloned.1.call-start
scs
__scs_entry_jumppad:
0x0: {  	(pc) =	sbr.rel $0x88, $3  }
0x1: {  	(tag) =	ssettag $0x0;
	lr =	simm.s32 $0x1  }
0x2: {  	[smem:$0x3F96] =	sst lr;
	_ =	strace $0xD0000000  }
0x3: {  	_ = 	snop  }
0x4: {  	_ = 	snop  }
0x5: {  	_ = 	snop  }
0x6: {  	_ = 	snop  }
0x7: {  	_ = 	snop  }
__scs_overlays_trampoline_lowered:
0x8: {  	[smem:$0x3FA5] =	sst s0  }
0x9: {  	[smem:$0x3FA6] =	sst s1  }
0xa: {  	[smem:$0x3FA7] =	sst s2  }
0xb: {  	[smem:$0x3FA8] =	sst s3  }
0xc: {  	[smem:$0x3FA9] =	sst s4  }
0xd: {  	[smem:$0x3FAA] =	sst s5  }
0xe: {  	[smem:$0x3FAB] =	sst s6  }
0xf: {  	[smem:$0x3FAC] =	sst s7  }
0x10: {  	[smem:$0x3FAD] =	sst s8  }
0x11: {  	[smem:$0x3FAE] =	sst s9;
	s0 =	simm.s32 @!p0 $0x0  }
0x12: {  	s1 =	sld [smem:$0x3F94];
	s0 =	simm.s32 @p0 $0x1  }
0x13: {  	[smem:$0x3FAF] =	sst s0;
	s0 =	simm.s32 @!p1 $0x0  }
0x14: {  	s2 =	sld [smem:$0x3F93];
	s0 =	simm.s32 @p1 $0x1  }
0x15: {  	[smem:$0x3FB0] =	sst s0;
	s0 =	simm.s32 @!p2 $0x0  }
0x16: {  	s3 =	sld [smem:$0x3FDB];
	s0 =	simm.s32 @p2 $0x1  }
0x17: {  	s4 =	simm.s32 $0x1BF5;
	[smem:$0x3FB2] =	sst s0  }
0x18: {  	s0 =	sld [smem:$0x3F95];
	_ =	swait.ge [sflag:s4], $0x0  }
0x19: {  	s7 =	sld [smem:$0x3F96]  }
0x1a: {  	s8 =	sadd.s32 $0xFFFFE003, lr  }
0x1b: {  	s9 =	sadd.s32 $0xFFFFFEF7, lr;
	s5 =	simm.s32 $0xFFFFFFFF;
	p2 =	slt.u32 s8, $0xFFFFF086  }
0x1c: {  	p1 =	slt.u32 s9, $0xF7A;
	s5 =	simm.s32 @!p2 $0x0  }
0x1d: {  	s5 =	simm.s32 @p1 $0x1;
	p0 =	seq.s32 s7, s2  }
0x1e: {  	s7 =	smul.u32 @!p0 $0xF7A, s2;
	p2 =	seq.s32 @!p0 s5, $0x0  }
0x1f: {  	s9 =	smul.u32 $0xF7A, s1;
	s8 =	simm.s32 @!p0 $0x1BF5;
	p2 =	por !p2, p0  }
0x20: {  	[sflag:s8] =	ssyncset.s32 @!p0 $0xFFFFF086;
	s6 =	sadd.s32 @!p0 s3, s7;
	s7 =	simm.s32 @!p0 $0x108  }
0x21: {  	s3 =	sadd.s32 s3, s9;
	s6 =	sadd.s32 @!p0 $0x88, s6;
	s7 =	simm.s32 @p2 $0x1082  }
0x22: {  	[simem:s7], [sflag:s8] =	dma.local @!p0 [hbm:s6], $0xF7A  }
0x23: {  	s9 =	sor.u32 $0xD0000000, s2;
	s6 =	simm.s32 $0x108;
	_ =	swait.ge @!p0 [sflag:s8], $0x0  }
0x24: {  	s3 =	sadd.s32 $0x88, s3;
	s6 =	simm.s32 @!p1 $0x1082;
	[sflag:s4] =	ssyncset.s32 $0xFFFFF086  }
0x25: {  	[simem:s6], [sflag:s4] =	dma.local [hbm:s3], $0xF7A  }
0x26: {  	[smem:$0x3F96] =	sst s1;
	(tag) =	ssettag s2;
	_ =	strace s9  }
0x27: {  	s1 =	sld [smem:$0x3FA6]  }
0x28: {  	s2 =	sld [smem:$0x3FA7]  }
0x29: {  	s4 =	sld [smem:$0x3FA9]  }
0x2a: {  	p0 =	seq.s32 s5, $0x0;
	s5 =	sld [smem:$0x3FAA]  }
0x2b: {  	s6 =	sld [smem:$0x3FAB]  }
0x2c: {  	s7 =	sld [smem:$0x3FAC]  }
0x2d: {  	s3 =	simm.s32 $0x108;
	s8 =	sld [smem:$0x3FAD]  }
0x2e: {  	s3 =	simm.s32 @!p0 $0x1082;
	s9 =	sld [smem:$0x3FAE]  }
0x2f: {  	lr =	sadd.s32 s0, s3;
	s0 =	sld [smem:$0x3FA5]  }
0x30: {  	s3 =	sld [smem:$0x3FA8]  }
0x31: {  	[smem:$0x3FB1] =	sst s10  }
0x32: {  	s10 =	sld [smem:$0x3FAF];
	_ =	sdelay $0x3  }
0x33: {  	p0 =	seq.s32 s10, $0x1;
	s10 =	sld [smem:$0x3FB1];
	_ =	sdelay $0x3  }
0x34: {  	[smem:$0x3FB1] =	sst s10  }
0x35: {  	s10 =	sld [smem:$0x3FB0];
	_ =	sdelay $0x3  }
0x36: {  	p1 =	seq.s32 s10, $0x1;
	s10 =	sld [smem:$0x3FB1];
	_ =	sdelay $0x3  }
0x37: {  	[smem:$0x3FB1] =	sst s10  }
0x38: {  	s10 =	sld [smem:$0x3FB2]  }
0x39: {  	_ = 	snop;
	(pc) =	sbr.ind lr, $3  }
0x3a: {  	_ = 	snop  }
0x3b: {  	_ = 	snop  }
0x3c: {  	p2 =	seq.s32 s10, $0x1;
	s10 =	sld [smem:$0x3FB1]  }
0x3d: {  	_ =	shalt  }
0x3e: {  	_ =	shalt  }
0x3f: {  	_ =	shalt  }
0x40: {  	_ =	shalt  }
0x41: {  	_ =	shalt  }
0x42: {  	_ =	shalt  }
0x43: {  	_ =	shalt  }
0x44: {  	_ =	shalt  }
0x45: {  	_ =	shalt  }
0x46: {  	_ =	shalt  }
0x47: {  	_ =	shalt  }
0x48: {  	_ =	shalt  }
0x49: {  	_ =	shalt  }
0x4a: {  	_ =	shalt  }
0x4b: {  	_ =	shalt  }
0x4c: {  	_ =	shalt  }
0x4d: {  	_ =	shalt  }
0x4e: {  	_ =	shalt  }
0x4f: {  	_ =	shalt  }
0x50: {  	_ =	shalt  }
0x51: {  	_ =	shalt  }
0x52: {  	_ =	shalt  }
0x53: {  	_ =	shalt  }
0x54: {  	_ =	shalt  }
0x55: {  	_ =	shalt  }
0x56: {  	_ =	shalt  }
0x57: {  	_ =	shalt  }
0x58: {  	_ =	shalt  }
0x59: {  	_ =	shalt  }
0x5a: {  	_ =	shalt  }
0x5b: {  	_ =	shalt  }
0x5c: {  	_ =	shalt  }
0x5d: {  	_ =	shalt  }
0x5e: {  	_ =	shalt  }
0x5f: {  	_ =	shalt  }
0x60: {  	_ =	shalt  }
0x61: {  	_ =	shalt  }
0x62: {  	_ =	shalt  }
0x63: {  	_ =	shalt  }
0x64: {  	_ =	shalt  }
0x65: {  	_ =	shalt  }
0x66: {  	_ =	shalt  }
0x67: {  	_ =	shalt  }
0x68: {  	_ =	shalt  }
0x69: {  	_ =	shalt  }
0x6a: {  	_ =	shalt  }
0x6b: {  	_ =	shalt  }
0x6c: {  	_ =	shalt  }
0x6d: {  	_ =	shalt  }
0x6e: {  	_ =	shalt  }
0x6f: {  	_ =	shalt  }
0x70: {  	_ =	shalt  }
0x71: {  	_ =	shalt  }
0x72: {  	_ =	shalt  }
0x73: {  	_ =	shalt  }
0x74: {  	_ =	shalt  }
0x75: {  	_ =	shalt  }
0x76: {  	_ =	shalt  }
0x77: {  	_ =	shalt  }
0x78: {  	_ =	shalt  }
0x79: {  	_ =	shalt  }
0x7a: {  	_ =	shalt  }
0x7b: {  	_ =	shalt  }
0x7c: {  	_ =	shalt  }
0x7d: {  	_ =	shalt  }
0x7e: {  	_ =	shalt  }
0x7f: {  	_ =	shalt  }
0x80: {  	_ =	shalt  }
0x81: {  	_ =	shalt  }
0x82: {  	_ =	shalt  }
0x83: {  	_ =	shalt  }
0x84: {  	_ =	shalt  }
0x85: {  	_ =	shalt  }
0x86: {  	_ =	shalt  }
0x87: {  	_ =	shalt  }
.Lfunc_end0:
.L_simem_size_0:
called_computation_lowered:
.L_overlay_start_0:
0x88: {  	s2 =	sld [smem:$0x3FD9]  }
0x89: {  	s3 =	sld [smem:$0x3FFE];
	_ =	sdelay $0x1  }
0x8a: {  	s1 =	srdreg.scid  }
0x8b: {  	s0 =	sand.u32 $0x1, s1  }
0x8c: {  	s17 =	sshll.u32 s0, $0xA;
	s2 =	sadd.s32 s3, s2  }
0x8d: {  	s2 =	sadd.s32 s2, s17  }
0x8e: {  	[smem:$0x3FBD] =	sst s2  }
0x8f: {  	_ = 	snop  }
0x90: {  	s2 =	sld [smem:$0x3FC9]  }
0x91: {  	s18 =	sld [smem:$0x3FD0];
	(tm) =	ssettm $0x1  }
0x92: {  	s4 =	sld [smem:$0x3FFB];
	_ =	sdelay $0x3  }
0x93: {  	_ =	strace s4  }
0x94: {  	s4 =	sld [smem:$0x3FFC];
	_ =	sdelay $0x3  }
0x95: {  	_ =	strace s4  }
0x96: {  	s4 =	sld [smem:$0x3FFD];
	_ =	sdelay $0x3  }
0x97: {  	_ =	strace s4  }
0x98: {  	_ =	strace $0x8FFFFFFF  }
0x99: {  	s19 =	sld [smem:$0x3FDB];
	_ =	sdelay $0x1  }
0x9a: {  	s5 =	simm.s32 $_scs_section_size  }
0x9b: {  	s6 =	simm.s32 $_size__tile_overlayer_lowered;
	s7 =	simm.s32 $_tile_overlayer_lowered  }
0x9c: {  	s22 =	simm.s32 $0x1BFF;
	s21 =	sshll.u32 s7, $0x1;
	s4 =	sadd.s32 s5, s19  }
0x9d: {  	s8 =	simm.s32 $0x0;
	s20 =	sshll.u32 s6, $0x1;
	s6 =	sadd.s32 s21, s4  }
0x9e: {  	[timem:s8], [sflag:s22] =	dma.local [hbm:s6], s20  }
0x9f: {  	_ =	swait.ge [sflag:s22], s20  }
0xa0: {  	s5 =	ssub.s32 $0x0, s20;
	[sflag:s22] =	ssyncset.done $0x0  }
0xa1: {  	[sflag:s22] =	ssyncadd.s32 s5;
	_ =	sdelay $0x1  }
0xa2: {  	s23 =	simm.s32 $0x1B8B  }
0xa3: {  	_ =	swait.ge [sflag:s23], $0x1  }
0xa4: {  	[sflag:s23] =	ssyncset.done $0x0  }
0xa5: {  	s25 =	simm.s32 $0x1B8E;
	s24 =	sld [smem:$0x3FFE];
	[sflag:s23] =	ssyncadd.s32 $0xFFFFFFFF  }
0xa6: {  	s26 =	simm.s32 $execute0_lowered;
	[smem:$0x3FD2] =	sst s25  }
0xa7: {  	s6 =	sshll.u32 s26, $0x1;
	_ =	strace $0x80000046;
	[dreg:$0x1] =	wrdreg $0xFFFFFFFF  }
0xa8: {  	s28 =	simm.s32 $_size_execute0_lowered;
	s4 =	sadd.s32 s4, s6;
	[dreg:$0x0] =	wrdreg $0x0  }
0xa9: {  	s6 =	sshll.u32 s28, $0x1;
	[dreg:$0x2] =	wrdreg s4  }
0xaa: {  	[dreg:$0x3] =	wrdreg s6  }
0xab: {  	[dreg:$0x4] =	wrdreg $0xC0  }
0xac: {  	_ =	task [dreg:s8], $0x5FFFF  }
0xad: {  	[dreg:$0x1] =	wrdreg $0xFFFFFFFF  }
0xae: {  	[dreg:$0x0] =	wrdreg $0x60  }
0xaf: {  	[dreg:$0x2] =	wrdreg s2  }
0xb0: {  	[dreg:$0x3] =	wrdreg s24  }
0xb1: {  	[dreg:$0x4] =	wrdreg s18  }
0xb2: {  	[dreg:$0x5] =	wrdreg $0x84000  }
0xb3: {  	[dreg:$0x6] =	wrdreg $0x1C3000  }
0xb4: {  	[dreg:$0x7] =	wrdreg $0x9  }
0xb5: {  	_ =	task.clear_ibuf [dreg:s8], $0x8FFFF;
	_ =	strace $0x90000046  }
0xb6: {  	s29 =	simm.s32 $0x9;
	_ =	strace $0x80000048  }
0xb7: {  	_ =	swait.ge [sflag:s29], $0x1  }
0xb8: {  	[sflag:s29] =	ssyncadd.s32 $0xFFFFFFFF  }
0xb9: {  	_ =	strace $0x90000048  }
0xba: {  	_ =	sfence  }
0xbb: {  	s30 =	sld [smem:$0x0];
	_ =	sdelay $0x2  }
0xbc: {  	s31 =	sshll.u32 s1, $0xD;
	s1 =	sshrl.u32 s1, $0x2  }
0xbd: {  	s3 =	sand.u32 $0x4000, s31;
	s1 =	sadd.s32 s1, s30  }
0xbe: {  	s0 =	sor.u32 s3, s0;
	s1 =	sshll.u32 s1, $0x11  }
0xbf: {  	s0 =	sor.u32 s1, s0  }
0xc0: {  	s0 =	sadd.s32 $0x8F2B, s0  }
0xc1: {  	[sflag:s0] =	ssyncadd.remote.s32 $0x1  }
0xc2: {  	_ =	sfence.sel $0xFFFF  }
0xc3: {  	[dreg:$0x0] =	wrdreg $0xFFFFFFFF;
	(pc) =	sbr.abs _section_cstart, $3  }
0xc4: {  	[dreg:$0x1] =	wrdreg $0xFFFFFFFF  }
0xc5: {  	_ =	task.clear_ibuf [dreg:s8], $0x2FFFF;
	_ =	strace $0x9FFFFFFF  }
0xc6: {  	(tm) =	ssettm $0x7FFFFFFF  }
0xc7: {  	_ =	shalt  }
tec
execute0_lowered:
.L_overlay_start_1:
0x0: {  	(tag) =	ssettag $0x1  }
0x1: {  	s0 =	rddreg [dreg:$0x0]  }
0x2: {  	s1 =	rddreg [dreg:$0x1]  }
0x3: {  	s5 =	rddreg [dreg:$0x2]  }
0x4: {  	s2 =	rddreg [dreg:$0x3]  }
0x5: {  	s3 =	rddreg [dreg:$0x4];
	s4 =	simm.s32 $0x0;
	s22 =	stileid.u32  }
0x6: {  	s6 =	srdreg.scid;
	s28 =	simm.s32 $0x2;
	s31 =	smul.u32 $0x4F000, s22  }
0x7: {  	s29 =	simm.s32 $0x6;
	s30 =	simm.s32 $0x0;
	s13 =	smul.u32 $0x280, s22  }
0x8: {  	[smem:$0x7FF] =	sst s4;
	s6 =	sand.u32 $0x1, s6;
	s15 =	smul.u32 $0x13C00, s22  }
0x9: {  	s7 =	sshll.u32 s22, $0x1;
	s8 =	sadd.s32 $0x2C00, s1;
	s23 =	smul.u32 $0xA0, s22  }
0xa: {  	s10 =	sadd.s32 $0xCC00, s1;
	s1 =	sadd.s32 $0x16C00, s1;
	s19 =	smul.u32 $0x138800, s6  }
0xb: {  	p0 =	seq.s32 s22, $0xF;
	s22 =	simm.s32 $0x8000;
	s21 =	smul.u32 $0x2800, s6  }
0xc: {  	s9 =	ssub.s32 $0x2, s6;
	s7 =	sor.u32 s6, s7;
	s6 =	smul.u32 $0x50, s6  }
0xd: {  	s11 =	sshrl.u32 s9, $0x1;
	s7 =	smul.u32 $0x500, s7;
	s24 =	sshrl.u32 s31, $0x2  }
0xe: {  	s9 =	ssub.s32 s9, s11;
	s15 =	sadd.s32 s15, s19;
	s26 =	sshrl.u32 s19, $0x3  }
0xf: {  	s6 =	sadd.s32 s6, s23;
	s11 =	simm.s32 $0x7;
	s12 =	sadd.s32 s8, s7  }
0x10: {  	s17 =	sor.u32 $0x10, s7;
	s14 =	sadd.s32 s10, s7;
	s20 =	sor.u32 $0x20, s7  }
0x11: {  	s7 =	sor.u32 $0x30, s7;
	s15 =	sshrl.u32 s15, $0x3;
	[dreg:$0x6] =	wrdreg s12  }
0x12: {  	s6 =	sshll.u32 s6, $0x4;
	[dreg:$0x7] =	wrdreg s14;
	s18 =	sadd.s32 s8, s17  }
0x13: {  	s23 =	smax.u32 s9, $0x1;
	s12 =	sadd.s32 s10, s17;
	[dreg:$0x8] =	wrdreg s18  }
0x14: {  	s9 =	simm.s32 $0x8280;
	s16 =	sadd.s32 s8, s20;
	[dreg:$0x9] =	wrdreg s12  }
0x15: {  	s17 =	sadd.s32 s8, s7;
	s7 =	sadd.s32 s10, s7;
	[dreg:$0xa] =	wrdreg s16  }
0x16: {  	s25 =	sadd.s32 s1, s15;
	s1 =	sadd.s32 s1, s26;
	[dreg:$0xc] =	wrdreg s17  }
0x17: {  	s15 =	sadd.s32 s6, s8;
	s14 =	sadd.s32 s24, s2;
	[dreg:$0xd] =	wrdreg s7  }
0x18: {  	s12 =	sadd.s32 s10, s20;
	[dreg:$0xe] =	wrdreg s25;
	s17 =	sadd.s32 s6, s10  }
0x19: {  	s16 =	sadd.s32 s13, s3;
	[dreg:$0xb] =	wrdreg s12;
	s12 =	sadd.s32 s13, s21  }
0x1a: {  	s1 =	sadd.s32 $0x25080, s1;
	s24 =	sadd.s32 $0x4000, s14;
	s31 =	sshrl.u32 s12, $0x3  }
0x1b: {  	s25 =	sadd.s32 $0x8000, s14;
	s26 =	sadd.s32 $0xC000, s14;
	s5 =	sadd.s32 s5, s31  }
0x1c: {  	s7 =	simm.s32 $0x8180;
	s13 =	simm.s32 $0x80;
	[dreg:$0xf] =	wrdreg s5  }
0x1d: {  	s12 =	sor.u32 $0x60, s6;
	_ =	strace $0x80000047;
	[dreg:$0x11] =	wrdreg s16  }
0x1e: {  	s6 =	sor.u32 $0x40, s6;
	s18 =	sadd.s32 s12, s8;
	[dreg:$0x12] =	wrdreg s1  }
0x1f: {  	s19 =	sadd.s32 s12, s10;
	s20 =	sadd.s32 s6, s8;
	[dreg:$0x13] =	wrdreg s23  }
0x20: {  	s21 =	sadd.s32 s6, s10;
	s31 =	sadd.s32 $0x10000, s14;
	[dreg:$0x15] =	wrdreg s24  }
0x21: {  	s6 =	simm.s32 $0x8100;
	s8 =	simm.s32 $0x8200;
	[dreg:$0x16] =	wrdreg s25  }
.Ltmp0:
0x22: {  	s5 =	sadd.s32 $0x128400, s2;
	[dreg:$0x17] =	wrdreg s26;
	(pc) =	sbr.rel .LBB2_1-.Ltmp0, $4  }
0x23: {  	s10 =	simm.s32 $0x8300;
	s1 =	sshrl.u32 @p0 s5, $0x3;
	[dreg:$0x10] =	wrdreg s14  }
0x24: {  	[dreg:$0x18] =	wrdreg s31;
	s5 =	simm.s32 $0x8080;
	s14 =	simm.s32 $0x4  }
0x25: {  	s24 =	simm.s32 $0x4000;
	s25 =	simm.s32 $0x1;
	s26 =	simm.s32 $0x1C000  }
0x26: {  	v0 =	vimm.f32 $0.0e+00;
	v1 =	vimm.f32 $1.000000000e+00;
	s16 =	simm.s32 $0x5;
	[dreg:$0x14] =	wrdreg s1;
	s1 =	simm.s32 $0x8380  }
.LBB2_6:
0x27: {  	[bflag:$0x0] =	sbarrier.arrive $0xFFFF  }
0x28: {  	s22 =	rddreg [dreg:$0x12]  }
0x29: {  	s12 =	simm.s32 @p0 $0x1FC7;
	s23 =	rddreg [dreg:$0x14]  }
0x2a: {  	[hbm:s22], [sflag:s12] =	dma.local @p0 [spmem:s23], $0x2080  }
0x2b: {  	s12 =	simm.s32 @p0 $0x7  }
0x2c: {  	s30 =	stileid.u32;
	_ =	swait.ge @p0 [sflag:s12], $0x2080  }
0x2d: {  	s22 =	sshll.u32 @!p0 s30, $0x6;
	[sflag:s12] =	ssyncset.done @p0 $0x0  }
0x2e: {  	[sflag:s12] =	ssyncadd.s32 @p0 $0xFFFFDF80;
	s12 =	sor.u32 @!p0 $0x1C07, s22;
	s22 =	rddreg [dreg:$0x10]  }
0x2f: {  	s23 =	rddreg [dreg:$0xe];
	s22 =	sshrl.u32 @!p0 s22, $0x3  }
0x30: {  	[hbm:s23], [sflag:s12] =	dma.local @!p0 [spmem:s22], $0x2780  }
0x31: {  	s12 =	simm.s32 @!p0 $0x7  }
0x32: {  	_ =	swait.ge @!p0 [sflag:s12], $0x2780  }
0x33: {  	s31 =	sshll.u32 s30, $0x6;
	[sflag:s12] =	ssyncset.done @!p0 $0x0  }
0x34: {  	[sflag:s12] =	ssyncadd.s32 @!p0 $0xFFFFD880;
	s12 =	sor.u32 $0x1C07, s31;
	s31 =	rddreg [dreg:$0x11]  }
0x35: {  	s30 =	rddreg [dreg:$0xf];
	s22 =	sshrl.u32 s31, $0x3  }
0x36: {  	[hbm:s30], [sflag:s12] =	dma.local [spmem:s22], $0x50  }
0x37: {  	_ =	swait.ge [sflag:s11], $0x50  }
0x38: {  	s30 =	rddreg [dreg:$0x19]  }
0x39: {  	s31 =	rddreg [dreg:$0x13];
	s30 =	sadd.s32 $0x1, s30  }
0x3a: {  	p1 =	sne.s32 s30, s31  }
.Ltmp1:
0x3b: {  	_ = 	snop;
	(pc) =	sbr.rel @!p1 .LBB2_7-.Ltmp1, $3  }
0x3c: {  	_ =	sdelay $0x1  }
0x3d: {  	[sflag:s11] =	ssyncset.done $0x0  }
0x3e: {  	s23 =	stileid.u32;
	s22 =	simm.s32 $0x8000;
	[sflag:s11] =	ssyncadd.s32 $0xFFFFFFB0  }
.LBB2_1:
0x3f: {  	[dreg:$0x19] =	wrdreg s30  }
0x40: {  	s12 =	rddreg [dreg:$0x6]  }
0x41: {  	[tilespmem:s22], [sflag:$0x3] =	stream.linear.gather [hbm4b:s12+s4], $0x80, $0x38;
	[tilespmem:$0x1C580] =	vst v63  }
0x42: {  	s30 =	rddreg [dreg:$0x7]  }
0x43: {  	[tilespmem:s5], [sflag:$0x3] =	stream.linear.gather [hbm4b:s30+s4], $0x80, $0x38;
	[tilespmem:$0x1C580] =	vst v63  }
0x44: {  	s23 =	rddreg [dreg:$0x8]  }
0x45: {  	[tilespmem:s6], [sflag:$0x4] =	stream.linear.gather [hbm4b:s23+s4], $0x80, $0x38;
	[tilespmem:$0x1C580] =	vst v63  }
0x46: {  	s30 =	rddreg [dreg:$0x9]  }
0x47: {  	[tilespmem:s7], [sflag:$0x4] =	stream.linear.gather [hbm4b:s30+s4], $0x80, $0x38;
	[tilespmem:$0x1C580] =	vst v63  }
0x48: {  	s23 =	rddreg [dreg:$0xa]  }
0x49: {  	[tilespmem:s8], [sflag:$0x5] =	stream.linear.gather [hbm4b:s23+s4], $0x80, $0x38;
	[tilespmem:$0x1C580] =	vst v63  }
0x4a: {  	s30 =	rddreg [dreg:$0xb]  }
0x4b: {  	[tilespmem:s9], [sflag:$0x5] =	stream.linear.gather [hbm4b:s30+s4], $0x80, $0x38;
	[tilespmem:$0x1C580] =	vst v63  }
0x4c: {  	s23 =	rddreg [dreg:$0xc]  }
0x4d: {  	[tilespmem:s10], [sflag:$0x6] =	stream.linear.gather [hbm4b:s23+s4], $0x80, $0x38;
	[tilespmem:$0x1C580] =	vst v63  }
0x4e: {  	s31 =	simm.s32 $0x0;
	s30 =	rddreg [dreg:$0xd];
	s23 =	simm.s32 $0x200  }
0x4f: {  	[tilespmem:s1], [sflag:$0x6] =	stream.linear.gather [hbm4b:s30+s4], $0x80, $0x38;
	[tilespmem:$0x1C580] =	vst v63  }
.LBB2_2:
0x50: {  	p1 =	sne.s32 s23, $0xFE00;
	[tilespmem:s31+$0x70] =	vst v0  }
0x51: {  	[tilespmem:s31+$0x0] =	vst v0  }
0x52: {  	[tilespmem:s31+$0x10] =	vst v0  }
.Ltmp2:
0x53: {  	[tilespmem:s31+$0x20] =	vst v0;
	(pc) =	sbr.rel @p1 .LBB2_2-.Ltmp2, $4  }
0x54: {  	[tilespmem:s31+$0x30] =	vst v0  }
0x55: {  	[tilespmem:s31+$0x40] =	vst v0  }
0x56: {  	[tilespmem:s31+$0x50] =	vst v0  }
0x57: {  	[tilespmem:s31+$0x60] =	vst v0;
	s31 =	sshra.s32 s23, $0x2;
	s23 =	sadd.s32 $0x200, s23  }
0x58: {  	[tilespmem:s31+$0x70] =	vst v0  }
0x59: {  	[tilespmem:s31+$0x0] =	vst v0  }
0x5a: {  	[tilespmem:s31+$0x10] =	vst v0  }
0x5b: {  	[tilespmem:s31+$0x20] =	vst v0  }
0x5c: {  	[tilespmem:s31+$0x30] =	vst v0  }
0x5d: {  	[tilespmem:s31+$0x40] =	vst v0  }
0x5e: {  	[tilespmem:s31+$0x50] =	vst v0  }
0x5f: {  	[tilespmem:s31+$0x60] =	vst v0  }
0x60: {  	[tilespmem:$0x1C000] =	vst v1  }
0x61: {  	[tilespmem:$0x1C010] =	vst v1  }
0x62: {  	[tilespmem:$0x1C020] =	vst v1  }
0x63: {  	[tilespmem:$0x1C030] =	vst v1  }
0x64: {  	[tilespmem:$0x1C040] =	vst v1  }
0x65: {  	[tilespmem:$0x1C050] =	vst v1  }
0x66: {  	[tilespmem:$0x1C060] =	vst v1  }
0x67: {  	[tilespmem:$0x1C070] =	vst v1  }
0x68: {  	[tilespmem:$0x1C080] =	vst v0  }
0x69: {  	[tilespmem:$0x1C090] =	vst v0  }
0x6a: {  	[tilespmem:$0x1C0A0] =	vst v0  }
0x6b: {  	[tilespmem:$0x1C0B0] =	vst v0  }
0x6c: {  	[tilespmem:$0x1C0C0] =	vst v0  }
0x6d: {  	[tilespmem:$0x1C0D0] =	vst v0  }
0x6e: {  	[tilespmem:$0x1C0E0] =	vst v0  }
0x6f: {  	[tilespmem:$0x1C0F0] =	vst v0  }
0x70: {  	[tilespmem:$0x1C100] =	vst v0  }
0x71: {  	[tilespmem:$0x1C110] =	vst v0  }
0x72: {  	[tilespmem:$0x1C120] =	vst v0  }
0x73: {  	[tilespmem:$0x1C130] =	vst v0  }
0x74: {  	[tilespmem:$0x1C140] =	vst v0  }
0x75: {  	[tilespmem:$0x1C150] =	vst v0  }
0x76: {  	[tilespmem:$0x1C160] =	vst v0  }
0x77: {  	[tilespmem:$0x1C170] =	vst v0  }
0x78: {  	[tilespmem:$0x1C180] =	vst v0  }
0x79: {  	[tilespmem:$0x1C190] =	vst v0  }
0x7a: {  	[tilespmem:$0x1C1A0] =	vst v0  }
0x7b: {  	[tilespmem:$0x1C1B0] =	vst v0  }
0x7c: {  	[tilespmem:$0x1C1C0] =	vst v0  }
0x7d: {  	[tilespmem:$0x1C1D0] =	vst v0  }
0x7e: {  	[tilespmem:$0x1C1E0] =	vst v0  }
0x7f: {  	[tilespmem:$0x1C1F0] =	vst v0  }
0x80: {  	[tilespmem:$0x1C200] =	vst v0  }
0x81: {  	[tilespmem:$0x1C210] =	vst v0  }
0x82: {  	[tilespmem:$0x1C220] =	vst v0  }
0x83: {  	[tilespmem:$0x1C230] =	vst v0  }
0x84: {  	[tilespmem:$0x1C240] =	vst v0  }
0x85: {  	[tilespmem:$0x1C250] =	vst v0  }
0x86: {  	[tilespmem:$0x1C260] =	vst v0  }
0x87: {  	[tilespmem:$0x1C270] =	vst v0  }
0x88: {  	[tilespmem:$0x1C280] =	vst v0  }
0x89: {  	[tilespmem:$0x1C290] =	vst v0  }
0x8a: {  	[tilespmem:$0x1C2A0] =	vst v0  }
0x8b: {  	[tilespmem:$0x1C2B0] =	vst v0  }
0x8c: {  	[tilespmem:$0x1C2C0] =	vst v0  }
0x8d: {  	[tilespmem:$0x1C2D0] =	vst v0  }
0x8e: {  	[tilespmem:$0x1C2E0] =	vst v0  }
0x8f: {  	s31 =	simm.s32 $0x0;
	s12 =	rddreg [dreg:$0x10];
	[tilespmem:$0x1C2F0] =	vst v0  }
0x90: {  	[spmem:s12] =	stream.linear.scatter [tilespmem:s31], [sflag:$0x7], $0x4000, $0x38;
	[tilespmem:$0x1C580] =	vst v63  }
0x91: {  	_ =	swait.ge [sflag:s11], $0x4000  }
0x92: {  	[sflag:s11] =	ssyncset.done $0x0  }
0x93: {  	s30 =	rddreg [dreg:$0x15];
	[sflag:s11] =	ssyncadd.s32 $0xFFFFC000  }
0x94: {  	[spmem:s30] =	stream.linear.scatter [tilespmem:s31], [sflag:$0x7], $0x4000, $0x38;
	[tilespmem:$0x1C580] =	vst v63  }
0x95: {  	_ =	swait.ge [sflag:s11], $0x4000  }
0x96: {  	[sflag:s11] =	ssyncset.done $0x0  }
0x97: {  	s23 =	rddreg [dreg:$0x16];
	[sflag:s11] =	ssyncadd.s32 $0xFFFFC000  }
0x98: {  	[spmem:s23] =	stream.linear.scatter [tilespmem:s31], [sflag:$0x7], $0x4000, $0x38;
	[tilespmem:$0x1C580] =	vst v63  }
0x99: {  	_ =	swait.ge [sflag:s11], $0x4000  }
0x9a: {  	[sflag:s11] =	ssyncset.done $0x0  }
0x9b: {  	s30 =	rddreg [dreg:$0x17];
	[sflag:s11] =	ssyncadd.s32 $0xFFFFC000  }
0x9c: {  	[spmem:s30] =	stream.linear.scatter [tilespmem:s31], [sflag:$0x7], $0x4000, $0x38;
	[tilespmem:$0x1C580] =	vst v63  }
0x9d: {  	_ =	swait.ge [sflag:s11], $0x4000  }
0x9e: {  	[sflag:s11] =	ssyncset.done $0x0  }
0x9f: {  	s23 =	rddreg [dreg:$0x18];
	[sflag:s11] =	ssyncadd.s32 $0xFFFFC000  }
0xa0: {  	[spmem:s23] =	stream.linear.scatter [tilespmem:s31], [sflag:$0x7], $0x3C00, $0x38;
	[tilespmem:$0x1C580] =	vst v63  }
0xa1: {  	_ =	swait.ge [sflag:s11], $0x3C00  }
0xa2: {  	[sflag:s11] =	ssyncset.done $0x0  }
0xa3: {  	s23 =	simm.s32 $0x1C080;
	s30 =	rddreg [dreg:$0x11];
	[sflag:s11] =	ssyncadd.s32 $0xFFFFC400  }
0xa4: {  	[spmem:s30] =	stream.linear.scatter [tilespmem:s23], [sflag:$0x7], $0x280, $0x38;
	[tilespmem:$0x1C580] =	vst v63  }
0xa5: {  	_ =	swait.ge [sflag:s11], $0x280  }
0xa6: {  	[sflag:s11] =	ssyncset.done $0x0  }
0xa7: {  	s30 =	simm.s32 $0x3;
	[sflag:s11] =	ssyncadd.s32 $0xFFFFFD80  }
0xa8: {  	_ =	swait.ge [sflag:s30], $0x80  }
0xa9: {  	[sflag:s30] =	ssyncset.done $0x0  }
0xaa: {  	[sflag:s30] =	ssyncadd.s32 $0xFFFFFF80  }
0xab: {  	_ =	swait.ge [sflag:s30], $0x80  }
0xac: {  	[sflag:s30] =	ssyncset.done $0x0  }
0xad: {  	[sflag:s30] =	ssyncadd.s32 $0xFFFFFF80  }
0xae: {  	[tilespmem:s31], [sflag:$0x1] =	stream.indirect.gather [hbm4b:s0+s13], $0x80, s22, s13, $0xb8;
	[tilespmem:$0x1C580] =	vst v63  }
0xaf: {  	_ =	swait.ge [sflag:s14], $0x80  }
0xb0: {  	[sflag:s14] =	ssyncset.done $0x0  }
0xb1: {  	[sflag:s14] =	ssyncadd.s32 $0xFFFFFF80  }
0xb2: {  	_ =	swait.ge [sflag:s14], $0x80  }
0xb3: {  	[sflag:s14] =	ssyncset.done $0x0  }
0xb4: {  	[sflag:s14] =	ssyncadd.s32 $0xFFFFFF80  }
0xb5: {  	[tilespmem:s24], [sflag:$0x2] =	stream.indirect.gather [hbm4b:s0+s13], $0x80, s6, s13, $0xb8;
	[tilespmem:$0x1C580] =	vst v63  }
0xb6: {  	[bflag:$0x0] =	sbarrier.arrive $0xFFFF  }
.LBB2_4:
0xb7: {  	_ =	swait.ge [sflag:s25], $0x4000  }
0xb8: {  	[sflag:s25] =	ssyncset.done $0x0  }
0xb9: {  	[sflag:s25] =	ssyncadd.s32 $0xFFFFC000  }
0xba: {  	[spmem:s2] =	stream.indirect.scatter.add.f32 [tilespmem:s4], [sflag:$0x7], $0x80, s5, s13, $0xb8;
	[tilespmem:$0x1C580] =	vst v63  }
0xbb: {  	_ =	swait.ge [sflag:s11], $0x4000  }
0xbc: {  	[sflag:s11] =	ssyncset.done $0x0  }
0xbd: {  	[sflag:s11] =	ssyncadd.s32 $0xFFFFC000  }
0xbe: {  	[spmem:s3] =	stream.indirect.scatter.add.f32 [tilespmem:s26], [sflag:$0x7], $0x1, s5, s13, $0xb8;
	[tilespmem:$0x1C580] =	vst v63  }
0xbf: {  	_ =	swait.ge [sflag:s11], $0x80  }
0xc0: {  	[sflag:s11] =	ssyncset.done $0x0  }
0xc1: {  	[sflag:s11] =	ssyncadd.s32 $0xFFFFFF80  }
0xc2: {  	_ =	swait.ge [sflag:s16], $0x80  }
0xc3: {  	[sflag:s16] =	ssyncset.done $0x0  }
0xc4: {  	[sflag:s16] =	ssyncadd.s32 $0xFFFFFF80  }
0xc5: {  	_ =	swait.ge [sflag:s16], $0x80  }
0xc6: {  	[sflag:s16] =	ssyncset.done $0x0  }
0xc7: {  	p1 =	seq.s32 s31, $0x4C0;
	[sflag:s16] =	ssyncadd.s32 $0xFFFFFF80  }
0xc8: {  	[tilespmem:s4], [sflag:$0x1] =	stream.indirect.gather [hbm4b:s0+s13], $0x80, s8, s13, $0xb8;
	[tilespmem:$0x1C580] =	vst v63  }
0xc9: {  	s23 =	sadd.s32 @!p1 s31, s20;
	s22 =	simm.s32 @!p1 $0x0;
	s12 =	simm.s32 @!p1 $0x8000  }
0xca: {  	[tilespmem:s12], [sflag:$0x3] =	stream.linear.gather @!p1 [hbm4b:s23+s22], $0x80, $0x38;
	[tilespmem:$0x1C580] =	vst v63  }
0xcb: {  	s30 =	simm.s32 @!p1 $0x8080;
	s23 =	sadd.s32 @!p1 s31, s21  }
0xcc: {  	[tilespmem:s30], [sflag:$0x3] =	stream.linear.gather @!p1 [hbm4b:s23+s22], $0x80, $0x38;
	[tilespmem:$0x1C580] =	vst v63  }
0xcd: {  	_ =	swait.ge [sflag:s28], $0x4000  }
0xce: {  	[sflag:s28] =	ssyncset.done $0x0  }
0xcf: {  	[sflag:s28] =	ssyncadd.s32 $0xFFFFC000  }
0xd0: {  	[spmem:s2] =	stream.indirect.scatter.add.f32 [tilespmem:s24], [sflag:$0x7], $0x80, s7, s13, $0xb8;
	[tilespmem:$0x1C580] =	vst v63  }
0xd1: {  	_ =	swait.ge [sflag:s11], $0x4000  }
0xd2: {  	[sflag:s11] =	ssyncset.done $0x0  }
0xd3: {  	[sflag:s11] =	ssyncadd.s32 $0xFFFFC000  }
0xd4: {  	[spmem:s3] =	stream.indirect.scatter.add.f32 [tilespmem:s26], [sflag:$0x7], $0x1, s7, s13, $0xb8;
	[tilespmem:$0x1C580] =	vst v63  }
0xd5: {  	_ =	swait.ge [sflag:s11], $0x80  }
0xd6: {  	[sflag:s11] =	ssyncset.done $0x0  }
0xd7: {  	[sflag:s11] =	ssyncadd.s32 $0xFFFFFF80  }
0xd8: {  	_ =	swait.ge [sflag:s29], $0x80  }
0xd9: {  	[sflag:s29] =	ssyncset.done $0x0  }
0xda: {  	[sflag:s29] =	ssyncadd.s32 $0xFFFFFF80  }
0xdb: {  	_ =	swait.ge [sflag:s29], $0x80  }
0xdc: {  	[sflag:s29] =	ssyncset.done $0x0  }
0xdd: {  	s23 =	sadd.s32 @!p1 s31, s15;
	[sflag:s29] =	ssyncadd.s32 $0xFFFFFF80  }
0xde: {  	[tilespmem:s24], [sflag:$0x2] =	stream.indirect.gather [hbm4b:s0+s13], $0x80, s10, s13, $0xb8;
	[tilespmem:$0x1C580] =	vst v63  }
0xdf: {  	s30 =	simm.s32 @!p1 $0x8100;
	s23 =	sadd.s32 @!p1 $0x50, s23  }
0xe0: {  	[tilespmem:s30], [sflag:$0x4] =	stream.linear.gather @!p1 [hbm4b:s23+s22], $0x80, $0x38;
	[tilespmem:$0x1C580] =	vst v63  }
0xe1: {  	s23 =	sadd.s32 @!p1 s31, s17  }
0xe2: {  	s30 =	simm.s32 @!p1 $0x8180;
	s23 =	sadd.s32 @!p1 $0x50, s23  }
0xe3: {  	[tilespmem:s30], [sflag:$0x4] =	stream.linear.gather @!p1 [hbm4b:s23+s22], $0x80, $0x38;
	[tilespmem:$0x1C580] =	vst v63  }
0xe4: {  	_ =	swait.ge [sflag:s25], $0x4000  }
0xe5: {  	[sflag:s25] =	ssyncset.done $0x0  }
0xe6: {  	[sflag:s25] =	ssyncadd.s32 $0xFFFFC000  }
0xe7: {  	[spmem:s2] =	stream.indirect.scatter.add.f32 [tilespmem:s4], [sflag:$0x7], $0x80, s9, s13, $0xb8;
	[tilespmem:$0x1C580] =	vst v63  }
0xe8: {  	_ =	swait.ge [sflag:s11], $0x4000  }
0xe9: {  	[sflag:s11] =	ssyncset.done $0x0  }
0xea: {  	[sflag:s11] =	ssyncadd.s32 $0xFFFFC000  }
0xeb: {  	[spmem:s3] =	stream.indirect.scatter.add.f32 [tilespmem:s26], [sflag:$0x7], $0x1, s9, s13, $0xb8;
	[tilespmem:$0x1C580] =	vst v63  }
0xec: {  	_ =	swait.ge [sflag:s11], $0x80  }
0xed: {  	[sflag:s11] =	ssyncset.done $0x0  }
0xee: {  	s23 =	simm.s32 @!p1 $0x3;
	[sflag:s11] =	ssyncadd.s32 $0xFFFFFF80  }
0xef: {  	_ =	swait.ge @!p1 [sflag:s23], $0x80  }
0xf0: {  	[sflag:s23] =	ssyncset.done @!p1 $0x0  }
0xf1: {  	[sflag:s23] =	ssyncadd.s32 @!p1 $0xFFFFFF80  }
0xf2: {  	_ =	swait.ge @!p1 [sflag:s23], $0x80  }
0xf3: {  	[sflag:s23] =	ssyncset.done @!p1 $0x0  }
0xf4: {  	[sflag:s23] =	ssyncadd.s32 @!p1 $0xFFFFFF80;
	s23 =	simm.s32 @!p1 $0x80  }
0xf5: {  	[tilespmem:s22], [sflag:$0x1] =	stream.indirect.gather @!p1 [hbm4b:s0+s23], $0x80, s12, s23, $0xb8;
	[tilespmem:$0x1C580] =	vst v63  }
0xf6: {  	s12 =	sadd.s32 @!p1 s31, s18;
	s23 =	simm.s32 @!p1 $0x8200  }
0xf7: {  	[tilespmem:s23], [sflag:$0x5] =	stream.linear.gather @!p1 [hbm4b:s12+s22], $0x80, $0x38;
	[tilespmem:$0x1C580] =	vst v63  }
0xf8: {  	s12 =	sadd.s32 @!p1 s31, s19;
	s23 =	simm.s32 @!p1 $0x8280  }
0xf9: {  	[tilespmem:s23], [sflag:$0x5] =	stream.linear.gather @!p1 [hbm4b:s12+s22], $0x80, $0x38;
	[tilespmem:$0x1C580] =	vst v63  }
0xfa: {  	_ =	swait.ge [sflag:s28], $0x4000  }
0xfb: {  	[sflag:s28] =	ssyncset.done $0x0  }
0xfc: {  	[sflag:s28] =	ssyncadd.s32 $0xFFFFC000  }
0xfd: {  	[spmem:s2] =	stream.indirect.scatter.add.f32 [tilespmem:s24], [sflag:$0x7], $0x80, s1, s13, $0xb8;
	[tilespmem:$0x1C580] =	vst v63  }
0xfe: {  	_ =	swait.ge [sflag:s11], $0x4000  }
0xff: {  	[sflag:s11] =	ssyncset.done $0x0  }
.Ltmp3:
0x100: {  	[sflag:s11] =	ssyncadd.s32 $0xFFFFC000;
	(pc) =	sbr.rel @p1 .LBB2_6-.Ltmp3, $4  }
0x101: {  	[spmem:s3] =	stream.indirect.scatter.add.f32 [tilespmem:s26], [sflag:$0x7], $0x1, s1, s13, $0xb8;
	[tilespmem:$0x1C580] =	vst v63  }
0x102: {  	_ =	swait.ge [sflag:s11], $0x80  }
0x103: {  	[sflag:s11] =	ssyncset.done $0x0  }
0x104: {  	[sflag:s11] =	ssyncadd.s32 $0xFFFFFF80  }
0x105: {  	_ =	swait.ge [sflag:s14], $0x80  }
0x106: {  	[sflag:s14] =	ssyncset.done $0x0  }
0x107: {  	[sflag:s14] =	ssyncadd.s32 $0xFFFFFF80  }
0x108: {  	_ =	swait.ge [sflag:s14], $0x80  }
0x109: {  	[sflag:s14] =	ssyncset.done $0x0  }
0x10a: {  	[sflag:s14] =	ssyncadd.s32 $0xFFFFFF80  }
0x10b: {  	[tilespmem:s24], [sflag:$0x2] =	stream.indirect.gather [hbm4b:s0+s13], $0x80, s6, s13, $0xb8;
	[tilespmem:$0x1C580] =	vst v63  }
.Ltmp4:
0x10c: {  	s12 =	sadd.s32 s31, s15;
	(pc) =	sbr.rel .LBB2_4-.Ltmp4, $4  }
0x10d: {  	s30 =	sadd.s32 s31, s17;
	s12 =	sadd.s32 $0x70, s12  }
0x10e: {  	[tilespmem:s10], [sflag:$0x6] =	stream.linear.gather [hbm4b:s12+s4], $0x80, $0x38;
	[tilespmem:$0x1C580] =	vst v63  }
0x10f: {  	s31 =	sadd.s32 $0x40, s31;
	s12 =	sadd.s32 $0x70, s30  }
0x110: {  	[tilespmem:s1], [sflag:$0x6] =	stream.linear.gather [hbm4b:s12+s4], $0x80, $0x38;
	[tilespmem:$0x1C580] =	vst v63  }
.LBB2_7:
0x111: {  	_ =	sfence.sel $0x180000  }
0x112: {  	[bflag:$0x0] =	sbarrier.arrive $0xFFFF  }
0x113: {  	_ =	strace $0x90000047  }
0x114: {  	[bflag:$0x2] =	sbarrier.arrive $0xFFFF  }
0x115: {  	p0 =	sne.s32 s23, $0x0;
	s0 =	rddreg [dreg:$0x5]  }
0x116: {  	s0 =	sadd.s32 @!p0 $0x100000, s0  }
0x117: {  	[sflag:s0] =	ssyncadd.tile.s32 @!p0 $0x1;
	_ =	shalt  }
.Lfunc_end2:
_tile_overlayer_lowered:
.L_overlay_start_2:
0x118: {  	(tag) =	ssettag $0x2  }
0x119: {  	s0 =	rddreg [dreg:$0x0];
	s2 =	stileid.u32  }
0x11a: {  	s1 =	rddreg [dreg:$0x1];
	p0 =	sne.s32 s2, $0x0  }
0x11b: {  	s3 =	rddreg [dreg:$0x2];
	[bflag:$0x3] =	sbarrier.arrive $0xFFFF;
	s2 =	simm.s32 @!p0 $0x1C07  }
0x11c: {  	[timem:s3], [sflag:s2] =	dma.local @!p0 [hbm:s0], s1  }
0x11d: {  	s0 =	simm.s32 @!p0 $0x7  }
0x11e: {  	_ =	swait.ge @!p0 [sflag:s0], s1  }
0x11f: {  	s1 =	ssub.s32 @!p0 $0x0, s1;
	[sflag:s0] =	ssyncset.done @!p0 $0x0  }
0x120: {  	[sflag:s0] =	ssyncadd.s32 @!p0 s1  }
0x121: {  	[bflag:$0x3] =	sbarrier.arrive $0xFFFF  }
0x122: {  	_ =	shalt  }

</sc_bundles>
